<compile_context>
chip_gen: v7x
topology: tpu7x:2x2x1
jax: 0.10.2.dev20260603
libtpu: 0.0.44.dev20260713+nightly
codegen_flags: <defaults>
</compile_context>

<pallas_src>
import functools

import jax
import jax.numpy as jnp
from jax import lax
from jax.experimental import pallas as pl
from jax.experimental.pallas import tpu as pltpu
from jax.experimental.pallas import tpu_sc as plsc

N = 10000
NP = 10240
DIN = 128
DH = 32
DOUT = 20
E = 320000
EPRIME = E + N
NEG_SLOPE = 0.2

NC = 2
NS = 16
CHUNK = 6400
EP = 332800
HALF = EP // NC

f32 = jnp.float32


def _make_sc_gat(F: int):
    FP1 = F + 1
    K = -(-F // NS)
    DTID = F % NS
    ACCN = K + 1
    mesh = plsc.VectorSubcoreMesh(
        core_axis_name="c", subcore_axis_name="s", num_cores=NC,
        num_subcores=NS)

    def body(src_hbm, dst_hbm, big_hbm, out_hbm, ea1, er1, ea2, er2, *rest):
        xcols = rest[:K]
        src_v = rest[K:K + 2]
        dst_v = rest[K + 2:K + 4]
        in_sem, acc = rest[K + 4:]
        cid = lax.axis_index("c")
        tid = lax.axis_index("s")
        is_denom = tid == DTID
        dmask = jnp.broadcast_to(is_denom, (16,))

        pltpu.sync_copy(big_hbm.at[F + 0], ea1)
        pltpu.sync_copy(big_hbm.at[F + 1], er1)
        pltpu.sync_copy(big_hbm.at[F + 2], ea2)
        pltpu.sync_copy(big_hbm.at[F + 3], er2)
        cols = [tid + NS * k for k in range(K)]
        colbase = [jnp.where(c < F, k * NP, K * NP)
                   for k, c in enumerate(cols)]
        for k in range(K):
            row = jnp.where(cols[k] < F, cols[k], F + 4)
            pltpu.sync_copy(big_hbm.at[row], xcols[k])
        for seg in range(ACCN):
            pltpu.sync_copy(big_hbm.at[F + 4], acc.at[pl.ds(seg * NP, NP)])

        nsteps = CHUNK // 16
        nchunks = HALF // CHUNK

        def issue_in(c, b):
            off = cid * HALF + c * CHUNK
            pltpu.async_copy(src_hbm.at[pl.ds(off, CHUNK)], src_v[b],
                             in_sem[b])
            pltpu.async_copy(dst_hbm.at[pl.ds(off, CHUNK)], dst_v[b],
                             in_sem[b])

        def wait_in(c, b):
            off = cid * HALF + c * CHUNK
            pltpu.make_async_copy(src_hbm.at[pl.ds(off, CHUNK)], src_v[b],
                                  in_sem[b]).wait()
            pltpu.make_async_copy(dst_hbm.at[pl.ds(off, CHUNK)], dst_v[b],
                                  in_sem[b]).wait()

        issue_in(0, 0)

        def pair(gp, carry):
            for b in range(2):
                c = 2 * gp + b

                @pl.when(c + 1 < nchunks)
                def _():
                    issue_in(c + 1, 1 - b)

                wait_in(c, b)

                def step(i, c2):
                    sl = pl.ds(i * 16, 16)
                    s = src_v[b][sl]
                    d = dst_v[b][sl]
                    p = plsc.load_gather(ea1, [s])
                    q = plsc.load_gather(er1, [d])
                    r = plsc.load_gather(ea2, [s])
                    t = plsc.load_gather(er2, [d])
                    w = jnp.maximum(p * q, r * t)
                    for k in range(K):
                        xv = plsc.load_gather(xcols[k], [s])
                        plsc.addupdate_scatter(acc, [d + colbase[k]], xv * w)
                    plsc.addupdate_scatter(acc, [d + K * NP], w, mask=dmask)
                    return c2

                lax.fori_loop(0, nsteps, step, 0, unroll=8)

            return carry

        lax.fori_loop(0, nchunks // 2, pair, 0)

        for k in range(K):
            @pl.when(cols[k] < F)
            def _():
                pltpu.sync_copy(acc.at[pl.ds(k * NP, NP)],
                                out_hbm.at[cid, cols[k]])

        @pl.when(tid == DTID)
        def _():
            fcol = tid + (F - DTID)
            pltpu.sync_copy(acc.at[pl.ds(K * NP, NP)],
                            out_hbm.at[cid, fcol])

    return pl.kernel(
        body,
        out_type=jax.ShapeDtypeStruct((NC, FP1, NP), f32),
        mesh=mesh,
        compiler_params=pltpu.CompilerParams(needs_layout_passes=False),
        scratch_types=[
            pltpu.VMEM((NP,), f32),
            pltpu.VMEM((NP,), f32),
            pltpu.VMEM((NP,), f32),
            pltpu.VMEM((NP,), f32),
            *[pltpu.VMEM((NP,), f32) for _ in range(K)],
            *[pltpu.VMEM((CHUNK,), jnp.int32) for _ in range(2)],
            *[pltpu.VMEM((CHUNK,), jnp.int32) for _ in range(2)],
            [pltpu.SemaphoreType.DMA, pltpu.SemaphoreType.DMA],
            pltpu.VMEM((ACCN * NP,), f32),
        ],
    )


_sc_gat1 = _make_sc_gat(DH)
_sc_gat2 = _make_sc_gat(DOUT)


def _tc1_body(xp_ref, w0_ref, b0_ref, wl_ref, wr_ref, atl_ref, atr_ref,
              big_ref, sm0_ref):
    xp = xp_ref[...]
    dn = (((1,), (1,)), ((), ()))
    xlT = lax.dot_general(wl_ref[...], xp, dn, preferred_element_type=f32)
    xrT = lax.dot_general(wr_ref[...], xp, dn, preferred_element_type=f32)
    dn0 = (((1,), (0,)), ((), ()))
    al = lax.dot_general(atl_ref[...], xlT, dn0, preferred_element_type=f32)
    ar = lax.dot_general(atr_ref[...], xrT, dn0, preferred_element_type=f32)
    zeros = jnp.zeros((-(-(DH + 5) // 8) * 8 - DH - 4, NP), f32)
    big_ref[...] = jnp.concatenate(
        [xlT, jnp.exp(al), jnp.exp(ar),
         jnp.exp(NEG_SLOPE * al), jnp.exp(NEG_SLOPE * ar), zeros], axis=0)

    s0T = lax.dot_general(w0_ref[...], xp, dn, preferred_element_type=f32)
    s0T = s0T + b0_ref[...]
    colid = lax.broadcasted_iota(jnp.int32, (DOUT, NP), 1)
    s0T = jnp.where(colid < N, s0T, -jnp.inf)
    m = jnp.max(s0T, axis=1, keepdims=True)
    ex = jnp.exp(s0T - m)
    sm0_ref[...] = ex / jnp.sum(ex, axis=1, keepdims=True)


_tc1 = pl.pallas_call(
    _tc1_body,
    out_shape=(jax.ShapeDtypeStruct((-(-(DH + 5) // 8) * 8, NP), f32),
               jax.ShapeDtypeStruct((DOUT, NP), f32)),
)


def _tc2_body(acc_ref, b1_ref, wl_ref, wr_ref, atl_ref, atr_ref, big_ref):
    a = acc_ref[0] + acc_ref[1]
    h = a[0:DH, :] / (a[DH:DH + 1, :] + 1e-16) + b1_ref[...]
    h = jnp.maximum(h, 0.0)
    dn = (((1,), (0,)), ((), ()))
    xlT = lax.dot_general(wl_ref[...], h, dn, preferred_element_type=f32)
    xrT = lax.dot_general(wr_ref[...], h, dn, preferred_element_type=f32)
    al = lax.dot_general(atl_ref[...], xlT, dn, preferred_element_type=f32)
    ar = lax.dot_general(atr_ref[...], xrT, dn, preferred_element_type=f32)
    zeros = jnp.zeros((-(-(DOUT + 5) // 8) * 8 - DOUT - 4, NP), f32)
    big_ref[...] = jnp.concatenate(
        [xlT, jnp.exp(al), jnp.exp(ar),
         jnp.exp(NEG_SLOPE * al), jnp.exp(NEG_SLOPE * ar), zeros], axis=0)


_tc2 = pl.pallas_call(
    _tc2_body,
    out_shape=jax.ShapeDtypeStruct((-(-(DOUT + 5) // 8) * 8, NP), f32),
)


def _tc3_body(acc_ref, b2_ref, sm0_ref, out_ref):
    a = acc_ref[0] + acc_ref[1]
    g = a[0:DOUT, :] / (a[DOUT:DOUT + 1, :] + 1e-16) + b2_ref[...]
    m = jnp.max(g, axis=0, keepdims=True)
    ex = jnp.exp(g - m)
    s1 = ex / jnp.sum(ex, axis=0, keepdims=True)
    out_ref[...] = sm0_ref[...] * s1


_tc3 = pl.pallas_call(
    _tc3_body,
    out_shape=jax.ShapeDtypeStruct((DOUT, NP), f32),
)


def kernel(x, edges, W0, b0, Wl1, Wr1, attl1, attr1, bias1,
           Wl2, Wr2, attl2, attr2, bias2):
    xp = jnp.pad(x, ((0, NP - N), (0, 0)))
    loop = jnp.arange(N, dtype=jnp.int32)
    padi = jnp.full((EP - EPRIME,), N, jnp.int32)
    src = jnp.concatenate([edges[0], loop, padi])
    dst = jnp.concatenate([edges[1], loop, padi])

    big1, sm0T = _tc1(xp, W0, b0.reshape(DOUT, 1), Wl1, Wr1,
                      attl1.reshape(1, DH), attr1.reshape(1, DH))
    acc1 = _sc_gat1(src, dst, big1)
    big2 = _tc2(acc1, bias1.reshape(DH, 1), Wl2, Wr2,
                attl2.reshape(1, DOUT), attr2.reshape(1, DOUT))
    acc2 = _sc_gat2(src, dst, big2)
    milT = _tc3(acc2, bias2.reshape(DOUT, 1), sm0T)
    return milT[:, :N].T

# --- scband reference (transcript-rebuilt; emitter-appended) ---
"""Pipeline reference for scband-mil-outputs-44736379355483 (READ-ONLY COPY).

The authoritative reference and input builder live on the scoring server;
editing this copy changes nothing except your own understanding.
"""

import jax, jax.numpy as jnp
import numpy as np

N = 10000
E = 320000
DIN = 128
DH = 32   # dim_in // 4
DOUT = 20


def setup_inputs(seed: int = 0) -> dict:
    key = jax.random.key(seed)
    ks = jax.random.split(key, 16)
    x = jax.random.normal(ks[0], (N, DIN), dtype=jnp.float32)
    edges = jax.random.randint(ks[1], (2, E), 0, N, dtype=jnp.int32)
    # mil_score0 linear: init.normal_(std=0.01), bias 0
    W0 = jax.random.normal(ks[2], (DOUT, DIN), dtype=jnp.float32) * 0.01
    b0 = jnp.zeros((DOUT,), dtype=jnp.float32)
    # GAT layer 1 (dim_in -> dim_in//4), glorot-ish scale
    s1 = 1.0 / np.sqrt(DIN)
    Wl1 = jax.random.normal(ks[3], (DH, DIN), dtype=jnp.float32) * s1
    Wr1 = jax.random.normal(ks[4], (DH, DIN), dtype=jnp.float32) * s1
    attl1 = jax.random.normal(ks[5], (DH,), dtype=jnp.float32) * (1.0 / np.sqrt(DH))
    attr1 = jax.random.normal(ks[6], (DH,), dtype=jnp.float32) * (1.0 / np.sqrt(DH))
    bias1 = jnp.zeros((DH,), dtype=jnp.float32)
    # GAT layer 2 (dim_in//4 -> dim_out)
    s2 = 1.0 / np.sqrt(DH)
    Wl2 = jax.random.normal(ks[7], (DOUT, DH), dtype=jnp.float32) * s2
    Wr2 = jax.random.normal(ks[8], (DOUT, DH), dtype=jnp.float32) * s2
    attl2 = jax.random.normal(ks[9], (DOUT,), dtype=jnp.float32) * (1.0 / np.sqrt(DOUT))
    attr2 = jax.random.normal(ks[10], (DOUT,), dtype=jnp.float32) * (1.0 / np.sqrt(DOUT))
    bias2 = jnp.zeros((DOUT,), dtype=jnp.float32)
    return {"x": x, "edges": edges, "W0": W0, "b0": b0,
            "Wl1": Wl1, "Wr1": Wr1, "attl1": attl1, "attr1": attr1, "bias1": bias1,
            "Wl2": Wl2, "Wr2": Wr2, "attl2": attl2, "attr2": attr2, "bias2": bias2}


def _gat_conv(x, src, dst, Wl, Wr, att_l, att_r, bias, n_nodes):
    # PyG GATConv (heads=1, concat) with add_self_loops=True, negative_slope=0.2
    xl = x @ Wl.T  # source transform [N, F]
    xr = x @ Wr.T  # target transform [N, F]
    al = jnp.sum(xl * att_l, axis=-1)  # [N]
    ar = jnp.sum(xr * att_r, axis=-1)  # [N]
    e = al[src] + ar[dst]              # [E']
    e = jnp.where(e > 0, e, 0.2 * e)   # leaky_relu(0.2)
    # segment softmax over incoming edges of each dst node
    emax = jax.ops.segment_max(e, dst, num_segments=n_nodes)
    emax = jnp.where(jnp.isfinite(emax), emax, 0.0)
    emax = jax.lax.stop_gradient(emax)
    ee = jnp.exp(e - emax[dst])
    denom = jax.ops.segment_sum(ee, dst, num_segments=n_nodes)
    alpha = ee / (denom[dst] + 1e-16)
    out = jax.ops.segment_sum(xl[src] * alpha[:, None], dst, num_segments=n_nodes)
    return out + bias


def reference(x, edges, W0, b0, Wl1, Wr1, attl1, attr1, bias1, Wl2, Wr2, attl2, attr2, bias2):
    n_nodes = x.shape[0]
    # add self-loops once (PyG default)
    loop = jnp.arange(n_nodes, dtype=edges.dtype)
    src = jnp.concatenate([edges[0], loop])
    dst = jnp.concatenate([edges[1], loop])
    # mil_score0 branch
    s0 = x @ W0.T + b0
    # mil_score1 branch: GAT_NET = gat1 -> relu -> gat2 -> log_softmax(dim=1)
    h = _gat_conv(x, src, dst, Wl1, Wr1, attl1, attr1, bias1, n_nodes)
    h = jax.nn.relu(h)
    h = _gat_conv(h, src, dst, Wl2, Wr2, attl2, attr2, bias2, n_nodes)
    s1 = jax.nn.log_softmax(h, axis=1)
    mil_score = jax.nn.softmax(s0, axis=0) * jax.nn.softmax(s1, axis=1)
    return mil_score

if __name__ == "__main__":
    import jax
    _d = setup_inputs()
    print(jax.jit(kernel)(*tuple(_d.values())))

</pallas_src>

<mosaic_0001>
#map = affine_map<(d0, d1) -> (0)>
#map1 = affine_map<(d0, d1) -> (0, 0)>
#map2 = affine_map<(d0, d1) -> (0, 0, 0)>
module attributes {stable_mosaic.version = 14 : i64} {
  func.func @body(%arg0: i32, %arg1: i32, %arg2: memref<332800xi32, #tpu.memory_space<hbm>>, %arg3: memref<332800xi32, #tpu.memory_space<hbm>>, %arg4: memref<40x10240xf32, #tpu.memory_space<hbm>>, %arg5: memref<2x33x10240xf32, #tpu.memory_space<hbm>>, %arg6: memref<10240xf32, #tpu.memory_space<vmem>>, %arg7: memref<10240xf32, #tpu.memory_space<vmem>>, %arg8: memref<10240xf32, #tpu.memory_space<vmem>>, %arg9: memref<10240xf32, #tpu.memory_space<vmem>>, %arg10: memref<10240xf32, #tpu.memory_space<vmem>>, %arg11: memref<10240xf32, #tpu.memory_space<vmem>>, %arg12: memref<6400xi32, #tpu.memory_space<vmem>>, %arg13: memref<6400xi32, #tpu.memory_space<vmem>>, %arg14: memref<6400xi32, #tpu.memory_space<vmem>>, %arg15: memref<6400xi32, #tpu.memory_space<vmem>>, %arg16: memref<!tpu.dma_semaphore, #tpu.memory_space<semaphore_mem>>, %arg17: memref<!tpu.dma_semaphore, #tpu.memory_space<semaphore_mem>>, %arg18: memref<30720xf32, #tpu.memory_space<vmem>>) attributes {dimension_semantics = [#tpu.dimension_semantics<core_parallel>, #tpu.dimension_semantics<subcore_parallel>], iteration_bounds = array<i64: 2, 16>, scalar_prefetch = 0 : i64, scratch_operands = 13 : i64, tpu.core_type = #tpu.core_type<sc_vector_subcore>, window_params = [{transform_indices = #map}, {transform_indices = #map}, {transform_indices = #map1}, {transform_indices = #map2}]} {
    %eq3A = arith.constant 0 : i32
    %eq3A_0 = arith.cmpi eq, %arg1, %eq3A : i32
    %broadcast_in_dim3A = vector.broadcast %eq3A_0 : i1 to vector<16xi1>
    %run_scoped3A = arith.constant 32 : i32
    "tpu.region"() ({
      %run_scoped3A_49 = tpu.sem_alloc : memref<!tpu.dma_semaphore, #tpu.memory_space<semaphore_mem>>
      %dma_start3A_50 = arith.constant 0 : i32
      %dma_start3A_51 = tpu.memref_slice %arg4[%run_scoped3A, %dma_start3A_50] : memref<40x10240xf32, #tpu.memory_space<hbm>> -> memref<1x10240xf32, #tpu.memory_space<hbm>>
      %dma_start3A_52 = tpu.memref_squeeze %dma_start3A_51 : memref<1x10240xf32, #tpu.memory_space<hbm>> -> memref<10240xf32, #tpu.memory_space<hbm>>
      %dma_start3A_53 = arith.constant 0 : i32
      %dma_start3A_54 = tpu.memref_slice %arg4[%run_scoped3A, %dma_start3A_53] : memref<40x10240xf32, #tpu.memory_space<hbm>> -> memref<1x10240xf32, #tpu.memory_space<hbm>>
      %dma_start3A_55 = tpu.memref_squeeze %dma_start3A_54 : memref<1x10240xf32, #tpu.memory_space<hbm>> -> memref<10240xf32, #tpu.memory_space<hbm>>
      tpu.enqueue_dma source(%dma_start3A_55 : memref<10240xf32, #tpu.memory_space<hbm>>) target(%arg6 : memref<10240xf32, #tpu.memory_space<vmem>>) target_semaphore(%run_scoped3A_49 : memref<!tpu.dma_semaphore, #tpu.memory_space<semaphore_mem>>)
      %dma_wait3A = arith.constant 0 : i32
      %dma_wait3A_56 = tpu.memref_slice %arg4[%run_scoped3A, %dma_wait3A] : memref<40x10240xf32, #tpu.memory_space<hbm>> -> memref<1x10240xf32, #tpu.memory_space<hbm>>
      %dma_wait3A_57 = tpu.memref_squeeze %dma_wait3A_56 : memref<1x10240xf32, #tpu.memory_space<hbm>> -> memref<10240xf32, #tpu.memory_space<hbm>>
      %dma_wait3A_58 = arith.constant 0 : i32
      %dma_wait3A_59 = tpu.memref_slice %arg4[%run_scoped3A, %dma_wait3A_58] : memref<40x10240xf32, #tpu.memory_space<hbm>> -> memref<1x10240xf32, #tpu.memory_space<hbm>>
      %dma_wait3A_60 = tpu.memref_squeeze %dma_wait3A_59 : memref<1x10240xf32, #tpu.memory_space<hbm>> -> memref<10240xf32, #tpu.memory_space<hbm>>
      tpu.wait_dma2 semaphore(%run_scoped3A_49 : memref<!tpu.dma_semaphore, #tpu.memory_space<semaphore_mem>>) src(%dma_wait3A_60 : memref<10240xf32, #tpu.memory_space<hbm>>) dst(%arg6 : memref<10240xf32, #tpu.memory_space<vmem>>)
      tpu.yield
    }) : () -> ()
    %run_scoped3A_1 = arith.constant 33 : i32
    "tpu.region"() ({
      %run_scoped3A_49 = tpu.sem_alloc : memref<!tpu.dma_semaphore, #tpu.memory_space<semaphore_mem>>
      %dma_start3A_50 = arith.constant 0 : i32
      %dma_start3A_51 = tpu.memref_slice %arg4[%run_scoped3A_1, %dma_start3A_50] : memref<40x10240xf32, #tpu.memory_space<hbm>> -> memref<1x10240xf32, #tpu.memory_space<hbm>>
      %dma_start3A_52 = tpu.memref_squeeze %dma_start3A_51 : memref<1x10240xf32, #tpu.memory_space<hbm>> -> memref<10240xf32, #tpu.memory_space<hbm>>
      %dma_start3A_53 = arith.constant 0 : i32
      %dma_start3A_54 = tpu.memref_slice %arg4[%run_scoped3A_1, %dma_start3A_53] : memref<40x10240xf32, #tpu.memory_space<hbm>> -> memref<1x10240xf32, #tpu.memory_space<hbm>>
      %dma_start3A_55 = tpu.memref_squeeze %dma_start3A_54 : memref<1x10240xf32, #tpu.memory_space<hbm>> -> memref<10240xf32, #tpu.memory_space<hbm>>
      tpu.enqueue_dma source(%dma_start3A_55 : memref<10240xf32, #tpu.memory_space<hbm>>) target(%arg7 : memref<10240xf32, #tpu.memory_space<vmem>>) target_semaphore(%run_scoped3A_49 : memref<!tpu.dma_semaphore, #tpu.memory_space<semaphore_mem>>)
      %dma_wait3A = arith.constant 0 : i32
      %dma_wait3A_56 = tpu.memref_slice %arg4[%run_scoped3A_1, %dma_wait3A] : memref<40x10240xf32, #tpu.memory_space<hbm>> -> memref<1x10240xf32, #tpu.memory_space<hbm>>
      %dma_wait3A_57 = tpu.memref_squeeze %dma_wait3A_56 : memref<1x10240xf32, #tpu.memory_space<hbm>> -> memref<10240xf32, #tpu.memory_space<hbm>>
      %dma_wait3A_58 = arith.constant 0 : i32
      %dma_wait3A_59 = tpu.memref_slice %arg4[%run_scoped3A_1, %dma_wait3A_58] : memref<40x10240xf32, #tpu.memory_space<hbm>> -> memref<1x10240xf32, #tpu.memory_space<hbm>>
      %dma_wait3A_60 = tpu.memref_squeeze %dma_wait3A_59 : memref<1x10240xf32, #tpu.memory_space<hbm>> -> memref<10240xf32, #tpu.memory_space<hbm>>
      tpu.wait_dma2 semaphore(%run_scoped3A_49 : memref<!tpu.dma_semaphore, #tpu.memory_space<semaphore_mem>>) src(%dma_wait3A_60 : memref<10240xf32, #tpu.memory_space<hbm>>) dst(%arg7 : memref<10240xf32, #tpu.memory_space<vmem>>)
      tpu.yield
    }) : () -> ()
    %run_scoped3A_2 = arith.constant 34 : i32
    "tpu.region"() ({
      %run_scoped3A_49 = tpu.sem_alloc : memref<!tpu.dma_semaphore, #tpu.memory_space<semaphore_mem>>
      %dma_start3A_50 = arith.constant 0 : i32
      %dma_start3A_51 = tpu.memref_slice %arg4[%run_scoped3A_2, %dma_start3A_50] : memref<40x10240xf32, #tpu.memory_space<hbm>> -> memref<1x10240xf32, #tpu.memory_space<hbm>>
      %dma_start3A_52 = tpu.memref_squeeze %dma_start3A_51 : memref<1x10240xf32, #tpu.memory_space<hbm>> -> memref<10240xf32, #tpu.memory_space<hbm>>
      %dma_start3A_53 = arith.constant 0 : i32
      %dma_start3A_54 = tpu.memref_slice %arg4[%run_scoped3A_2, %dma_start3A_53] : memref<40x10240xf32, #tpu.memory_space<hbm>> -> memref<1x10240xf32, #tpu.memory_space<hbm>>
      %dma_start3A_55 = tpu.memref_squeeze %dma_start3A_54 : memref<1x10240xf32, #tpu.memory_space<hbm>> -> memref<10240xf32, #tpu.memory_space<hbm>>
      tpu.enqueue_dma source(%dma_start3A_55 : memref<10240xf32, #tpu.memory_space<hbm>>) target(%arg8 : memref<10240xf32, #tpu.memory_space<vmem>>) target_semaphore(%run_scoped3A_49 : memref<!tpu.dma_semaphore, #tpu.memory_space<semaphore_mem>>)
      %dma_wait3A = arith.constant 0 : i32
      %dma_wait3A_56 = tpu.memref_slice %arg4[%run_scoped3A_2, %dma_wait3A] : memref<40x10240xf32, #tpu.memory_space<hbm>> -> memref<1x10240xf32, #tpu.memory_space<hbm>>
      %dma_wait3A_57 = tpu.memref_squeeze %dma_wait3A_56 : memref<1x10240xf32, #tpu.memory_space<hbm>> -> memref<10240xf32, #tpu.memory_space<hbm>>
      %dma_wait3A_58 = arith.constant 0 : i32
      %dma_wait3A_59 = tpu.memref_slice %arg4[%run_scoped3A_2, %dma_wait3A_58] : memref<40x10240xf32, #tpu.memory_space<hbm>> -> memref<1x10240xf32, #tpu.memory_space<hbm>>
      %dma_wait3A_60 = tpu.memref_squeeze %dma_wait3A_59 : memref<1x10240xf32, #tpu.memory_space<hbm>> -> memref<10240xf32, #tpu.memory_space<hbm>>
      tpu.wait_dma2 semaphore(%run_scoped3A_49 : memref<!tpu.dma_semaphore, #tpu.memory_space<semaphore_mem>>) src(%dma_wait3A_60 : memref<10240xf32, #tpu.memory_space<hbm>>) dst(%arg8 : memref<10240xf32, #tpu.memory_space<vmem>>)
      tpu.yield
    }) : () -> ()
    %run_scoped3A_3 = arith.constant 35 : i32
    "tpu.region"() ({
      %run_scoped3A_49 = tpu.sem_alloc : memref<!tpu.dma_semaphore, #tpu.memory_space<semaphore_mem>>
      %dma_start3A_50 = arith.constant 0 : i32
      %dma_start3A_51 = tpu.memref_slice %arg4[%run_scoped3A_3, %dma_start3A_50] : memref<40x10240xf32, #tpu.memory_space<hbm>> -> memref<1x10240xf32, #tpu.memory_space<hbm>>
      %dma_start3A_52 = tpu.memref_squeeze %dma_start3A_51 : memref<1x10240xf32, #tpu.memory_space<hbm>> -> memref<10240xf32, #tpu.memory_space<hbm>>
      %dma_start3A_53 = arith.constant 0 : i32
      %dma_start3A_54 = tpu.memref_slice %arg4[%run_scoped3A_3, %dma_start3A_53] : memref<40x10240xf32, #tpu.memory_space<hbm>> -> memref<1x10240xf32, #tpu.memory_space<hbm>>
      %dma_start3A_55 = tpu.memref_squeeze %dma_start3A_54 : memref<1x10240xf32, #tpu.memory_space<hbm>> -> memref<10240xf32, #tpu.memory_space<hbm>>
      tpu.enqueue_dma source(%dma_start3A_55 : memref<10240xf32, #tpu.memory_space<hbm>>) target(%arg9 : memref<10240xf32, #tpu.memory_space<vmem>>) target_semaphore(%run_scoped3A_49 : memref<!tpu.dma_semaphore, #tpu.memory_space<semaphore_mem>>)
      %dma_wait3A = arith.constant 0 : i32
      %dma_wait3A_56 = tpu.memref_slice %arg4[%run_scoped3A_3, %dma_wait3A] : memref<40x10240xf32, #tpu.memory_space<hbm>> -> memref<1x10240xf32, #tpu.memory_space<hbm>>
      %dma_wait3A_57 = tpu.memref_squeeze %dma_wait3A_56 : memref<1x10240xf32, #tpu.memory_space<hbm>> -> memref<10240xf32, #tpu.memory_space<hbm>>
      %dma_wait3A_58 = arith.constant 0 : i32
      %dma_wait3A_59 = tpu.memref_slice %arg4[%run_scoped3A_3, %dma_wait3A_58] : memref<40x10240xf32, #tpu.memory_space<hbm>> -> memref<1x10240xf32, #tpu.memory_space<hbm>>
      %dma_wait3A_60 = tpu.memref_squeeze %dma_wait3A_59 : memref<1x10240xf32, #tpu.memory_space<hbm>> -> memref<10240xf32, #tpu.memory_space<hbm>>
      tpu.wait_dma2 semaphore(%run_scoped3A_49 : memref<!tpu.dma_semaphore, #tpu.memory_space<semaphore_mem>>) src(%dma_wait3A_60 : memref<10240xf32, #tpu.memory_space<hbm>>) dst(%arg9 : memref<10240xf32, #tpu.memory_space<vmem>>)
      tpu.yield
    }) : () -> ()
    %add3A = arith.constant 0 : i32
    %add3A_4 = arith.addi %arg1, %add3A : i32
    %add3A_5 = arith.constant 16 : i32
    %add3A_6 = arith.addi %arg1, %add3A_5 : i32
    %lt3A = arith.constant 32 : i32
    %lt3A_7 = arith.cmpi slt, %add3A_4, %lt3A : i32
    %jit3A = arith.constant 0 : i32
    %jit3A_8 = arith.constant 20480 : i32
    %select_n3A = arith.select %lt3A_7, %jit3A, %jit3A_8 : i32
    %lt3A_9 = arith.constant 32 : i32
    %lt3A_10 = arith.cmpi slt, %add3A_6, %lt3A_9 : i32
    %jit3A_11 = arith.constant 10240 : i32
    %jit3A_12 = arith.constant 20480 : i32
    %select_n3A_13 = arith.select %lt3A_10, %jit3A_11, %jit3A_12 : i32
    %lt3A_14 = arith.constant 32 : i32
    %lt3A_15 = arith.cmpi slt, %add3A_4, %lt3A_14 : i32
    %jit3A_16 = arith.constant 36 : i32
    %select_n3A_17 = arith.select %lt3A_15, %add3A_4, %jit3A_16 : i32
    "tpu.region"() ({
      %run_scoped3A_49 = tpu.sem_alloc : memref<!tpu.dma_semaphore, #tpu.memory_space<semaphore_mem>>
      %dma_start3A_50 = arith.constant 0 : i32
      %dma_start3A_51 = tpu.memref_slice %arg4[%select_n3A_17, %dma_start3A_50] : memref<40x10240xf32, #tpu.memory_space<hbm>> -> memref<1x10240xf32, #tpu.memory_space<hbm>>
      %dma_start3A_52 = tpu.memref_squeeze %dma_start3A_51 : memref<1x10240xf32, #tpu.memory_space<hbm>> -> memref<10240xf32, #tpu.memory_space<hbm>>
      %dma_start3A_53 = arith.constant 0 : i32
      %dma_start3A_54 = tpu.memref_slice %arg4[%select_n3A_17, %dma_start3A_53] : memref<40x10240xf32, #tpu.memory_space<hbm>> -> memref<1x10240xf32, #tpu.memory_space<hbm>>
      %dma_start3A_55 = tpu.memref_squeeze %dma_start3A_54 : memref<1x10240xf32, #tpu.memory_space<hbm>> -> memref<10240xf32, #tpu.memory_space<hbm>>
      tpu.enqueue_dma source(%dma_start3A_55 : memref<10240xf32, #tpu.memory_space<hbm>>) target(%arg10 : memref<10240xf32, #tpu.memory_space<vmem>>) target_semaphore(%run_scoped3A_49 : memref<!tpu.dma_semaphore, #tpu.memory_space<semaphore_mem>>)
      %dma_wait3A = arith.constant 0 : i32
      %dma_wait3A_56 = tpu.memref_slice %arg4[%select_n3A_17, %dma_wait3A] : memref<40x10240xf32, #tpu.memory_space<hbm>> -> memref<1x10240xf32, #tpu.memory_space<hbm>>
      %dma_wait3A_57 = tpu.memref_squeeze %dma_wait3A_56 : memref<1x10240xf32, #tpu.memory_space<hbm>> -> memref<10240xf32, #tpu.memory_space<hbm>>
      %dma_wait3A_58 = arith.constant 0 : i32
      %dma_wait3A_59 = tpu.memref_slice %arg4[%select_n3A_17, %dma_wait3A_58] : memref<40x10240xf32, #tpu.memory_space<hbm>> -> memref<1x10240xf32, #tpu.memory_space<hbm>>
      %dma_wait3A_60 = tpu.memref_squeeze %dma_wait3A_59 : memref<1x10240xf32, #tpu.memory_space<hbm>> -> memref<10240xf32, #tpu.memory_space<hbm>>
      tpu.wait_dma2 semaphore(%run_scoped3A_49 : memref<!tpu.dma_semaphore, #tpu.memory_space<semaphore_mem>>) src(%dma_wait3A_60 : memref<10240xf32, #tpu.memory_space<hbm>>) dst(%arg10 : memref<10240xf32, #tpu.memory_space<vmem>>)
      tpu.yield
    }) : () -> ()
    %lt3A_18 = arith.constant 32 : i32
    %lt3A_19 = arith.cmpi slt, %add3A_6, %lt3A_18 : i32
    %jit3A_20 = arith.constant 36 : i32
    %select_n3A_21 = arith.select %lt3A_19, %add3A_6, %jit3A_20 : i32
    "tpu.region"() ({
      %run_scoped3A_49 = tpu.sem_alloc : memref<!tpu.dma_semaphore, #tpu.memory_space<semaphore_mem>>
      %dma_start3A_50 = arith.constant 0 : i32
      %dma_start3A_51 = tpu.memref_slice %arg4[%select_n3A_21, %dma_start3A_50] : memref<40x10240xf32, #tpu.memory_space<hbm>> -> memref<1x10240xf32, #tpu.memory_space<hbm>>
      %dma_start3A_52 = tpu.memref_squeeze %dma_start3A_51 : memref<1x10240xf32, #tpu.memory_space<hbm>> -> memref<10240xf32, #tpu.memory_space<hbm>>
      %dma_start3A_53 = arith.constant 0 : i32
      %dma_start3A_54 = tpu.memref_slice %arg4[%select_n3A_21, %dma_start3A_53] : memref<40x10240xf32, #tpu.memory_space<hbm>> -> memref<1x10240xf32, #tpu.memory_space<hbm>>
      %dma_start3A_55 = tpu.memref_squeeze %dma_start3A_54 : memref<1x10240xf32, #tpu.memory_space<hbm>> -> memref<10240xf32, #tpu.memory_space<hbm>>
      tpu.enqueue_dma source(%dma_start3A_55 : memref<10240xf32, #tpu.memory_space<hbm>>) target(%arg11 : memref<10240xf32, #tpu.memory_space<vmem>>) target_semaphore(%run_scoped3A_49 : memref<!tpu.dma_semaphore, #tpu.memory_space<semaphore_mem>>)
      %dma_wait3A = arith.constant 0 : i32
      %dma_wait3A_56 = tpu.memref_slice %arg4[%select_n3A_21, %dma_wait3A] : memref<40x10240xf32, #tpu.memory_space<hbm>> -> memref<1x10240xf32, #tpu.memory_space<hbm>>
      %dma_wait3A_57 = tpu.memref_squeeze %dma_wait3A_56 : memref<1x10240xf32, #tpu.memory_space<hbm>> -> memref<10240xf32, #tpu.memory_space<hbm>>
      %dma_wait3A_58 = arith.constant 0 : i32
      %dma_wait3A_59 = tpu.memref_slice %arg4[%select_n3A_21, %dma_wait3A_58] : memref<40x10240xf32, #tpu.memory_space<hbm>> -> memref<1x10240xf32, #tpu.memory_space<hbm>>
      %dma_wait3A_60 = tpu.memref_squeeze %dma_wait3A_59 : memref<1x10240xf32, #tpu.memory_space<hbm>> -> memref<10240xf32, #tpu.memory_space<hbm>>
      tpu.wait_dma2 semaphore(%run_scoped3A_49 : memref<!tpu.dma_semaphore, #tpu.memory_space<semaphore_mem>>) src(%dma_wait3A_60 : memref<10240xf32, #tpu.memory_space<hbm>>) dst(%arg11 : memref<10240xf32, #tpu.memory_space<vmem>>)
      tpu.yield
    }) : () -> ()
    %run_scoped3A_22 = arith.constant 36 : i32
    "tpu.region"() ({
      %run_scoped3A_49 = tpu.sem_alloc : memref<!tpu.dma_semaphore, #tpu.memory_space<semaphore_mem>>
      %dma_start3A_50 = arith.constant 0 : i32
      %dma_start3A_51 = tpu.memref_slice %arg18[%dma_start3A_50] : memref<30720xf32, #tpu.memory_space<vmem>> -> memref<10240xf32, #tpu.memory_space<vmem>>
      %dma_start3A_52 = arith.constant 0 : i32
      %dma_start3A_53 = tpu.memref_slice %arg4[%run_scoped3A_22, %dma_start3A_52] : memref<40x10240xf32, #tpu.memory_space<hbm>> -> memref<1x10240xf32, #tpu.memory_space<hbm>>
      %dma_start3A_54 = tpu.memref_squeeze %dma_start3A_53 : memref<1x10240xf32, #tpu.memory_space<hbm>> -> memref<10240xf32, #tpu.memory_space<hbm>>
      %dma_start3A_55 = arith.constant 0 : i32
      %dma_start3A_56 = tpu.memref_slice %arg18[%dma_start3A_55] : memref<30720xf32, #tpu.memory_space<vmem>> -> memref<10240xf32, #tpu.memory_space<vmem>>
      %dma_start3A_57 = arith.constant 0 : i32
      %dma_start3A_58 = tpu.memref_slice %arg4[%run_scoped3A_22, %dma_start3A_57] : memref<40x10240xf32, #tpu.memory_space<hbm>> -> memref<1x10240xf32, #tpu.memory_space<hbm>>
      %dma_start3A_59 = tpu.memref_squeeze %dma_start3A_58 : memref<1x10240xf32, #tpu.memory_space<hbm>> -> memref<10240xf32, #tpu.memory_space<hbm>>
      tpu.enqueue_dma source(%dma_start3A_59 : memref<10240xf32, #tpu.memory_space<hbm>>) target(%dma_start3A_56 : memref<10240xf32, #tpu.memory_space<vmem>>) target_semaphore(%run_scoped3A_49 : memref<!tpu.dma_semaphore, #tpu.memory_space<semaphore_mem>>)
      %dma_wait3A = arith.constant 0 : i32
      %dma_wait3A_60 = tpu.memref_slice %arg18[%dma_wait3A] : memref<30720xf32, #tpu.memory_space<vmem>> -> memref<10240xf32, #tpu.memory_space<vmem>>
      %dma_wait3A_61 = arith.constant 0 : i32
      %dma_wait3A_62 = tpu.memref_slice %arg4[%run_scoped3A_22, %dma_wait3A_61] : memref<40x10240xf32, #tpu.memory_space<hbm>> -> memref<1x10240xf32, #tpu.memory_space<hbm>>
      %dma_wait3A_63 = tpu.memref_squeeze %dma_wait3A_62 : memref<1x10240xf32, #tpu.memory_space<hbm>> -> memref<10240xf32, #tpu.memory_space<hbm>>
      %dma_wait3A_64 = arith.constant 0 : i32
      %dma_wait3A_65 = tpu.memref_slice %arg18[%dma_wait3A_64] : memref<30720xf32, #tpu.memory_space<vmem>> -> memref<10240xf32, #tpu.memory_space<vmem>>
      %dma_wait3A_66 = arith.constant 0 : i32
      %dma_wait3A_67 = tpu.memref_slice %arg4[%run_scoped3A_22, %dma_wait3A_66] : memref<40x10240xf32, #tpu.memory_space<hbm>> -> memref<1x10240xf32, #tpu.memory_space<hbm>>
      %dma_wait3A_68 = tpu.memref_squeeze %dma_wait3A_67 : memref<1x10240xf32, #tpu.memory_space<hbm>> -> memref<10240xf32, #tpu.memory_space<hbm>>
      tpu.wait_dma2 semaphore(%run_scoped3A_49 : memref<!tpu.dma_semaphore, #tpu.memory_space<semaphore_mem>>) src(%dma_wait3A_68 : memref<10240xf32, #tpu.memory_space<hbm>>) dst(%dma_wait3A_65 : memref<10240xf32, #tpu.memory_space<vmem>>)
      tpu.yield
    }) : () -> ()
    %run_scoped3A_23 = arith.constant 36 : i32
    "tpu.region"() ({
      %run_scoped3A_49 = tpu.sem_alloc : memref<!tpu.dma_semaphore, #tpu.memory_space<semaphore_mem>>
      %dma_start3A_50 = arith.constant 10240 : i32
      %dma_start3A_51 = tpu.memref_slice %arg18[%dma_start3A_50] : memref<30720xf32, #tpu.memory_space<vmem>> -> memref<10240xf32, #tpu.memory_space<vmem>>
      %dma_start3A_52 = arith.constant 0 : i32
      %dma_start3A_53 = tpu.memref_slice %arg4[%run_scoped3A_23, %dma_start3A_52] : memref<40x10240xf32, #tpu.memory_space<hbm>> -> memref<1x10240xf32, #tpu.memory_space<hbm>>
      %dma_start3A_54 = tpu.memref_squeeze %dma_start3A_53 : memref<1x10240xf32, #tpu.memory_space<hbm>> -> memref<10240xf32, #tpu.memory_space<hbm>>
      %dma_start3A_55 = arith.constant 10240 : i32
      %dma_start3A_56 = tpu.memref_slice %arg18[%dma_start3A_55] : memref<30720xf32, #tpu.memory_space<vmem>> -> memref<10240xf32, #tpu.memory_space<vmem>>
      %dma_start3A_57 = arith.constant 0 : i32
      %dma_start3A_58 = tpu.memref_slice %arg4[%run_scoped3A_23, %dma_start3A_57] : memref<40x10240xf32, #tpu.memory_space<hbm>> -> memref<1x10240xf32, #tpu.memory_space<hbm>>
      %dma_start3A_59 = tpu.memref_squeeze %dma_start3A_58 : memref<1x10240xf32, #tpu.memory_space<hbm>> -> memref<10240xf32, #tpu.memory_space<hbm>>
      tpu.enqueue_dma source(%dma_start3A_59 : memref<10240xf32, #tpu.memory_space<hbm>>) target(%dma_start3A_56 : memref<10240xf32, #tpu.memory_space<vmem>>) target_semaphore(%run_scoped3A_49 : memref<!tpu.dma_semaphore, #tpu.memory_space<semaphore_mem>>)
      %dma_wait3A = arith.constant 10240 : i32
      %dma_wait3A_60 = tpu.memref_slice %arg18[%dma_wait3A] : memref<30720xf32, #tpu.memory_space<vmem>> -> memref<10240xf32, #tpu.memory_space<vmem>>
      %dma_wait3A_61 = arith.constant 0 : i32
      %dma_wait3A_62 = tpu.memref_slice %arg4[%run_scoped3A_23, %dma_wait3A_61] : memref<40x10240xf32, #tpu.memory_space<hbm>> -> memref<1x10240xf32, #tpu.memory_space<hbm>>
      %dma_wait3A_63 = tpu.memref_squeeze %dma_wait3A_62 : memref<1x10240xf32, #tpu.memory_space<hbm>> -> memref<10240xf32, #tpu.memory_space<hbm>>
      %dma_wait3A_64 = arith.constant 10240 : i32
      %dma_wait3A_65 = tpu.memref_slice %arg18[%dma_wait3A_64] : memref<30720xf32, #tpu.memory_space<vmem>> -> memref<10240xf32, #tpu.memory_space<vmem>>
      %dma_wait3A_66 = arith.constant 0 : i32
      %dma_wait3A_67 = tpu.memref_slice %arg4[%run_scoped3A_23, %dma_wait3A_66] : memref<40x10240xf32, #tpu.memory_space<hbm>> -> memref<1x10240xf32, #tpu.memory_space<hbm>>
      %dma_wait3A_68 = tpu.memref_squeeze %dma_wait3A_67 : memref<1x10240xf32, #tpu.memory_space<hbm>> -> memref<10240xf32, #tpu.memory_space<hbm>>
      tpu.wait_dma2 semaphore(%run_scoped3A_49 : memref<!tpu.dma_semaphore, #tpu.memory_space<semaphore_mem>>) src(%dma_wait3A_68 : memref<10240xf32, #tpu.memory_space<hbm>>) dst(%dma_wait3A_65 : memref<10240xf32, #tpu.memory_space<vmem>>)
      tpu.yield
    }) : () -> ()
    %run_scoped3A_24 = arith.constant 36 : i32
    "tpu.region"() ({
      %run_scoped3A_49 = tpu.sem_alloc : memref<!tpu.dma_semaphore, #tpu.memory_space<semaphore_mem>>
      %dma_start3A_50 = arith.constant 20480 : i32
      %dma_start3A_51 = tpu.memref_slice %arg18[%dma_start3A_50] : memref<30720xf32, #tpu.memory_space<vmem>> -> memref<10240xf32, #tpu.memory_space<vmem>>
      %dma_start3A_52 = arith.constant 0 : i32
      %dma_start3A_53 = tpu.memref_slice %arg4[%run_scoped3A_24, %dma_start3A_52] : memref<40x10240xf32, #tpu.memory_space<hbm>> -> memref<1x10240xf32, #tpu.memory_space<hbm>>
      %dma_start3A_54 = tpu.memref_squeeze %dma_start3A_53 : memref<1x10240xf32, #tpu.memory_space<hbm>> -> memref<10240xf32, #tpu.memory_space<hbm>>
      %dma_start3A_55 = arith.constant 20480 : i32
      %dma_start3A_56 = tpu.memref_slice %arg18[%dma_start3A_55] : memref<30720xf32, #tpu.memory_space<vmem>> -> memref<10240xf32, #tpu.memory_space<vmem>>
      %dma_start3A_57 = arith.constant 0 : i32
      %dma_start3A_58 = tpu.memref_slice %arg4[%run_scoped3A_24, %dma_start3A_57] : memref<40x10240xf32, #tpu.memory_space<hbm>> -> memref<1x10240xf32, #tpu.memory_space<hbm>>
      %dma_start3A_59 = tpu.memref_squeeze %dma_start3A_58 : memref<1x10240xf32, #tpu.memory_space<hbm>> -> memref<10240xf32, #tpu.memory_space<hbm>>
      tpu.enqueue_dma source(%dma_start3A_59 : memref<10240xf32, #tpu.memory_space<hbm>>) target(%dma_start3A_56 : memref<10240xf32, #tpu.memory_space<vmem>>) target_semaphore(%run_scoped3A_49 : memref<!tpu.dma_semaphore, #tpu.memory_space<semaphore_mem>>)
      %dma_wait3A = arith.constant 20480 : i32
      %dma_wait3A_60 = tpu.memref_slice %arg18[%dma_wait3A] : memref<30720xf32, #tpu.memory_space<vmem>> -> memref<10240xf32, #tpu.memory_space<vmem>>
      %dma_wait3A_61 = arith.constant 0 : i32
      %dma_wait3A_62 = tpu.memref_slice %arg4[%run_scoped3A_24, %dma_wait3A_61] : memref<40x10240xf32, #tpu.memory_space<hbm>> -> memref<1x10240xf32, #tpu.memory_space<hbm>>
      %dma_wait3A_63 = tpu.memref_squeeze %dma_wait3A_62 : memref<1x10240xf32, #tpu.memory_space<hbm>> -> memref<10240xf32, #tpu.memory_space<hbm>>
      %dma_wait3A_64 = arith.constant 20480 : i32
      %dma_wait3A_65 = tpu.memref_slice %arg18[%dma_wait3A_64] : memref<30720xf32, #tpu.memory_space<vmem>> -> memref<10240xf32, #tpu.memory_space<vmem>>
      %dma_wait3A_66 = arith.constant 0 : i32
      %dma_wait3A_67 = tpu.memref_slice %arg4[%run_scoped3A_24, %dma_wait3A_66] : memref<40x10240xf32, #tpu.memory_space<hbm>> -> memref<1x10240xf32, #tpu.memory_space<hbm>>
      %dma_wait3A_68 = tpu.memref_squeeze %dma_wait3A_67 : memref<1x10240xf32, #tpu.memory_space<hbm>> -> memref<10240xf32, #tpu.memory_space<hbm>>
      tpu.wait_dma2 semaphore(%run_scoped3A_49 : memref<!tpu.dma_semaphore, #tpu.memory_space<semaphore_mem>>) src(%dma_wait3A_68 : memref<10240xf32, #tpu.memory_space<hbm>>) dst(%dma_wait3A_65 : memref<10240xf32, #tpu.memory_space<vmem>>)
      tpu.yield
    }) : () -> ()
    %mul3A = arith.constant 166400 : i32
    %mul3A_25 = arith.muli %arg0, %mul3A : i32
    %add3A_26 = arith.constant 0 : i32
    %add3A_27 = arith.addi %mul3A_25, %add3A_26 : i32
    %dma_start3A = tpu.memref_slice %arg2[%add3A_27] : memref<332800xi32, #tpu.memory_space<hbm>> -> memref<6400xi32, #tpu.memory_space<hbm>>
    %dma_start3A_28 = tpu.memref_slice %arg2[%add3A_27] : memref<332800xi32, #tpu.memory_space<hbm>> -> memref<6400xi32, #tpu.memory_space<hbm>>
    tpu.enqueue_dma source(%dma_start3A_28 : memref<6400xi32, #tpu.memory_space<hbm>>) target(%arg12 : memref<6400xi32, #tpu.memory_space<vmem>>) target_semaphore(%arg16 : memref<!tpu.dma_semaphore, #tpu.memory_space<semaphore_mem>>)
    %dma_start3A_29 = tpu.memref_slice %arg3[%add3A_27] : memref<332800xi32, #tpu.memory_space<hbm>> -> memref<6400xi32, #tpu.memory_space<hbm>>
    %dma_start3A_30 = tpu.memref_slice %arg3[%add3A_27] : memref<332800xi32, #tpu.memory_space<hbm>> -> memref<6400xi32, #tpu.memory_space<hbm>>
    tpu.enqueue_dma source(%dma_start3A_30 : memref<6400xi32, #tpu.memory_space<hbm>>) target(%arg14 : memref<6400xi32, #tpu.memory_space<vmem>>) target_semaphore(%arg16 : memref<!tpu.dma_semaphore, #tpu.memory_space<semaphore_mem>>)
    %scan3A = arith.constant 0 : i32
    %scan3A_31 = arith.constant 0 : i32
    %scan3A_32 = arith.constant 13 : i32
    %scan3A_33 = arith.addi %scan3A_31, %scan3A_32 : i32
    %scan3A_34 = arith.constant 1 : i32
    scf.for %scan3A_49 = %scan3A_31 to %scan3A_33 step %scan3A_34  : i32 {
      %mul3A_50 = arith.constant 2 : i32
      %mul3A_51 = arith.muli %mul3A_50, %scan3A_49 : i32
      %add3A_52 = arith.constant 0 : i32
      %add3A_53 = arith.addi %mul3A_51, %add3A_52 : i32
      %add3A_54 = arith.constant 1 : i32
      %add3A_55 = arith.addi %add3A_53, %add3A_54 : i32
      %lt3A_56 = arith.constant 26 : i32
      %lt3A_57 = arith.cmpi slt, %add3A_55, %lt3A_56 : i32
      %convert_element_type3A_58 = arith.extui %lt3A_57 : i1 to i32
      %cond3A_59 = arith.constant 0 : i32
      %cond3A_60 = arith.cmpi ne, %convert_element_type3A_58, %cond3A_59 : i32
      scf.if %cond3A_60 {
        %add3A_101 = arith.constant 1 : i32
        %add3A_102 = arith.addi %add3A_53, %add3A_101 : i32
        %mul3A_103 = arith.constant 166400 : i32
        %mul3A_104 = arith.muli %arg0, %mul3A_103 : i32
        %mul3A_105 = arith.constant 6400 : i32
        %mul3A_106 = arith.muli %add3A_102, %mul3A_105 : i32
        %add3A_107 = arith.addi %mul3A_104, %mul3A_106 : i32
        %dma_start3A_108 = tpu.memref_slice %arg2[%add3A_107] : memref<332800xi32, #tpu.memory_space<hbm>> -> memref<6400xi32, #tpu.memory_space<hbm>>
        %dma_start3A_109 = tpu.memref_slice %arg2[%add3A_107] : memref<332800xi32, #tpu.memory_space<hbm>> -> memref<6400xi32, #tpu.memory_space<hbm>>
        tpu.enqueue_dma source(%dma_start3A_109 : memref<6400xi32, #tpu.memory_space<hbm>>) target(%arg13 : memref<6400xi32, #tpu.memory_space<vmem>>) target_semaphore(%arg17 : memref<!tpu.dma_semaphore, #tpu.memory_space<semaphore_mem>>)
        %dma_start3A_110 = tpu.memref_slice %arg3[%add3A_107] : memref<332800xi32, #tpu.memory_space<hbm>> -> memref<6400xi32, #tpu.memory_space<hbm>>
        %dma_start3A_111 = tpu.memref_slice %arg3[%add3A_107] : memref<332800xi32, #tpu.memory_space<hbm>> -> memref<6400xi32, #tpu.memory_space<hbm>>
        tpu.enqueue_dma source(%dma_start3A_111 : memref<6400xi32, #tpu.memory_space<hbm>>) target(%arg15 : memref<6400xi32, #tpu.memory_space<vmem>>) target_semaphore(%arg17 : memref<!tpu.dma_semaphore, #tpu.memory_space<semaphore_mem>>)
      } else {
      }
      %mul3A_61 = arith.constant 166400 : i32
      %mul3A_62 = arith.muli %arg0, %mul3A_61 : i32
      %mul3A_63 = arith.constant 6400 : i32
      %mul3A_64 = arith.muli %add3A_53, %mul3A_63 : i32
      %add3A_65 = arith.addi %mul3A_62, %mul3A_64 : i32
      %dma_wait3A = tpu.memref_slice %arg2[%add3A_65] : memref<332800xi32, #tpu.memory_space<hbm>> -> memref<6400xi32, #tpu.memory_space<hbm>>
      %dma_wait3A_66 = tpu.memref_slice %arg2[%add3A_65] : memref<332800xi32, #tpu.memory_space<hbm>> -> memref<6400xi32, #tpu.memory_space<hbm>>
      tpu.wait_dma2 semaphore(%arg16 : memref<!tpu.dma_semaphore, #tpu.memory_space<semaphore_mem>>) src(%dma_wait3A_66 : memref<6400xi32, #tpu.memory_space<hbm>>) dst(%arg12 : memref<6400xi32, #tpu.memory_space<vmem>>)
      %dma_wait3A_67 = tpu.memref_slice %arg3[%add3A_65] : memref<332800xi32, #tpu.memory_space<hbm>> -> memref<6400xi32, #tpu.memory_space<hbm>>
      %dma_wait3A_68 = tpu.memref_slice %arg3[%add3A_65] : memref<332800xi32, #tpu.memory_space<hbm>> -> memref<6400xi32, #tpu.memory_space<hbm>>
      tpu.wait_dma2 semaphore(%arg16 : memref<!tpu.dma_semaphore, #tpu.memory_space<semaphore_mem>>) src(%dma_wait3A_68 : memref<6400xi32, #tpu.memory_space<hbm>>) dst(%arg14 : memref<6400xi32, #tpu.memory_space<vmem>>)
      %scan3A_69 = arith.constant 0 : i32
      %scan3A_70 = arith.constant 0 : i32
      %scan3A_71 = arith.constant 400 : i32
      %scan3A_72 = arith.addi %scan3A_70, %scan3A_71 : i32
      %scan3A_73 = arith.constant 8 : i32
      scf.for %scan3A_101 = %scan3A_70 to %scan3A_72 step %scan3A_73  : i32 {
        %mul3A_102 = arith.constant 16 : i32
        %mul3A_103 = arith.muli %scan3A_101, %mul3A_102 : i32
        %get3A = arith.index_cast %mul3A_103 : i32 to index
        %get3A_104 = tpu.vector_load %arg12[%get3A] {strides = array<i32>} : memref<6400xi32, #tpu.memory_space<vmem>>, vector<16xi32>,
        %get3A_105 = arith.index_cast %mul3A_103 : i32 to index
        %get3A_106 = tpu.vector_load %arg14[%get3A_105] {strides = array<i32>} : memref<6400xi32, #tpu.memory_space<vmem>>, vector<16xi32>,
        %gather3A = tpu.vector_load_idx %arg6[%get3A_104] : memref<10240xf32, #tpu.memory_space<vmem>>[vector<16xi32>], vector<16xf32>,
        %gather3A_107 = tpu.vector_load_idx %arg7[%get3A_106] : memref<10240xf32, #tpu.memory_space<vmem>>[vector<16xi32>], vector<16xf32>,
        %gather3A_108 = tpu.vector_load_idx %arg8[%get3A_104] : memref<10240xf32, #tpu.memory_space<vmem>>[vector<16xi32>], vector<16xf32>,
        %gather3A_109 = tpu.vector_load_idx %arg9[%get3A_106] : memref<10240xf32, #tpu.memory_space<vmem>>[vector<16xi32>], vector<16xf32>,
        %mul3A_110 = arith.mulf %gather3A, %gather3A_107 : vector<16xf32>
        %mul3A_111 = arith.mulf %gather3A_108, %gather3A_109 : vector<16xf32>
        %max3A = arith.maximumf %mul3A_110, %mul3A_111 : vector<16xf32>
        %gather3A_112 = tpu.vector_load_idx %arg10[%get3A_104] : memref<10240xf32, #tpu.memory_space<vmem>>[vector<16xi32>], vector<16xf32>,
        %add3A_113 = vector.broadcast %select_n3A : i32 to vector<16xi32>
        %add3A_114 = arith.addi %get3A_106, %add3A_113 : vector<16xi32>
        %mul3A_115 = arith.mulf %gather3A_112, %max3A : vector<16xf32>
        tpu.vector_store_idx %arg18[%add3A_114], %mul3A_115 {add = true} : memref<30720xf32, #tpu.memory_space<vmem>>[vector<16xi32>], vector<16xf32>,
        %gather3A_116 = tpu.vector_load_idx %arg11[%get3A_104] : memref<10240xf32, #tpu.memory_space<vmem>>[vector<16xi32>], vector<16xf32>,
        %add3A_117 = vector.broadcast %select_n3A_13 : i32 to vector<16xi32>
        %add3A_118 = arith.addi %get3A_106, %add3A_117 : vector<16xi32>
        %mul3A_119 = arith.mulf %gather3A_116, %max3A : vector<16xf32>
        tpu.vector_store_idx %arg18[%add3A_118], %mul3A_119 {add = true} : memref<30720xf32, #tpu.memory_space<vmem>>[vector<16xi32>], vector<16xf32>,
        %add3A_120 = arith.constant 20480 : i32
        %add3A_121 = vector.broadcast %add3A_120 : i32 to vector<16xi32>
        %add3A_122 = arith.addi %get3A_106, %add3A_121 : vector<16xi32>
        tpu.vector_store_idx %arg18[%add3A_122], %max3A masked %broadcast_in_dim3A {add = true} : memref<30720xf32, #tpu.memory_space<vmem>>[vector<16xi32>], vector<16xf32>, vector<16xi1>
        %scan3A_123 = arith.constant 1 : i32
        %scan3A_124 = arith.addi %scan3A_101, %scan3A_123 : i32
        %mul3A_125 = arith.constant 16 : i32
        %mul3A_126 = arith.muli %scan3A_124, %mul3A_125 : i32
        %get3A_127 = arith.index_cast %mul3A_126 : i32 to index
        %get3A_128 = tpu.vector_load %arg12[%get3A_127] {strides = array<i32>} : memref<6400xi32, #tpu.memory_space<vmem>>, vector<16xi32>,
        %get3A_129 = arith.index_cast %mul3A_126 : i32 to index
        %get3A_130 = tpu.vector_load %arg14[%get3A_129] {strides = array<i32>} : memref<6400xi32, #tpu.memory_space<vmem>>, vector<16xi32>,
        %gather3A_131 = tpu.vector_load_idx %arg6[%get3A_128] : memref<10240xf32, #tpu.memory_space<vmem>>[vector<16xi32>], vector<16xf32>,
        %gather3A_132 = tpu.vector_load_idx %arg7[%get3A_130] : memref<10240xf32, #tpu.memory_space<vmem>>[vector<16xi32>], vector<16xf32>,
        %gather3A_133 = tpu.vector_load_idx %arg8[%get3A_128] : memref<10240xf32, #tpu.memory_space<vmem>>[vector<16xi32>], vector<16xf32>,
        %gather3A_134 = tpu.vector_load_idx %arg9[%get3A_130] : memref<10240xf32, #tpu.memory_space<vmem>>[vector<16xi32>], vector<16xf32>,
        %mul3A_135 = arith.mulf %gather3A_131, %gather3A_132 : vector<16xf32>
        %mul3A_136 = arith.mulf %gather3A_133, %gather3A_134 : vector<16xf32>
        %max3A_137 = arith.maximumf %mul3A_135, %mul3A_136 : vector<16xf32>
        %gather3A_138 = tpu.vector_load_idx %arg10[%get3A_128] : memref<10240xf32, #tpu.memory_space<vmem>>[vector<16xi32>], vector<16xf32>,
        %add3A_139 = vector.broadcast %select_n3A : i32 to vector<16xi32>
        %add3A_140 = arith.addi %get3A_130, %add3A_139 : vector<16xi32>
        %mul3A_141 = arith.mulf %gather3A_138, %max3A_137 : vector<16xf32>
        tpu.vector_store_idx %arg18[%add3A_140], %mul3A_141 {add = true} : memref<30720xf32, #tpu.memory_space<vmem>>[vector<16xi32>], vector<16xf32>,
        %gather3A_142 = tpu.vector_load_idx %arg11[%get3A_128] : memref<10240xf32, #tpu.memory_space<vmem>>[vector<16xi32>], vector<16xf32>,
        %add3A_143 = vector.broadcast %select_n3A_13 : i32 to vector<16xi32>
        %add3A_144 = arith.addi %get3A_130, %add3A_143 : vector<16xi32>
        %mul3A_145 = arith.mulf %gather3A_142, %max3A_137 : vector<16xf32>
        tpu.vector_store_idx %arg18[%add3A_144], %mul3A_145 {add = true} : memref<30720xf32, #tpu.memory_space<vmem>>[vector<16xi32>], vector<16xf32>,
        %add3A_146 = arith.constant 20480 : i32
        %add3A_147 = vector.broadcast %add3A_146 : i32 to vector<16xi32>
        %add3A_148 = arith.addi %get3A_130, %add3A_147 : vector<16xi32>
        tpu.vector_store_idx %arg18[%add3A_148], %max3A_137 masked %broadcast_in_dim3A {add = true} : memref<30720xf32, #tpu.memory_space<vmem>>[vector<16xi32>], vector<16xf32>, vector<16xi1>
        %scan3A_149 = arith.constant 2 : i32
        %scan3A_150 = arith.addi %scan3A_101, %scan3A_149 : i32
        %mul3A_151 = arith.constant 16 : i32
        %mul3A_152 = arith.muli %scan3A_150, %mul3A_151 : i32
        %get3A_153 = arith.index_cast %mul3A_152 : i32 to index
        %get3A_154 = tpu.vector_load %arg12[%get3A_153] {strides = array<i32>} : memref<6400xi32, #tpu.memory_space<vmem>>, vector<16xi32>,
        %get3A_155 = arith.index_cast %mul3A_152 : i32 to index
        %get3A_156 = tpu.vector_load %arg14[%get3A_155] {strides = array<i32>} : memref<6400xi32, #tpu.memory_space<vmem>>, vector<16xi32>,
        %gather3A_157 = tpu.vector_load_idx %arg6[%get3A_154] : memref<10240xf32, #tpu.memory_space<vmem>>[vector<16xi32>], vector<16xf32>,
        %gather3A_158 = tpu.vector_load_idx %arg7[%get3A_156] : memref<10240xf32, #tpu.memory_space<vmem>>[vector<16xi32>], vector<16xf32>,
        %gather3A_159 = tpu.vector_load_idx %arg8[%get3A_154] : memref<10240xf32, #tpu.memory_space<vmem>>[vector<16xi32>], vector<16xf32>,
        %gather3A_160 = tpu.vector_load_idx %arg9[%get3A_156] : memref<10240xf32, #tpu.memory_space<vmem>>[vector<16xi32>], vector<16xf32>,
        %mul3A_161 = arith.mulf %gather3A_157, %gather3A_158 : vector<16xf32>
        %mul3A_162 = arith.mulf %gather3A_159, %gather3A_160 : vector<16xf32>
        %max3A_163 = arith.maximumf %mul3A_161, %mul3A_162 : vector<16xf32>
        %gather3A_164 = tpu.vector_load_idx %arg10[%get3A_154] : memref<10240xf32, #tpu.memory_space<vmem>>[vector<16xi32>], vector<16xf32>,
        %add3A_165 = vector.broadcast %select_n3A : i32 to vector<16xi32>
        %add3A_166 = arith.addi %get3A_156, %add3A_165 : vector<16xi32>
        %mul3A_167 = arith.mulf %gather3A_164, %max3A_163 : vector<16xf32>
        tpu.vector_store_idx %arg18[%add3A_166], %mul3A_167 {add = true} : memref<30720xf32, #tpu.memory_space<vmem>>[vector<16xi32>], vector<16xf32>,
        %gather3A_168 = tpu.vector_load_idx %arg11[%get3A_154] : memref<10240xf32, #tpu.memory_space<vmem>>[vector<16xi32>], vector<16xf32>,
        %add3A_169 = vector.broadcast %select_n3A_13 : i32 to vector<16xi32>
        %add3A_170 = arith.addi %get3A_156, %add3A_169 : vector<16xi32>
        %mul3A_171 = arith.mulf %gather3A_168, %max3A_163 : vector<16xf32>
        tpu.vector_store_idx %arg18[%add3A_170], %mul3A_171 {add = true} : memref<30720xf32, #tpu.memory_space<vmem>>[vector<16xi32>], vector<16xf32>,
        %add3A_172 = arith.constant 20480 : i32
        %add3A_173 = vector.broadcast %add3A_172 : i32 to vector<16xi32>
        %add3A_174 = arith.addi %get3A_156, %add3A_173 : vector<16xi32>
        tpu.vector_store_idx %arg18[%add3A_174], %max3A_163 masked %broadcast_in_dim3A {add = true} : memref<30720xf32, #tpu.memory_space<vmem>>[vector<16xi32>], vector<16xf32>, vector<16xi1>
        %scan3A_175 = arith.constant 3 : i32
        %scan3A_176 = arith.addi %scan3A_101, %scan3A_175 : i32
        %mul3A_177 = arith.constant 16 : i32
        %mul3A_178 = arith.muli %scan3A_176, %mul3A_177 : i32
        %get3A_179 = arith.index_cast %mul3A_178 : i32 to index
        %get3A_180 = tpu.vector_load %arg12[%get3A_179] {strides = array<i32>} : memref<6400xi32, #tpu.memory_space<vmem>>, vector<16xi32>,
        %get3A_181 = arith.index_cast %mul3A_178 : i32 to index
        %get3A_182 = tpu.vector_load %arg14[%get3A_181] {strides = array<i32>} : memref<6400xi32, #tpu.memory_space<vmem>>, vector<16xi32>,
        %gather3A_183 = tpu.vector_load_idx %arg6[%get3A_180] : memref<10240xf32, #tpu.memory_space<vmem>>[vector<16xi32>], vector<16xf32>,
        %gather3A_184 = tpu.vector_load_idx %arg7[%get3A_182] : memref<10240xf32, #tpu.memory_space<vmem>>[vector<16xi32>], vector<16xf32>,
        %gather3A_185 = tpu.vector_load_idx %arg8[%get3A_180] : memref<10240xf32, #tpu.memory_space<vmem>>[vector<16xi32>], vector<16xf32>,
        %gather3A_186 = tpu.vector_load_idx %arg9[%get3A_182] : memref<10240xf32, #tpu.memory_space<vmem>>[vector<16xi32>], vector<16xf32>,
        %mul3A_187 = arith.mulf %gather3A_183, %gather3A_184 : vector<16xf32>
        %mul3A_188 = arith.mulf %gather3A_185, %gather3A_186 : vector<16xf32>
        %max3A_189 = arith.maximumf %mul3A_187, %mul3A_188 : vector<16xf32>
        %gather3A_190 = tpu.vector_load_idx %arg10[%get3A_180] : memref<10240xf32, #tpu.memory_space<vmem>>[vector<16xi32>], vector<16xf32>,
        %add3A_191 = vector.broadcast %select_n3A : i32 to vector<16xi32>
        %add3A_192 = arith.addi %get3A_182, %add3A_191 : vector<16xi32>
        %mul3A_193 = arith.mulf %gather3A_190, %max3A_189 : vector<16xf32>
        tpu.vector_store_idx %arg18[%add3A_192], %mul3A_193 {add = true} : memref<30720xf32, #tpu.memory_space<vmem>>[vector<16xi32>], vector<16xf32>,
        %gather3A_194 = tpu.vector_load_idx %arg11[%get3A_180] : memref<10240xf32, #tpu.memory_space<vmem>>[vector<16xi32>], vector<16xf32>,
        %add3A_195 = vector.broadcast %select_n3A_13 : i32 to vector<16xi32>
        %add3A_196 = arith.addi %get3A_182, %add3A_195 : vector<16xi32>
        %mul3A_197 = arith.mulf %gather3A_194, %max3A_189 : vector<16xf32>
        tpu.vector_store_idx %arg18[%add3A_196], %mul3A_197 {add = true} : memref<30720xf32, #tpu.memory_space<vmem>>[vector<16xi32>], vector<16xf32>,
        %add3A_198 = arith.constant 20480 : i32
        %add3A_199 = vector.broadcast %add3A_198 : i32 to vector<16xi32>
        %add3A_200 = arith.addi %get3A_182, %add3A_199 : vector<16xi32>
        tpu.vector_store_idx %arg18[%add3A_200], %max3A_189 masked %broadcast_in_dim3A {add = true} : memref<30720xf32, #tpu.memory_space<vmem>>[vector<16xi32>], vector<16xf32>, vector<16xi1>
        %scan3A_201 = arith.constant 4 : i32
        %scan3A_202 = arith.addi %scan3A_101, %scan3A_201 : i32
        %mul3A_203 = arith.constant 16 : i32
        %mul3A_204 = arith.muli %scan3A_202, %mul3A_203 : i32
        %get3A_205 = arith.index_cast %mul3A_204 : i32 to index
        %get3A_206 = tpu.vector_load %arg12[%get3A_205] {strides = array<i32>} : memref<6400xi32, #tpu.memory_space<vmem>>, vector<16xi32>,
        %get3A_207 = arith.index_cast %mul3A_204 : i32 to index
        %get3A_208 = tpu.vector_load %arg14[%get3A_207] {strides = array<i32>} : memref<6400xi32, #tpu.memory_space<vmem>>, vector<16xi32>,
        %gather3A_209 = tpu.vector_load_idx %arg6[%get3A_206] : memref<10240xf32, #tpu.memory_space<vmem>>[vector<16xi32>], vector<16xf32>,
        %gather3A_210 = tpu.vector_load_idx %arg7[%get3A_208] : memref<10240xf32, #tpu.memory_space<vmem>>[vector<16xi32>], vector<16xf32>,
        %gather3A_211 = tpu.vector_load_idx %arg8[%get3A_206] : memref<10240xf32, #tpu.memory_space<vmem>>[vector<16xi32>], vector<16xf32>,
        %gather3A_212 = tpu.vector_load_idx %arg9[%get3A_208] : memref<10240xf32, #tpu.memory_space<vmem>>[vector<16xi32>], vector<16xf32>,
        %mul3A_213 = arith.mulf %gather3A_209, %gather3A_210 : vector<16xf32>
        %mul3A_214 = arith.mulf %gather3A_211, %gather3A_212 : vector<16xf32>
        %max3A_215 = arith.maximumf %mul3A_213, %mul3A_214 : vector<16xf32>
        %gather3A_216 = tpu.vector_load_idx %arg10[%get3A_206] : memref<10240xf32, #tpu.memory_space<vmem>>[vector<16xi32>], vector<16xf32>,
        %add3A_217 = vector.broadcast %select_n3A : i32 to vector<16xi32>
        %add3A_218 = arith.addi %get3A_208, %add3A_217 : vector<16xi32>
        %mul3A_219 = arith.mulf %gather3A_216, %max3A_215 : vector<16xf32>
        tpu.vector_store_idx %arg18[%add3A_218], %mul3A_219 {add = true} : memref<30720xf32, #tpu.memory_space<vmem>>[vector<16xi32>], vector<16xf32>,
        %gather3A_220 = tpu.vector_load_idx %arg11[%get3A_206] : memref<10240xf32, #tpu.memory_space<vmem>>[vector<16xi32>], vector<16xf32>,
        %add3A_221 = vector.broadcast %select_n3A_13 : i32 to vector<16xi32>
        %add3A_222 = arith.addi %get3A_208, %add3A_221 : vector<16xi32>
        %mul3A_223 = arith.mulf %gather3A_220, %max3A_215 : vector<16xf32>
        tpu.vector_store_idx %arg18[%add3A_222], %mul3A_223 {add = true} : memref<30720xf32, #tpu.memory_space<vmem>>[vector<16xi32>], vector<16xf32>,
        %add3A_224 = arith.constant 20480 : i32
        %add3A_225 = vector.broadcast %add3A_224 : i32 to vector<16xi32>
        %add3A_226 = arith.addi %get3A_208, %add3A_225 : vector<16xi32>
        tpu.vector_store_idx %arg18[%add3A_226], %max3A_215 masked %broadcast_in_dim3A {add = true} : memref<30720xf32, #tpu.memory_space<vmem>>[vector<16xi32>], vector<16xf32>, vector<16xi1>
        %scan3A_227 = arith.constant 5 : i32
        %scan3A_228 = arith.addi %scan3A_101, %scan3A_227 : i32
        %mul3A_229 = arith.constant 16 : i32
        %mul3A_230 = arith.muli %scan3A_228, %mul3A_229 : i32
        %get3A_231 = arith.index_cast %mul3A_230 : i32 to index
        %get3A_232 = tpu.vector_load %arg12[%get3A_231] {strides = array<i32>} : memref<6400xi32, #tpu.memory_space<vmem>>, vector<16xi32>,
        %get3A_233 = arith.index_cast %mul3A_230 : i32 to index
        %get3A_234 = tpu.vector_load %arg14[%get3A_233] {strides = array<i32>} : memref<6400xi32, #tpu.memory_space<vmem>>, vector<16xi32>,
        %gather3A_235 = tpu.vector_load_idx %arg6[%get3A_232] : memref<10240xf32, #tpu.memory_space<vmem>>[vector<16xi32>], vector<16xf32>,
        %gather3A_236 = tpu.vector_load_idx %arg7[%get3A_234] : memref<10240xf32, #tpu.memory_space<vmem>>[vector<16xi32>], vector<16xf32>,
        %gather3A_237 = tpu.vector_load_idx %arg8[%get3A_232] : memref<10240xf32, #tpu.memory_space<vmem>>[vector<16xi32>], vector<16xf32>,
        %gather3A_238 = tpu.vector_load_idx %arg9[%get3A_234] : memref<10240xf32, #tpu.memory_space<vmem>>[vector<16xi32>], vector<16xf32>,
        %mul3A_239 = arith.mulf %gather3A_235, %gather3A_236 : vector<16xf32>
        %mul3A_240 = arith.mulf %gather3A_237, %gather3A_238 : vector<16xf32>
        %max3A_241 = arith.maximumf %mul3A_239, %mul3A_240 : vector<16xf32>
        %gather3A_242 = tpu.vector_load_idx %arg10[%get3A_232] : memref<10240xf32, #tpu.memory_space<vmem>>[vector<16xi32>], vector<16xf32>,
        %add3A_243 = vector.broadcast %select_n3A : i32 to vector<16xi32>
        %add3A_244 = arith.addi %get3A_234, %add3A_243 : vector<16xi32>
        %mul3A_245 = arith.mulf %gather3A_242, %max3A_241 : vector<16xf32>
        tpu.vector_store_idx %arg18[%add3A_244], %mul3A_245 {add = true} : memref<30720xf32, #tpu.memory_space<vmem>>[vector<16xi32>], vector<16xf32>,
        %gather3A_246 = tpu.vector_load_idx %arg11[%get3A_232] : memref<10240xf32, #tpu.memory_space<vmem>>[vector<16xi32>], vector<16xf32>,
        %add3A_247 = vector.broadcast %select_n3A_13 : i32 to vector<16xi32>
        %add3A_248 = arith.addi %get3A_234, %add3A_247 : vector<16xi32>
        %mul3A_249 = arith.mulf %gather3A_246, %max3A_241 : vector<16xf32>
        tpu.vector_store_idx %arg18[%add3A_248], %mul3A_249 {add = true} : memref<30720xf32, #tpu.memory_space<vmem>>[vector<16xi32>], vector<16xf32>,
        %add3A_250 = arith.constant 20480 : i32
        %add3A_251 = vector.broadcast %add3A_250 : i32 to vector<16xi32>
        %add3A_252 = arith.addi %get3A_234, %add3A_251 : vector<16xi32>
        tpu.vector_store_idx %arg18[%add3A_252], %max3A_241 masked %broadcast_in_dim3A {add = true} : memref<30720xf32, #tpu.memory_space<vmem>>[vector<16xi32>], vector<16xf32>, vector<16xi1>
        %scan3A_253 = arith.constant 6 : i32
        %scan3A_254 = arith.addi %scan3A_101, %scan3A_253 : i32
        %mul3A_255 = arith.constant 16 : i32
        %mul3A_256 = arith.muli %scan3A_254, %mul3A_255 : i32
        %get3A_257 = arith.index_cast %mul3A_256 : i32 to index
        %get3A_258 = tpu.vector_load %arg12[%get3A_257] {strides = array<i32>} : memref<6400xi32, #tpu.memory_space<vmem>>, vector<16xi32>,
        %get3A_259 = arith.index_cast %mul3A_256 : i32 to index
        %get3A_260 = tpu.vector_load %arg14[%get3A_259] {strides = array<i32>} : memref<6400xi32, #tpu.memory_space<vmem>>, vector<16xi32>,
        %gather3A_261 = tpu.vector_load_idx %arg6[%get3A_258] : memref<10240xf32, #tpu.memory_space<vmem>>[vector<16xi32>], vector<16xf32>,
        %gather3A_262 = tpu.vector_load_idx %arg7[%get3A_260] : memref<10240xf32, #tpu.memory_space<vmem>>[vector<16xi32>], vector<16xf32>,
        %gather3A_263 = tpu.vector_load_idx %arg8[%get3A_258] : memref<10240xf32, #tpu.memory_space<vmem>>[vector<16xi32>], vector<16xf32>,
        %gather3A_264 = tpu.vector_load_idx %arg9[%get3A_260] : memref<10240xf32, #tpu.memory_space<vmem>>[vector<16xi32>], vector<16xf32>,
        %mul3A_265 = arith.mulf %gather3A_261, %gather3A_262 : vector<16xf32>
        %mul3A_266 = arith.mulf %gather3A_263, %gather3A_264 : vector<16xf32>
        %max3A_267 = arith.maximumf %mul3A_265, %mul3A_266 : vector<16xf32>
        %gather3A_268 = tpu.vector_load_idx %arg10[%get3A_258] : memref<10240xf32, #tpu.memory_space<vmem>>[vector<16xi32>], vector<16xf32>,
        %add3A_269 = vector.broadcast %select_n3A : i32 to vector<16xi32>
        %add3A_270 = arith.addi %get3A_260, %add3A_269 : vector<16xi32>
        %mul3A_271 = arith.mulf %gather3A_268, %max3A_267 : vector<16xf32>
        tpu.vector_store_idx %arg18[%add3A_270], %mul3A_271 {add = true} : memref<30720xf32, #tpu.memory_space<vmem>>[vector<16xi32>], vector<16xf32>,
        %gather3A_272 = tpu.vector_load_idx %arg11[%get3A_258] : memref<10240xf32, #tpu.memory_space<vmem>>[vector<16xi32>], vector<16xf32>,
        %add3A_273 = vector.broadcast %select_n3A_13 : i32 to vector<16xi32>
        %add3A_274 = arith.addi %get3A_260, %add3A_273 : vector<16xi32>
        %mul3A_275 = arith.mulf %gather3A_272, %max3A_267 : vector<16xf32>
        tpu.vector_store_idx %arg18[%add3A_274], %mul3A_275 {add = true} : memref<30720xf32, #tpu.memory_space<vmem>>[vector<16xi32>], vector<16xf32>,
        %add3A_276 = arith.constant 20480 : i32
        %add3A_277 = vector.broadcast %add3A_276 : i32 to vector<16xi32>
        %add3A_278 = arith.addi %get3A_260, %add3A_277 : vector<16xi32>
        tpu.vector_store_idx %arg18[%add3A_278], %max3A_267 masked %broadcast_in_dim3A {add = true} : memref<30720xf32, #tpu.memory_space<vmem>>[vector<16xi32>], vector<16xf32>, vector<16xi1>
        %scan3A_279 = arith.constant 7 : i32
        %scan3A_280 = arith.addi %scan3A_101, %scan3A_279 : i32
        %mul3A_281 = arith.constant 16 : i32
        %mul3A_282 = arith.muli %scan3A_280, %mul3A_281 : i32
        %get3A_283 = arith.index_cast %mul3A_282 : i32 to index
        %get3A_284 = tpu.vector_load %arg12[%get3A_283] {strides = array<i32>} : memref<6400xi32, #tpu.memory_space<vmem>>, vector<16xi32>,
        %get3A_285 = arith.index_cast %mul3A_282 : i32 to index
        %get3A_286 = tpu.vector_load %arg14[%get3A_285] {strides = array<i32>} : memref<6400xi32, #tpu.memory_space<vmem>>, vector<16xi32>,
        %gather3A_287 = tpu.vector_load_idx %arg6[%get3A_284] : memref<10240xf32, #tpu.memory_space<vmem>>[vector<16xi32>], vector<16xf32>,
        %gather3A_288 = tpu.vector_load_idx %arg7[%get3A_286] : memref<10240xf32, #tpu.memory_space<vmem>>[vector<16xi32>], vector<16xf32>,
        %gather3A_289 = tpu.vector_load_idx %arg8[%get3A_284] : memref<10240xf32, #tpu.memory_space<vmem>>[vector<16xi32>], vector<16xf32>,
        %gather3A_290 = tpu.vector_load_idx %arg9[%get3A_286] : memref<10240xf32, #tpu.memory_space<vmem>>[vector<16xi32>], vector<16xf32>,
        %mul3A_291 = arith.mulf %gather3A_287, %gather3A_288 : vector<16xf32>
        %mul3A_292 = arith.mulf %gather3A_289, %gather3A_290 : vector<16xf32>
        %max3A_293 = arith.maximumf %mul3A_291, %mul3A_292 : vector<16xf32>
        %gather3A_294 = tpu.vector_load_idx %arg10[%get3A_284] : memref<10240xf32, #tpu.memory_space<vmem>>[vector<16xi32>], vector<16xf32>,
        %add3A_295 = vector.broadcast %select_n3A : i32 to vector<16xi32>
        %add3A_296 = arith.addi %get3A_286, %add3A_295 : vector<16xi32>
        %mul3A_297 = arith.mulf %gather3A_294, %max3A_293 : vector<16xf32>
        tpu.vector_store_idx %arg18[%add3A_296], %mul3A_297 {add = true} : memref<30720xf32, #tpu.memory_space<vmem>>[vector<16xi32>], vector<16xf32>,
        %gather3A_298 = tpu.vector_load_idx %arg11[%get3A_284] : memref<10240xf32, #tpu.memory_space<vmem>>[vector<16xi32>], vector<16xf32>,
        %add3A_299 = vector.broadcast %select_n3A_13 : i32 to vector<16xi32>
        %add3A_300 = arith.addi %get3A_286, %add3A_299 : vector<16xi32>
        %mul3A_301 = arith.mulf %gather3A_298, %max3A_293 : vector<16xf32>
        tpu.vector_store_idx %arg18[%add3A_300], %mul3A_301 {add = true} : memref<30720xf32, #tpu.memory_space<vmem>>[vector<16xi32>], vector<16xf32>,
        %add3A_302 = arith.constant 20480 : i32
        %add3A_303 = vector.broadcast %add3A_302 : i32 to vector<16xi32>
        %add3A_304 = arith.addi %get3A_286, %add3A_303 : vector<16xi32>
        tpu.vector_store_idx %arg18[%add3A_304], %max3A_293 masked %broadcast_in_dim3A {add = true} : memref<30720xf32, #tpu.memory_space<vmem>>[vector<16xi32>], vector<16xf32>, vector<16xi1>
      }
      %scan3A_74 = arith.constant 400 : i32
      %mul3A_75 = arith.constant 2 : i32
      %mul3A_76 = arith.muli %mul3A_75, %scan3A_49 : i32
      %add3A_77 = arith.constant 1 : i32
      %add3A_78 = arith.addi %mul3A_76, %add3A_77 : i32
      %add3A_79 = arith.constant 1 : i32
      %add3A_80 = arith.addi %add3A_78, %add3A_79 : i32
      %lt3A_81 = arith.constant 26 : i32
      %lt3A_82 = arith.cmpi slt, %add3A_80, %lt3A_81 : i32
      %convert_element_type3A_83 = arith.extui %lt3A_82 : i1 to i32
      %cond3A_84 = arith.constant 0 : i32
      %cond3A_85 = arith.cmpi ne, %convert_element_type3A_83, %cond3A_84 : i32
      scf.if %cond3A_85 {
        %add3A_101 = arith.constant 1 : i32
        %add3A_102 = arith.addi %add3A_78, %add3A_101 : i32
        %mul3A_103 = arith.constant 166400 : i32
        %mul3A_104 = arith.muli %arg0, %mul3A_103 : i32
        %mul3A_105 = arith.constant 6400 : i32
        %mul3A_106 = arith.muli %add3A_102, %mul3A_105 : i32
        %add3A_107 = arith.addi %mul3A_104, %mul3A_106 : i32
        %dma_start3A_108 = tpu.memref_slice %arg2[%add3A_107] : memref<332800xi32, #tpu.memory_space<hbm>> -> memref<6400xi32, #tpu.memory_space<hbm>>
        %dma_start3A_109 = tpu.memref_slice %arg2[%add3A_107] : memref<332800xi32, #tpu.memory_space<hbm>> -> memref<6400xi32, #tpu.memory_space<hbm>>
        tpu.enqueue_dma source(%dma_start3A_109 : memref<6400xi32, #tpu.memory_space<hbm>>) target(%arg12 : memref<6400xi32, #tpu.memory_space<vmem>>) target_semaphore(%arg16 : memref<!tpu.dma_semaphore, #tpu.memory_space<semaphore_mem>>)
        %dma_start3A_110 = tpu.memref_slice %arg3[%add3A_107] : memref<332800xi32, #tpu.memory_space<hbm>> -> memref<6400xi32, #tpu.memory_space<hbm>>
        %dma_start3A_111 = tpu.memref_slice %arg3[%add3A_107] : memref<332800xi32, #tpu.memory_space<hbm>> -> memref<6400xi32, #tpu.memory_space<hbm>>
        tpu.enqueue_dma source(%dma_start3A_111 : memref<6400xi32, #tpu.memory_space<hbm>>) target(%arg14 : memref<6400xi32, #tpu.memory_space<vmem>>) target_semaphore(%arg16 : memref<!tpu.dma_semaphore, #tpu.memory_space<semaphore_mem>>)
      } else {
      }
      %mul3A_86 = arith.constant 166400 : i32
      %mul3A_87 = arith.muli %arg0, %mul3A_86 : i32
      %mul3A_88 = arith.constant 6400 : i32
      %mul3A_89 = arith.muli %add3A_78, %mul3A_88 : i32
      %add3A_90 = arith.addi %mul3A_87, %mul3A_89 : i32
      %dma_wait3A_91 = tpu.memref_slice %arg2[%add3A_90] : memref<332800xi32, #tpu.memory_space<hbm>> -> memref<6400xi32, #tpu.memory_space<hbm>>
      %dma_wait3A_92 = tpu.memref_slice %arg2[%add3A_90] : memref<332800xi32, #tpu.memory_space<hbm>> -> memref<6400xi32, #tpu.memory_space<hbm>>
      tpu.wait_dma2 semaphore(%arg17 : memref<!tpu.dma_semaphore, #tpu.memory_space<semaphore_mem>>) src(%dma_wait3A_92 : memref<6400xi32, #tpu.memory_space<hbm>>) dst(%arg13 : memref<6400xi32, #tpu.memory_space<vmem>>)
      %dma_wait3A_93 = tpu.memref_slice %arg3[%add3A_90] : memref<332800xi32, #tpu.memory_space<hbm>> -> memref<6400xi32, #tpu.memory_space<hbm>>
      %dma_wait3A_94 = tpu.memref_slice %arg3[%add3A_90] : memref<332800xi32, #tpu.memory_space<hbm>> -> memref<6400xi32, #tpu.memory_space<hbm>>
      tpu.wait_dma2 semaphore(%arg17 : memref<!tpu.dma_semaphore, #tpu.memory_space<semaphore_mem>>) src(%dma_wait3A_94 : memref<6400xi32, #tpu.memory_space<hbm>>) dst(%arg15 : memref<6400xi32, #tpu.memory_space<vmem>>)
      %scan3A_95 = arith.constant 0 : i32
      %scan3A_96 = arith.constant 0 : i32
      %scan3A_97 = arith.constant 400 : i32
      %scan3A_98 = arith.addi %scan3A_96, %scan3A_97 : i32
      %scan3A_99 = arith.constant 8 : i32
      scf.for %scan3A_101 = %scan3A_96 to %scan3A_98 step %scan3A_99  : i32 {
        %mul3A_102 = arith.constant 16 : i32
        %mul3A_103 = arith.muli %scan3A_101, %mul3A_102 : i32
        %get3A = arith.index_cast %mul3A_103 : i32 to index
        %get3A_104 = tpu.vector_load %arg13[%get3A] {strides = array<i32>} : memref<6400xi32, #tpu.memory_space<vmem>>, vector<16xi32>,
        %get3A_105 = arith.index_cast %mul3A_103 : i32 to index
        %get3A_106 = tpu.vector_load %arg15[%get3A_105] {strides = array<i32>} : memref<6400xi32, #tpu.memory_space<vmem>>, vector<16xi32>,
        %gather3A = tpu.vector_load_idx %arg6[%get3A_104] : memref<10240xf32, #tpu.memory_space<vmem>>[vector<16xi32>], vector<16xf32>,
        %gather3A_107 = tpu.vector_load_idx %arg7[%get3A_106] : memref<10240xf32, #tpu.memory_space<vmem>>[vector<16xi32>], vector<16xf32>,
        %gather3A_108 = tpu.vector_load_idx %arg8[%get3A_104] : memref<10240xf32, #tpu.memory_space<vmem>>[vector<16xi32>], vector<16xf32>,
        %gather3A_109 = tpu.vector_load_idx %arg9[%get3A_106] : memref<10240xf32, #tpu.memory_space<vmem>>[vector<16xi32>], vector<16xf32>,
        %mul3A_110 = arith.mulf %gather3A, %gather3A_107 : vector<16xf32>
        %mul3A_111 = arith.mulf %gather3A_108, %gather3A_109 : vector<16xf32>
        %max3A = arith.maximumf %mul3A_110, %mul3A_111 : vector<16xf32>
        %gather3A_112 = tpu.vector_load_idx %arg10[%get3A_104] : memref<10240xf32, #tpu.memory_space<vmem>>[vector<16xi32>], vector<16xf32>,
        %add3A_113 = vector.broadcast %select_n3A : i32 to vector<16xi32>
        %add3A_114 = arith.addi %get3A_106, %add3A_113 : vector<16xi32>
        %mul3A_115 = arith.mulf %gather3A_112, %max3A : vector<16xf32>
        tpu.vector_store_idx %arg18[%add3A_114], %mul3A_115 {add = true} : memref<30720xf32, #tpu.memory_space<vmem>>[vector<16xi32>], vector<16xf32>,
        %gather3A_116 = tpu.vector_load_idx %arg11[%get3A_104] : memref<10240xf32, #tpu.memory_space<vmem>>[vector<16xi32>], vector<16xf32>,
        %add3A_117 = vector.broadcast %select_n3A_13 : i32 to vector<16xi32>
        %add3A_118 = arith.addi %get3A_106, %add3A_117 : vector<16xi32>
        %mul3A_119 = arith.mulf %gather3A_116, %max3A : vector<16xf32>
        tpu.vector_store_idx %arg18[%add3A_118], %mul3A_119 {add = true} : memref<30720xf32, #tpu.memory_space<vmem>>[vector<16xi32>], vector<16xf32>,
        %add3A_120 = arith.constant 20480 : i32
        %add3A_121 = vector.broadcast %add3A_120 : i32 to vector<16xi32>
        %add3A_122 = arith.addi %get3A_106, %add3A_121 : vector<16xi32>
        tpu.vector_store_idx %arg18[%add3A_122], %max3A masked %broadcast_in_dim3A {add = true} : memref<30720xf32, #tpu.memory_space<vmem>>[vector<16xi32>], vector<16xf32>, vector<16xi1>
        %scan3A_123 = arith.constant 1 : i32
        %scan3A_124 = arith.addi %scan3A_101, %scan3A_123 : i32
        %mul3A_125 = arith.constant 16 : i32
        %mul3A_126 = arith.muli %scan3A_124, %mul3A_125 : i32
        %get3A_127 = arith.index_cast %mul3A_126 : i32 to index
        %get3A_128 = tpu.vector_load %arg13[%get3A_127] {strides = array<i32>} : memref<6400xi32, #tpu.memory_space<vmem>>, vector<16xi32>,
        %get3A_129 = arith.index_cast %mul3A_126 : i32 to index
        %get3A_130 = tpu.vector_load %arg15[%get3A_129] {strides = array<i32>} : memref<6400xi32, #tpu.memory_space<vmem>>, vector<16xi32>,
        %gather3A_131 = tpu.vector_load_idx %arg6[%get3A_128] : memref<10240xf32, #tpu.memory_space<vmem>>[vector<16xi32>], vector<16xf32>,
        %gather3A_132 = tpu.vector_load_idx %arg7[%get3A_130] : memref<10240xf32, #tpu.memory_space<vmem>>[vector<16xi32>], vector<16xf32>,
        %gather3A_133 = tpu.vector_load_idx %arg8[%get3A_128] : memref<10240xf32, #tpu.memory_space<vmem>>[vector<16xi32>], vector<16xf32>,
        %gather3A_134 = tpu.vector_load_idx %arg9[%get3A_130] : memref<10240xf32, #tpu.memory_space<vmem>>[vector<16xi32>], vector<16xf32>,
        %mul3A_135 = arith.mulf %gather3A_131, %gather3A_132 : vector<16xf32>
        %mul3A_136 = arith.mulf %gather3A_133, %gather3A_134 : vector<16xf32>
        %max3A_137 = arith.maximumf %mul3A_135, %mul3A_136 : vector<16xf32>
        %gather3A_138 = tpu.vector_load_idx %arg10[%get3A_128] : memref<10240xf32, #tpu.memory_space<vmem>>[vector<16xi32>], vector<16xf32>,
        %add3A_139 = vector.broadcast %select_n3A : i32 to vector<16xi32>
        %add3A_140 = arith.addi %get3A_130, %add3A_139 : vector<16xi32>
        %mul3A_141 = arith.mulf %gather3A_138, %max3A_137 : vector<16xf32>
        tpu.vector_store_idx %arg18[%add3A_140], %mul3A_141 {add = true} : memref<30720xf32, #tpu.memory_space<vmem>>[vector<16xi32>], vector<16xf32>,
        %gather3A_142 = tpu.vector_load_idx %arg11[%get3A_128] : memref<10240xf32, #tpu.memory_space<vmem>>[vector<16xi32>], vector<16xf32>,
        %add3A_143 = vector.broadcast %select_n3A_13 : i32 to vector<16xi32>
        %add3A_144 = arith.addi %get3A_130, %add3A_143 : vector<16xi32>
        %mul3A_145 = arith.mulf %gather3A_142, %max3A_137 : vector<16xf32>
        tpu.vector_store_idx %arg18[%add3A_144], %mul3A_145 {add = true} : memref<30720xf32, #tpu.memory_space<vmem>>[vector<16xi32>], vector<16xf32>,
        %add3A_146 = arith.constant 20480 : i32
        %add3A_147 = vector.broadcast %add3A_146 : i32 to vector<16xi32>
        %add3A_148 = arith.addi %get3A_130, %add3A_147 : vector<16xi32>
        tpu.vector_store_idx %arg18[%add3A_148], %max3A_137 masked %broadcast_in_dim3A {add = true} : memref<30720xf32, #tpu.memory_space<vmem>>[vector<16xi32>], vector<16xf32>, vector<16xi1>
        %scan3A_149 = arith.constant 2 : i32
        %scan3A_150 = arith.addi %scan3A_101, %scan3A_149 : i32
        %mul3A_151 = arith.constant 16 : i32
        %mul3A_152 = arith.muli %scan3A_150, %mul3A_151 : i32
        %get3A_153 = arith.index_cast %mul3A_152 : i32 to index
        %get3A_154 = tpu.vector_load %arg13[%get3A_153] {strides = array<i32>} : memref<6400xi32, #tpu.memory_space<vmem>>, vector<16xi32>,
        %get3A_155 = arith.index_cast %mul3A_152 : i32 to index
        %get3A_156 = tpu.vector_load %arg15[%get3A_155] {strides = array<i32>} : memref<6400xi32, #tpu.memory_space<vmem>>, vector<16xi32>,
        %gather3A_157 = tpu.vector_load_idx %arg6[%get3A_154] : memref<10240xf32, #tpu.memory_space<vmem>>[vector<16xi32>], vector<16xf32>,
        %gather3A_158 = tpu.vector_load_idx %arg7[%get3A_156] : memref<10240xf32, #tpu.memory_space<vmem>>[vector<16xi32>], vector<16xf32>,
        %gather3A_159 = tpu.vector_load_idx %arg8[%get3A_154] : memref<10240xf32, #tpu.memory_space<vmem>>[vector<16xi32>], vector<16xf32>,
        %gather3A_160 = tpu.vector_load_idx %arg9[%get3A_156] : memref<10240xf32, #tpu.memory_space<vmem>>[vector<16xi32>], vector<16xf32>,
        %mul3A_161 = arith.mulf %gather3A_157, %gather3A_158 : vector<16xf32>
        %mul3A_162 = arith.mulf %gather3A_159, %gather3A_160 : vector<16xf32>
        %max3A_163 = arith.maximumf %mul3A_161, %mul3A_162 : vector<16xf32>
        %gather3A_164 = tpu.vector_load_idx %arg10[%get3A_154] : memref<10240xf32, #tpu.memory_space<vmem>>[vector<16xi32>], vector<16xf32>,
        %add3A_165 = vector.broadcast %select_n3A : i32 to vector<16xi32>
        %add3A_166 = arith.addi %get3A_156, %add3A_165 : vector<16xi32>
        %mul3A_167 = arith.mulf %gather3A_164, %max3A_163 : vector<16xf32>
        tpu.vector_store_idx %arg18[%add3A_166], %mul3A_167 {add = true} : memref<30720xf32, #tpu.memory_space<vmem>>[vector<16xi32>], vector<16xf32>,
        %gather3A_168 = tpu.vector_load_idx %arg11[%get3A_154] : memref<10240xf32, #tpu.memory_space<vmem>>[vector<16xi32>], vector<16xf32>,
        %add3A_169 = vector.broadcast %select_n3A_13 : i32 to vector<16xi32>
        %add3A_170 = arith.addi %get3A_156, %add3A_169 : vector<16xi32>
        %mul3A_171 = arith.mulf %gather3A_168, %max3A_163 : vector<16xf32>
        tpu.vector_store_idx %arg18[%add3A_170], %mul3A_171 {add = true} : memref<30720xf32, #tpu.memory_space<vmem>>[vector<16xi32>], vector<16xf32>,
        %add3A_172 = arith.constant 20480 : i32
        %add3A_173 = vector.broadcast %add3A_172 : i32 to vector<16xi32>
        %add3A_174 = arith.addi %get3A_156, %add3A_173 : vector<16xi32>
        tpu.vector_store_idx %arg18[%add3A_174], %max3A_163 masked %broadcast_in_dim3A {add = true} : memref<30720xf32, #tpu.memory_space<vmem>>[vector<16xi32>], vector<16xf32>, vector<16xi1>
        %scan3A_175 = arith.constant 3 : i32
        %scan3A_176 = arith.addi %scan3A_101, %scan3A_175 : i32
        %mul3A_177 = arith.constant 16 : i32
        %mul3A_178 = arith.muli %scan3A_176, %mul3A_177 : i32
        %get3A_179 = arith.index_cast %mul3A_178 : i32 to index
        %get3A_180 = tpu.vector_load %arg13[%get3A_179] {strides = array<i32>} : memref<6400xi32, #tpu.memory_space<vmem>>, vector<16xi32>,
        %get3A_181 = arith.index_cast %mul3A_178 : i32 to index
        %get3A_182 = tpu.vector_load %arg15[%get3A_181] {strides = array<i32>} : memref<6400xi32, #tpu.memory_space<vmem>>, vector<16xi32>,
        %gather3A_183 = tpu.vector_load_idx %arg6[%get3A_180] : memref<10240xf32, #tpu.memory_space<vmem>>[vector<16xi32>], vector<16xf32>,
        %gather3A_184 = tpu.vector_load_idx %arg7[%get3A_182] : memref<10240xf32, #tpu.memory_space<vmem>>[vector<16xi32>], vector<16xf32>,
        %gather3A_185 = tpu.vector_load_idx %arg8[%get3A_180] : memref<10240xf32, #tpu.memory_space<vmem>>[vector<16xi32>], vector<16xf32>,
        %gather3A_186 = tpu.vector_load_idx %arg9[%get3A_182] : memref<10240xf32, #tpu.memory_space<vmem>>[vector<16xi32>], vector<16xf32>,
        %mul3A_187 = arith.mulf %gather3A_183, %gather3A_184 : vector<16xf32>
        %mul3A_188 = arith.mulf %gather3A_185, %gather3A_186 : vector<16xf32>
        %max3A_189 = arith.maximumf %mul3A_187, %mul3A_188 : vector<16xf32>
        %gather3A_190 = tpu.vector_load_idx %arg10[%get3A_180] : memref<10240xf32, #tpu.memory_space<vmem>>[vector<16xi32>], vector<16xf32>,
        %add3A_191 = vector.broadcast %select_n3A : i32 to vector<16xi32>
        %add3A_192 = arith.addi %get3A_182, %add3A_191 : vector<16xi32>
        %mul3A_193 = arith.mulf %gather3A_190, %max3A_189 : vector<16xf32>
        tpu.vector_store_idx %arg18[%add3A_192], %mul3A_193 {add = true} : memref<30720xf32, #tpu.memory_space<vmem>>[vector<16xi32>], vector<16xf32>,
        %gather3A_194 = tpu.vector_load_idx %arg11[%get3A_180] : memref<10240xf32, #tpu.memory_space<vmem>>[vector<16xi32>], vector<16xf32>,
        %add3A_195 = vector.broadcast %select_n3A_13 : i32 to vector<16xi32>
        %add3A_196 = arith.addi %get3A_182, %add3A_195 : vector<16xi32>
        %mul3A_197 = arith.mulf %gather3A_194, %max3A_189 : vector<16xf32>
        tpu.vector_store_idx %arg18[%add3A_196], %mul3A_197 {add = true} : memref<30720xf32, #tpu.memory_space<vmem>>[vector<16xi32>], vector<16xf32>,
        %add3A_198 = arith.constant 20480 : i32
        %add3A_199 = vector.broadcast %add3A_198 : i32 to vector<16xi32>
        %add3A_200 = arith.addi %get3A_182, %add3A_199 : vector<16xi32>
        tpu.vector_store_idx %arg18[%add3A_200], %max3A_189 masked %broadcast_in_dim3A {add = true} : memref<30720xf32, #tpu.memory_space<vmem>>[vector<16xi32>], vector<16xf32>, vector<16xi1>
        %scan3A_201 = arith.constant 4 : i32
        %scan3A_202 = arith.addi %scan3A_101, %scan3A_201 : i32
        %mul3A_203 = arith.constant 16 : i32
        %mul3A_204 = arith.muli %scan3A_202, %mul3A_203 : i32
        %get3A_205 = arith.index_cast %mul3A_204 : i32 to index
        %get3A_206 = tpu.vector_load %arg13[%get3A_205] {strides = array<i32>} : memref<6400xi32, #tpu.memory_space<vmem>>, vector<16xi32>,
        %get3A_207 = arith.index_cast %mul3A_204 : i32 to index
        %get3A_208 = tpu.vector_load %arg15[%get3A_207] {strides = array<i32>} : memref<6400xi32, #tpu.memory_space<vmem>>, vector<16xi32>,
        %gather3A_209 = tpu.vector_load_idx %arg6[%get3A_206] : memref<10240xf32, #tpu.memory_space<vmem>>[vector<16xi32>], vector<16xf32>,
        %gather3A_210 = tpu.vector_load_idx %arg7[%get3A_208] : memref<10240xf32, #tpu.memory_space<vmem>>[vector<16xi32>], vector<16xf32>,
        %gather3A_211 = tpu.vector_load_idx %arg8[%get3A_206] : memref<10240xf32, #tpu.memory_space<vmem>>[vector<16xi32>], vector<16xf32>,
        %gather3A_212 = tpu.vector_load_idx %arg9[%get3A_208] : memref<10240xf32, #tpu.memory_space<vmem>>[vector<16xi32>], vector<16xf32>,
        %mul3A_213 = arith.mulf %gather3A_209, %gather3A_210 : vector<16xf32>
        %mul3A_214 = arith.mulf %gather3A_211, %gather3A_212 : vector<16xf32>
        %max3A_215 = arith.maximumf %mul3A_213, %mul3A_214 : vector<16xf32>
        %gather3A_216 = tpu.vector_load_idx %arg10[%get3A_206] : memref<10240xf32, #tpu.memory_space<vmem>>[vector<16xi32>], vector<16xf32>,
        %add3A_217 = vector.broadcast %select_n3A : i32 to vector<16xi32>
        %add3A_218 = arith.addi %get3A_208, %add3A_217 : vector<16xi32>
        %mul3A_219 = arith.mulf %gather3A_216, %max3A_215 : vector<16xf32>
        tpu.vector_store_idx %arg18[%add3A_218], %mul3A_219 {add = true} : memref<30720xf32, #tpu.memory_space<vmem>>[vector<16xi32>], vector<16xf32>,
        %gather3A_220 = tpu.vector_load_idx %arg11[%get3A_206] : memref<10240xf32, #tpu.memory_space<vmem>>[vector<16xi32>], vector<16xf32>,
        %add3A_221 = vector.broadcast %select_n3A_13 : i32 to vector<16xi32>
        %add3A_222 = arith.addi %get3A_208, %add3A_221 : vector<16xi32>
        %mul3A_223 = arith.mulf %gather3A_220, %max3A_215 : vector<16xf32>
        tpu.vector_store_idx %arg18[%add3A_222], %mul3A_223 {add = true} : memref<30720xf32, #tpu.memory_space<vmem>>[vector<16xi32>], vector<16xf32>,
        %add3A_224 = arith.constant 20480 : i32
        %add3A_225 = vector.broadcast %add3A_224 : i32 to vector<16xi32>
        %add3A_226 = arith.addi %get3A_208, %add3A_225 : vector<16xi32>
        tpu.vector_store_idx %arg18[%add3A_226], %max3A_215 masked %broadcast_in_dim3A {add = true} : memref<30720xf32, #tpu.memory_space<vmem>>[vector<16xi32>], vector<16xf32>, vector<16xi1>
        %scan3A_227 = arith.constant 5 : i32
        %scan3A_228 = arith.addi %scan3A_101, %scan3A_227 : i32
        %mul3A_229 = arith.constant 16 : i32
        %mul3A_230 = arith.muli %scan3A_228, %mul3A_229 : i32
        %get3A_231 = arith.index_cast %mul3A_230 : i32 to index
        %get3A_232 = tpu.vector_load %arg13[%get3A_231] {strides = array<i32>} : memref<6400xi32, #tpu.memory_space<vmem>>, vector<16xi32>,
        %get3A_233 = arith.index_cast %mul3A_230 : i32 to index
        %get3A_234 = tpu.vector_load %arg15[%get3A_233] {strides = array<i32>} : memref<6400xi32, #tpu.memory_space<vmem>>, vector<16xi32>,
        %gather3A_235 = tpu.vector_load_idx %arg6[%get3A_232] : memref<10240xf32, #tpu.memory_space<vmem>>[vector<16xi32>], vector<16xf32>,
        %gather3A_236 = tpu.vector_load_idx %arg7[%get3A_234] : memref<10240xf32, #tpu.memory_space<vmem>>[vector<16xi32>], vector<16xf32>,
        %gather3A_237 = tpu.vector_load_idx %arg8[%get3A_232] : memref<10240xf32, #tpu.memory_space<vmem>>[vector<16xi32>], vector<16xf32>,
        %gather3A_238 = tpu.vector_load_idx %arg9[%get3A_234] : memref<10240xf32, #tpu.memory_space<vmem>>[vector<16xi32>], vector<16xf32>,
        %mul3A_239 = arith.mulf %gather3A_235, %gather3A_236 : vector<16xf32>
        %mul3A_240 = arith.mulf %gather3A_237, %gather3A_238 : vector<16xf32>
        %max3A_241 = arith.maximumf %mul3A_239, %mul3A_240 : vector<16xf32>
        %gather3A_242 = tpu.vector_load_idx %arg10[%get3A_232] : memref<10240xf32, #tpu.memory_space<vmem>>[vector<16xi32>], vector<16xf32>,
        %add3A_243 = vector.broadcast %select_n3A : i32 to vector<16xi32>
        %add3A_244 = arith.addi %get3A_234, %add3A_243 : vector<16xi32>
        %mul3A_245 = arith.mulf %gather3A_242, %max3A_241 : vector<16xf32>
        tpu.vector_store_idx %arg18[%add3A_244], %mul3A_245 {add = true} : memref<30720xf32, #tpu.memory_space<vmem>>[vector<16xi32>], vector<16xf32>,
        %gather3A_246 = tpu.vector_load_idx %arg11[%get3A_232] : memref<10240xf32, #tpu.memory_space<vmem>>[vector<16xi32>], vector<16xf32>,
        %add3A_247 = vector.broadcast %select_n3A_13 : i32 to vector<16xi32>
        %add3A_248 = arith.addi %get3A_234, %add3A_247 : vector<16xi32>
        %mul3A_249 = arith.mulf %gather3A_246, %max3A_241 : vector<16xf32>
        tpu.vector_store_idx %arg18[%add3A_248], %mul3A_249 {add = true} : memref<30720xf32, #tpu.memory_space<vmem>>[vector<16xi32>], vector<16xf32>,
        %add3A_250 = arith.constant 20480 : i32
        %add3A_251 = vector.broadcast %add3A_250 : i32 to vector<16xi32>
        %add3A_252 = arith.addi %get3A_234, %add3A_251 : vector<16xi32>
        tpu.vector_store_idx %arg18[%add3A_252], %max3A_241 masked %broadcast_in_dim3A {add = true} : memref<30720xf32, #tpu.memory_space<vmem>>[vector<16xi32>], vector<16xf32>, vector<16xi1>
        %scan3A_253 = arith.constant 6 : i32
        %scan3A_254 = arith.addi %scan3A_101, %scan3A_253 : i32
        %mul3A_255 = arith.constant 16 : i32
        %mul3A_256 = arith.muli %scan3A_254, %mul3A_255 : i32
        %get3A_257 = arith.index_cast %mul3A_256 : i32 to index
        %get3A_258 = tpu.vector_load %arg13[%get3A_257] {strides = array<i32>} : memref<6400xi32, #tpu.memory_space<vmem>>, vector<16xi32>,
        %get3A_259 = arith.index_cast %mul3A_256 : i32 to index
        %get3A_260 = tpu.vector_load %arg15[%get3A_259] {strides = array<i32>} : memref<6400xi32, #tpu.memory_space<vmem>>, vector<16xi32>,
        %gather3A_261 = tpu.vector_load_idx %arg6[%get3A_258] : memref<10240xf32, #tpu.memory_space<vmem>>[vector<16xi32>], vector<16xf32>,
        %gather3A_262 = tpu.vector_load_idx %arg7[%get3A_260] : memref<10240xf32, #tpu.memory_space<vmem>>[vector<16xi32>], vector<16xf32>,
        %gather3A_263 = tpu.vector_load_idx %arg8[%get3A_258] : memref<10240xf32, #tpu.memory_space<vmem>>[vector<16xi32>], vector<16xf32>,
        %gather3A_264 = tpu.vector_load_idx %arg9[%get3A_260] : memref<10240xf32, #tpu.memory_space<vmem>>[vector<16xi32>], vector<16xf32>,
        %mul3A_265 = arith.mulf %gather3A_261, %gather3A_262 : vector<16xf32>
        %mul3A_266 = arith.mulf %gather3A_263, %gather3A_264 : vector<16xf32>
        %max3A_267 = arith.maximumf %mul3A_265, %mul3A_266 : vector<16xf32>
        %gather3A_268 = tpu.vector_load_idx %arg10[%get3A_258] : memref<10240xf32, #tpu.memory_space<vmem>>[vector<16xi32>], vector<16xf32>,
        %add3A_269 = vector.broadcast %select_n3A : i32 to vector<16xi32>
        %add3A_270 = arith.addi %get3A_260, %add3A_269 : vector<16xi32>
        %mul3A_271 = arith.mulf %gather3A_268, %max3A_267 : vector<16xf32>
        tpu.vector_store_idx %arg18[%add3A_270], %mul3A_271 {add = true} : memref<30720xf32, #tpu.memory_space<vmem>>[vector<16xi32>], vector<16xf32>,
        %gather3A_272 = tpu.vector_load_idx %arg11[%get3A_258] : memref<10240xf32, #tpu.memory_space<vmem>>[vector<16xi32>], vector<16xf32>,
        %add3A_273 = vector.broadcast %select_n3A_13 : i32 to vector<16xi32>
        %add3A_274 = arith.addi %get3A_260, %add3A_273 : vector<16xi32>
        %mul3A_275 = arith.mulf %gather3A_272, %max3A_267 : vector<16xf32>
        tpu.vector_store_idx %arg18[%add3A_274], %mul3A_275 {add = true} : memref<30720xf32, #tpu.memory_space<vmem>>[vector<16xi32>], vector<16xf32>,
        %add3A_276 = arith.constant 20480 : i32
        %add3A_277 = vector.broadcast %add3A_276 : i32 to vector<16xi32>
        %add3A_278 = arith.addi %get3A_260, %add3A_277 : vector<16xi32>
        tpu.vector_store_idx %arg18[%add3A_278], %max3A_267 masked %broadcast_in_dim3A {add = true} : memref<30720xf32, #tpu.memory_space<vmem>>[vector<16xi32>], vector<16xf32>, vector<16xi1>
        %scan3A_279 = arith.constant 7 : i32
        %scan3A_280 = arith.addi %scan3A_101, %scan3A_279 : i32
        %mul3A_281 = arith.constant 16 : i32
        %mul3A_282 = arith.muli %scan3A_280, %mul3A_281 : i32
        %get3A_283 = arith.index_cast %mul3A_282 : i32 to index
        %get3A_284 = tpu.vector_load %arg13[%get3A_283] {strides = array<i32>} : memref<6400xi32, #tpu.memory_space<vmem>>, vector<16xi32>,
        %get3A_285 = arith.index_cast %mul3A_282 : i32 to index
        %get3A_286 = tpu.vector_load %arg15[%get3A_285] {strides = array<i32>} : memref<6400xi32, #tpu.memory_space<vmem>>, vector<16xi32>,
        %gather3A_287 = tpu.vector_load_idx %arg6[%get3A_284] : memref<10240xf32, #tpu.memory_space<vmem>>[vector<16xi32>], vector<16xf32>,
        %gather3A_288 = tpu.vector_load_idx %arg7[%get3A_286] : memref<10240xf32, #tpu.memory_space<vmem>>[vector<16xi32>], vector<16xf32>,
        %gather3A_289 = tpu.vector_load_idx %arg8[%get3A_284] : memref<10240xf32, #tpu.memory_space<vmem>>[vector<16xi32>], vector<16xf32>,
        %gather3A_290 = tpu.vector_load_idx %arg9[%get3A_286] : memref<10240xf32, #tpu.memory_space<vmem>>[vector<16xi32>], vector<16xf32>,
        %mul3A_291 = arith.mulf %gather3A_287, %gather3A_288 : vector<16xf32>
        %mul3A_292 = arith.mulf %gather3A_289, %gather3A_290 : vector<16xf32>
        %max3A_293 = arith.maximumf %mul3A_291, %mul3A_292 : vector<16xf32>
        %gather3A_294 = tpu.vector_load_idx %arg10[%get3A_284] : memref<10240xf32, #tpu.memory_space<vmem>>[vector<16xi32>], vector<16xf32>,
        %add3A_295 = vector.broadcast %select_n3A : i32 to vector<16xi32>
        %add3A_296 = arith.addi %get3A_286, %add3A_295 : vector<16xi32>
        %mul3A_297 = arith.mulf %gather3A_294, %max3A_293 : vector<16xf32>
        tpu.vector_store_idx %arg18[%add3A_296], %mul3A_297 {add = true} : memref<30720xf32, #tpu.memory_space<vmem>>[vector<16xi32>], vector<16xf32>,
        %gather3A_298 = tpu.vector_load_idx %arg11[%get3A_284] : memref<10240xf32, #tpu.memory_space<vmem>>[vector<16xi32>], vector<16xf32>,
        %add3A_299 = vector.broadcast %select_n3A_13 : i32 to vector<16xi32>
        %add3A_300 = arith.addi %get3A_286, %add3A_299 : vector<16xi32>
        %mul3A_301 = arith.mulf %gather3A_298, %max3A_293 : vector<16xf32>
        tpu.vector_store_idx %arg18[%add3A_300], %mul3A_301 {add = true} : memref<30720xf32, #tpu.memory_space<vmem>>[vector<16xi32>], vector<16xf32>,
        %add3A_302 = arith.constant 20480 : i32
        %add3A_303 = vector.broadcast %add3A_302 : i32 to vector<16xi32>
        %add3A_304 = arith.addi %get3A_286, %add3A_303 : vector<16xi32>
        tpu.vector_store_idx %arg18[%add3A_304], %max3A_293 masked %broadcast_in_dim3A {add = true} : memref<30720xf32, #tpu.memory_space<vmem>>[vector<16xi32>], vector<16xf32>, vector<16xi1>
      }
      %scan3A_100 = arith.constant 400 : i32
    }
    %scan3A_35 = arith.constant 13 : i32
    %lt3A_36 = arith.constant 32 : i32
    %lt3A_37 = arith.cmpi slt, %add3A_4, %lt3A_36 : i32
    %convert_element_type3A = arith.extui %lt3A_37 : i1 to i32
    %cond3A = arith.constant 0 : i32
    %cond3A_38 = arith.cmpi ne, %convert_element_type3A, %cond3A : i32
    scf.if %cond3A_38 {
      "tpu.region"() ({
        %run_scoped3A_49 = tpu.sem_alloc : memref<!tpu.dma_semaphore, #tpu.memory_space<semaphore_mem>>
        %dma_start3A_50 = arith.constant 0 : i32
        %dma_start3A_51 = tpu.memref_slice %arg18[%dma_start3A_50] : memref<30720xf32, #tpu.memory_space<vmem>> -> memref<10240xf32, #tpu.memory_space<vmem>>
        %dma_start3A_52 = arith.constant 0 : i32
        %dma_start3A_53 = tpu.memref_slice %arg5[%arg0, %add3A_4, %dma_start3A_52] : memref<2x33x10240xf32, #tpu.memory_space<hbm>> -> memref<1x1x10240xf32, #tpu.memory_space<hbm>>
        %dma_start3A_54 = tpu.memref_squeeze %dma_start3A_53 : memref<1x1x10240xf32, #tpu.memory_space<hbm>> -> memref<10240xf32, #tpu.memory_space<hbm>>
        %dma_start3A_55 = arith.constant 0 : i32
        %dma_start3A_56 = tpu.memref_slice %arg5[%arg0, %add3A_4, %dma_start3A_55] : memref<2x33x10240xf32, #tpu.memory_space<hbm>> -> memref<1x1x10240xf32, #tpu.memory_space<hbm>>
        %dma_start3A_57 = tpu.memref_squeeze %dma_start3A_56 : memref<1x1x10240xf32, #tpu.memory_space<hbm>> -> memref<10240xf32, #tpu.memory_space<hbm>>
        %dma_start3A_58 = arith.constant 0 : i32
        %dma_start3A_59 = tpu.memref_slice %arg18[%dma_start3A_58] : memref<30720xf32, #tpu.memory_space<vmem>> -> memref<10240xf32, #tpu.memory_space<vmem>>
        tpu.enqueue_dma source(%dma_start3A_59 : memref<10240xf32, #tpu.memory_space<vmem>>) target(%dma_start3A_57 : memref<10240xf32, #tpu.memory_space<hbm>>) target_semaphore(%run_scoped3A_49 : memref<!tpu.dma_semaphore, #tpu.memory_space<semaphore_mem>>)
        %dma_wait3A = arith.constant 0 : i32
        %dma_wait3A_60 = tpu.memref_slice %arg18[%dma_wait3A] : memref<30720xf32, #tpu.memory_space<vmem>> -> memref<10240xf32, #tpu.memory_space<vmem>>
        %dma_wait3A_61 = arith.constant 0 : i32
        %dma_wait3A_62 = tpu.memref_slice %arg5[%arg0, %add3A_4, %dma_wait3A_61] : memref<2x33x10240xf32, #tpu.memory_space<hbm>> -> memref<1x1x10240xf32, #tpu.memory_space<hbm>>
        %dma_wait3A_63 = tpu.memref_squeeze %dma_wait3A_62 : memref<1x1x10240xf32, #tpu.memory_space<hbm>> -> memref<10240xf32, #tpu.memory_space<hbm>>
        %dma_wait3A_64 = arith.constant 0 : i32
        %dma_wait3A_65 = tpu.memref_slice %arg5[%arg0, %add3A_4, %dma_wait3A_64] : memref<2x33x10240xf32, #tpu.memory_space<hbm>> -> memref<1x1x10240xf32, #tpu.memory_space<hbm>>
        %dma_wait3A_66 = tpu.memref_squeeze %dma_wait3A_65 : memref<1x1x10240xf32, #tpu.memory_space<hbm>> -> memref<10240xf32, #tpu.memory_space<hbm>>
        %dma_wait3A_67 = arith.constant 0 : i32
        %dma_wait3A_68 = tpu.memref_slice %arg18[%dma_wait3A_67] : memref<30720xf32, #tpu.memory_space<vmem>> -> memref<10240xf32, #tpu.memory_space<vmem>>
        tpu.wait_dma2 semaphore(%run_scoped3A_49 : memref<!tpu.dma_semaphore, #tpu.memory_space<semaphore_mem>>) src(%dma_wait3A_68 : memref<10240xf32, #tpu.memory_space<vmem>>) dst(%dma_wait3A_66 : memref<10240xf32, #tpu.memory_space<hbm>>)
        tpu.yield
      }) : () -> ()
    } else {
    }
    %lt3A_39 = arith.constant 32 : i32
    %lt3A_40 = arith.cmpi slt, %add3A_6, %lt3A_39 : i32
    %convert_element_type3A_41 = arith.extui %lt3A_40 : i1 to i32
    %cond3A_42 = arith.constant 0 : i32
    %cond3A_43 = arith.cmpi ne, %convert_element_type3A_41, %cond3A_42 : i32
    scf.if %cond3A_43 {
      "tpu.region"() ({
        %run_scoped3A_49 = tpu.sem_alloc : memref<!tpu.dma_semaphore, #tpu.memory_space<semaphore_mem>>
        %dma_start3A_50 = arith.constant 10240 : i32
        %dma_start3A_51 = tpu.memref_slice %arg18[%dma_start3A_50] : memref<30720xf32, #tpu.memory_space<vmem>> -> memref<10240xf32, #tpu.memory_space<vmem>>
        %dma_start3A_52 = arith.constant 0 : i32
        %dma_start3A_53 = tpu.memref_slice %arg5[%arg0, %add3A_6, %dma_start3A_52] : memref<2x33x10240xf32, #tpu.memory_space<hbm>> -> memref<1x1x10240xf32, #tpu.memory_space<hbm>>
        %dma_start3A_54 = tpu.memref_squeeze %dma_start3A_53 : memref<1x1x10240xf32, #tpu.memory_space<hbm>> -> memref<10240xf32, #tpu.memory_space<hbm>>
        %dma_start3A_55 = arith.constant 0 : i32
        %dma_start3A_56 = tpu.memref_slice %arg5[%arg0, %add3A_6, %dma_start3A_55] : memref<2x33x10240xf32, #tpu.memory_space<hbm>> -> memref<1x1x10240xf32, #tpu.memory_space<hbm>>
        %dma_start3A_57 = tpu.memref_squeeze %dma_start3A_56 : memref<1x1x10240xf32, #tpu.memory_space<hbm>> -> memref<10240xf32, #tpu.memory_space<hbm>>
        %dma_start3A_58 = arith.constant 10240 : i32
        %dma_start3A_59 = tpu.memref_slice %arg18[%dma_start3A_58] : memref<30720xf32, #tpu.memory_space<vmem>> -> memref<10240xf32, #tpu.memory_space<vmem>>
        tpu.enqueue_dma source(%dma_start3A_59 : memref<10240xf32, #tpu.memory_space<vmem>>) target(%dma_start3A_57 : memref<10240xf32, #tpu.memory_space<hbm>>) target_semaphore(%run_scoped3A_49 : memref<!tpu.dma_semaphore, #tpu.memory_space<semaphore_mem>>)
        %dma_wait3A = arith.constant 10240 : i32
        %dma_wait3A_60 = tpu.memref_slice %arg18[%dma_wait3A] : memref<30720xf32, #tpu.memory_space<vmem>> -> memref<10240xf32, #tpu.memory_space<vmem>>
        %dma_wait3A_61 = arith.constant 0 : i32
        %dma_wait3A_62 = tpu.memref_slice %arg5[%arg0, %add3A_6, %dma_wait3A_61] : memref<2x33x10240xf32, #tpu.memory_space<hbm>> -> memref<1x1x10240xf32, #tpu.memory_space<hbm>>
        %dma_wait3A_63 = tpu.memref_squeeze %dma_wait3A_62 : memref<1x1x10240xf32, #tpu.memory_space<hbm>> -> memref<10240xf32, #tpu.memory_space<hbm>>
        %dma_wait3A_64 = arith.constant 0 : i32
        %dma_wait3A_65 = tpu.memref_slice %arg5[%arg0, %add3A_6, %dma_wait3A_64] : memref<2x33x10240xf32, #tpu.memory_space<hbm>> -> memref<1x1x10240xf32, #tpu.memory_space<hbm>>
        %dma_wait3A_66 = tpu.memref_squeeze %dma_wait3A_65 : memref<1x1x10240xf32, #tpu.memory_space<hbm>> -> memref<10240xf32, #tpu.memory_space<hbm>>
        %dma_wait3A_67 = arith.constant 10240 : i32
        %dma_wait3A_68 = tpu.memref_slice %arg18[%dma_wait3A_67] : memref<30720xf32, #tpu.memory_space<vmem>> -> memref<10240xf32, #tpu.memory_space<vmem>>
        tpu.wait_dma2 semaphore(%run_scoped3A_49 : memref<!tpu.dma_semaphore, #tpu.memory_space<semaphore_mem>>) src(%dma_wait3A_68 : memref<10240xf32, #tpu.memory_space<vmem>>) dst(%dma_wait3A_66 : memref<10240xf32, #tpu.memory_space<hbm>>)
        tpu.yield
      }) : () -> ()
    } else {
    }
    %eq3A_44 = arith.constant 0 : i32
    %eq3A_45 = arith.cmpi eq, %arg1, %eq3A_44 : i32
    %convert_element_type3A_46 = arith.extui %eq3A_45 : i1 to i32
    %cond3A_47 = arith.constant 0 : i32
    %cond3A_48 = arith.cmpi ne, %convert_element_type3A_46, %cond3A_47 : i32
    scf.if %cond3A_48 {
      %add3A_49 = arith.constant 32 : i32
      %add3A_50 = arith.addi %arg1, %add3A_49 : i32
      "tpu.region"() ({
        %run_scoped3A_51 = tpu.sem_alloc : memref<!tpu.dma_semaphore, #tpu.memory_space<semaphore_mem>>
        %dma_start3A_52 = arith.constant 20480 : i32
        %dma_start3A_53 = tpu.memref_slice %arg18[%dma_start3A_52] : memref<30720xf32, #tpu.memory_space<vmem>> -> memref<10240xf32, #tpu.memory_space<vmem>>
        %dma_start3A_54 = arith.constant 0 : i32
        %dma_start3A_55 = tpu.memref_slice %arg5[%arg0, %add3A_50, %dma_start3A_54] : memref<2x33x10240xf32, #tpu.memory_space<hbm>> -> memref<1x1x10240xf32, #tpu.memory_space<hbm>>
        %dma_start3A_56 = tpu.memref_squeeze %dma_start3A_55 : memref<1x1x10240xf32, #tpu.memory_space<hbm>> -> memref<10240xf32, #tpu.memory_space<hbm>>
        %dma_start3A_57 = arith.constant 0 : i32
        %dma_start3A_58 = tpu.memref_slice %arg5[%arg0, %add3A_50, %dma_start3A_57] : memref<2x33x10240xf32, #tpu.memory_space<hbm>> -> memref<1x1x10240xf32, #tpu.memory_space<hbm>>
        %dma_start3A_59 = tpu.memref_squeeze %dma_start3A_58 : memref<1x1x10240xf32, #tpu.memory_space<hbm>> -> memref<10240xf32, #tpu.memory_space<hbm>>
        %dma_start3A_60 = arith.constant 20480 : i32
        %dma_start3A_61 = tpu.memref_slice %arg18[%dma_start3A_60] : memref<30720xf32, #tpu.memory_space<vmem>> -> memref<10240xf32, #tpu.memory_space<vmem>>
        tpu.enqueue_dma source(%dma_start3A_61 : memref<10240xf32, #tpu.memory_space<vmem>>) target(%dma_start3A_59 : memref<10240xf32, #tpu.memory_space<hbm>>) target_semaphore(%run_scoped3A_51 : memref<!tpu.dma_semaphore, #tpu.memory_space<semaphore_mem>>)
        %dma_wait3A = arith.constant 20480 : i32
        %dma_wait3A_62 = tpu.memref_slice %arg18[%dma_wait3A] : memref<30720xf32, #tpu.memory_space<vmem>> -> memref<10240xf32, #tpu.memory_space<vmem>>
        %dma_wait3A_63 = arith.constant 0 : i32
        %dma_wait3A_64 = tpu.memref_slice %arg5[%arg0, %add3A_50, %dma_wait3A_63] : memref<2x33x10240xf32, #tpu.memory_space<hbm>> -> memref<1x1x10240xf32, #tpu.memory_space<hbm>>
        %dma_wait3A_65 = tpu.memref_squeeze %dma_wait3A_64 : memref<1x1x10240xf32, #tpu.memory_space<hbm>> -> memref<10240xf32, #tpu.memory_space<hbm>>
        %dma_wait3A_66 = arith.constant 0 : i32
        %dma_wait3A_67 = tpu.memref_slice %arg5[%arg0, %add3A_50, %dma_wait3A_66] : memref<2x33x10240xf32, #tpu.memory_space<hbm>> -> memref<1x1x10240xf32, #tpu.memory_space<hbm>>
        %dma_wait3A_68 = tpu.memref_squeeze %dma_wait3A_67 : memref<1x1x10240xf32, #tpu.memory_space<hbm>> -> memref<10240xf32, #tpu.memory_space<hbm>>
        %dma_wait3A_69 = arith.constant 20480 : i32
        %dma_wait3A_70 = tpu.memref_slice %arg18[%dma_wait3A_69] : memref<30720xf32, #tpu.memory_space<vmem>> -> memref<10240xf32, #tpu.memory_space<vmem>>
        tpu.wait_dma2 semaphore(%run_scoped3A_51 : memref<!tpu.dma_semaphore, #tpu.memory_space<semaphore_mem>>) src(%dma_wait3A_70 : memref<10240xf32, #tpu.memory_space<vmem>>) dst(%dma_wait3A_68 : memref<10240xf32, #tpu.memory_space<hbm>>)
        tpu.yield
      }) : () -> ()
    } else {
    }
    return
  }
}

#map = affine_map<(d0, d1) -> (0)>
#map1 = affine_map<(d0, d1) -> (0, 0)>
#map2 = affine_map<(d0, d1) -> (0, 0, 0)>
module attributes {stable_mosaic.version = 14 : i64} {
  func.func @body(%arg0: i32, %arg1: i32, %arg2: memref<332800xi32, #tpu.memory_space<hbm>>, %arg3: memref<332800xi32, #tpu.memory_space<hbm>>, %arg4: memref<32x10240xf32, #tpu.memory_space<hbm>>, %arg5: memref<2x21x10240xf32, #tpu.memory_space<hbm>>, %arg6: memref<10240xf32, #tpu.memory_space<vmem>>, %arg7: memref<10240xf32, #tpu.memory_space<vmem>>, %arg8: memref<10240xf32, #tpu.memory_space<vmem>>, %arg9: memref<10240xf32, #tpu.memory_space<vmem>>, %arg10: memref<10240xf32, #tpu.memory_space<vmem>>, %arg11: memref<10240xf32, #tpu.memory_space<vmem>>, %arg12: memref<6400xi32, #tpu.memory_space<vmem>>, %arg13: memref<6400xi32, #tpu.memory_space<vmem>>, %arg14: memref<6400xi32, #tpu.memory_space<vmem>>, %arg15: memref<6400xi32, #tpu.memory_space<vmem>>, %arg16: memref<!tpu.dma_semaphore, #tpu.memory_space<semaphore_mem>>, %arg17: memref<!tpu.dma_semaphore, #tpu.memory_space<semaphore_mem>>, %arg18: memref<30720xf32, #tpu.memory_space<vmem>>) attributes {dimension_semantics = [#tpu.dimension_semantics<core_parallel>, #tpu.dimension_semantics<subcore_parallel>], iteration_bounds = array<i64: 2, 16>, scalar_prefetch = 0 : i64, scratch_operands = 13 : i64, tpu.core_type = #tpu.core_type<sc_vector_subcore>, window_params = [{transform_indices = #map}, {transform_indices = #map}, {transform_indices = #map1}, {transform_indices = #map2}]} {
    %eq3A = arith.constant 4 : i32
    %eq3A_0 = arith.cmpi eq, %arg1, %eq3A : i32
    %broadcast_in_dim3A = vector.broadcast %eq3A_0 : i1 to vector<16xi1>
    %run_scoped3A = arith.constant 20 : i32
    "tpu.region"() ({
      %run_scoped3A_49 = tpu.sem_alloc : memref<!tpu.dma_semaphore, #tpu.memory_space<semaphore_mem>>
      %dma_start3A_50 = arith.constant 0 : i32
      %dma_start3A_51 = tpu.memref_slice %arg4[%run_scoped3A, %dma_start3A_50] : memref<32x10240xf32, #tpu.memory_space<hbm>> -> memref<1x10240xf32, #tpu.memory_space<hbm>>
      %dma_start3A_52 = tpu.memref_squeeze %dma_start3A_51 : memref<1x10240xf32, #tpu.memory_space<hbm>> -> memref<10240xf32, #tpu.memory_space<hbm>>
      %dma_start3A_53 = arith.constant 0 : i32
      %dma_start3A_54 = tpu.memref_slice %arg4[%run_scoped3A, %dma_start3A_53] : memref<32x10240xf32, #tpu.memory_space<hbm>> -> memref<1x10240xf32, #tpu.memory_space<hbm>>
      %dma_start3A_55 = tpu.memref_squeeze %dma_start3A_54 : memref<1x10240xf32, #tpu.memory_space<hbm>> -> memref<10240xf32, #tpu.memory_space<hbm>>
      tpu.enqueue_dma source(%dma_start3A_55 : memref<10240xf32, #tpu.memory_space<hbm>>) target(%arg6 : memref<10240xf32, #tpu.memory_space<vmem>>) target_semaphore(%run_scoped3A_49 : memref<!tpu.dma_semaphore, #tpu.memory_space<semaphore_mem>>)
      %dma_wait3A = arith.constant 0 : i32
      %dma_wait3A_56 = tpu.memref_slice %arg4[%run_scoped3A, %dma_wait3A] : memref<32x10240xf32, #tpu.memory_space<hbm>> -> memref<1x10240xf32, #tpu.memory_space<hbm>>
      %dma_wait3A_57 = tpu.memref_squeeze %dma_wait3A_56 : memref<1x10240xf32, #tpu.memory_space<hbm>> -> memref<10240xf32, #tpu.memory_space<hbm>>
      %dma_wait3A_58 = arith.constant 0 : i32
      %dma_wait3A_59 = tpu.memref_slice %arg4[%run_scoped3A, %dma_wait3A_58] : memref<32x10240xf32, #tpu.memory_space<hbm>> -> memref<1x10240xf32, #tpu.memory_space<hbm>>
      %dma_wait3A_60 = tpu.memref_squeeze %dma_wait3A_59 : memref<1x10240xf32, #tpu.memory_space<hbm>> -> memref<10240xf32, #tpu.memory_space<hbm>>
      tpu.wait_dma2 semaphore(%run_scoped3A_49 : memref<!tpu.dma_semaphore, #tpu.memory_space<semaphore_mem>>) src(%dma_wait3A_60 : memref<10240xf32, #tpu.memory_space<hbm>>) dst(%arg6 : memref<10240xf32, #tpu.memory_space<vmem>>)
      tpu.yield
    }) : () -> ()
    %run_scoped3A_1 = arith.constant 21 : i32
    "tpu.region"() ({
      %run_scoped3A_49 = tpu.sem_alloc : memref<!tpu.dma_semaphore, #tpu.memory_space<semaphore_mem>>
      %dma_start3A_50 = arith.constant 0 : i32
      %dma_start3A_51 = tpu.memref_slice %arg4[%run_scoped3A_1, %dma_start3A_50] : memref<32x10240xf32, #tpu.memory_space<hbm>> -> memref<1x10240xf32, #tpu.memory_space<hbm>>
      %dma_start3A_52 = tpu.memref_squeeze %dma_start3A_51 : memref<1x10240xf32, #tpu.memory_space<hbm>> -> memref<10240xf32, #tpu.memory_space<hbm>>
      %dma_start3A_53 = arith.constant 0 : i32
      %dma_start3A_54 = tpu.memref_slice %arg4[%run_scoped3A_1, %dma_start3A_53] : memref<32x10240xf32, #tpu.memory_space<hbm>> -> memref<1x10240xf32, #tpu.memory_space<hbm>>
      %dma_start3A_55 = tpu.memref_squeeze %dma_start3A_54 : memref<1x10240xf32, #tpu.memory_space<hbm>> -> memref<10240xf32, #tpu.memory_space<hbm>>
      tpu.enqueue_dma source(%dma_start3A_55 : memref<10240xf32, #tpu.memory_space<hbm>>) target(%arg7 : memref<10240xf32, #tpu.memory_space<vmem>>) target_semaphore(%run_scoped3A_49 : memref<!tpu.dma_semaphore, #tpu.memory_space<semaphore_mem>>)
      %dma_wait3A = arith.constant 0 : i32
      %dma_wait3A_56 = tpu.memref_slice %arg4[%run_scoped3A_1, %dma_wait3A] : memref<32x10240xf32, #tpu.memory_space<hbm>> -> memref<1x10240xf32, #tpu.memory_space<hbm>>
      %dma_wait3A_57 = tpu.memref_squeeze %dma_wait3A_56 : memref<1x10240xf32, #tpu.memory_space<hbm>> -> memref<10240xf32, #tpu.memory_space<hbm>>
      %dma_wait3A_58 = arith.constant 0 : i32
      %dma_wait3A_59 = tpu.memref_slice %arg4[%run_scoped3A_1, %dma_wait3A_58] : memref<32x10240xf32, #tpu.memory_space<hbm>> -> memref<1x10240xf32, #tpu.memory_space<hbm>>
      %dma_wait3A_60 = tpu.memref_squeeze %dma_wait3A_59 : memref<1x10240xf32, #tpu.memory_space<hbm>> -> memref<10240xf32, #tpu.memory_space<hbm>>
      tpu.wait_dma2 semaphore(%run_scoped3A_49 : memref<!tpu.dma_semaphore, #tpu.memory_space<semaphore_mem>>) src(%dma_wait3A_60 : memref<10240xf32, #tpu.memory_space<hbm>>) dst(%arg7 : memref<10240xf32, #tpu.memory_space<vmem>>)
      tpu.yield
    }) : () -> ()
    %run_scoped3A_2 = arith.constant 22 : i32
    "tpu.region"() ({
      %run_scoped3A_49 = tpu.sem_alloc : memref<!tpu.dma_semaphore, #tpu.memory_space<semaphore_mem>>
      %dma_start3A_50 = arith.constant 0 : i32
      %dma_start3A_51 = tpu.memref_slice %arg4[%run_scoped3A_2, %dma_start3A_50] : memref<32x10240xf32, #tpu.memory_space<hbm>> -> memref<1x10240xf32, #tpu.memory_space<hbm>>
      %dma_start3A_52 = tpu.memref_squeeze %dma_start3A_51 : memref<1x10240xf32, #tpu.memory_space<hbm>> -> memref<10240xf32, #tpu.memory_space<hbm>>
      %dma_start3A_53 = arith.constant 0 : i32
      %dma_start3A_54 = tpu.memref_slice %arg4[%run_scoped3A_2, %dma_start3A_53] : memref<32x10240xf32, #tpu.memory_space<hbm>> -> memref<1x10240xf32, #tpu.memory_space<hbm>>
      %dma_start3A_55 = tpu.memref_squeeze %dma_start3A_54 : memref<1x10240xf32, #tpu.memory_space<hbm>> -> memref<10240xf32, #tpu.memory_space<hbm>>
      tpu.enqueue_dma source(%dma_start3A_55 : memref<10240xf32, #tpu.memory_space<hbm>>) target(%arg8 : memref<10240xf32, #tpu.memory_space<vmem>>) target_semaphore(%run_scoped3A_49 : memref<!tpu.dma_semaphore, #tpu.memory_space<semaphore_mem>>)
      %dma_wait3A = arith.constant 0 : i32
      %dma_wait3A_56 = tpu.memref_slice %arg4[%run_scoped3A_2, %dma_wait3A] : memref<32x10240xf32, #tpu.memory_space<hbm>> -> memref<1x10240xf32, #tpu.memory_space<hbm>>
      %dma_wait3A_57 = tpu.memref_squeeze %dma_wait3A_56 : memref<1x10240xf32, #tpu.memory_space<hbm>> -> memref<10240xf32, #tpu.memory_space<hbm>>
      %dma_wait3A_58 = arith.constant 0 : i32
      %dma_wait3A_59 = tpu.memref_slice %arg4[%run_scoped3A_2, %dma_wait3A_58] : memref<32x10240xf32, #tpu.memory_space<hbm>> -> memref<1x10240xf32, #tpu.memory_space<hbm>>
      %dma_wait3A_60 = tpu.memref_squeeze %dma_wait3A_59 : memref<1x10240xf32, #tpu.memory_space<hbm>> -> memref<10240xf32, #tpu.memory_space<hbm>>
      tpu.wait_dma2 semaphore(%run_scoped3A_49 : memref<!tpu.dma_semaphore, #tpu.memory_space<semaphore_mem>>) src(%dma_wait3A_60 : memref<10240xf32, #tpu.memory_space<hbm>>) dst(%arg8 : memref<10240xf32, #tpu.memory_space<vmem>>)
      tpu.yield
    }) : () -> ()
    %run_scoped3A_3 = arith.constant 23 : i32
    "tpu.region"() ({
      %run_scoped3A_49 = tpu.sem_alloc : memref<!tpu.dma_semaphore, #tpu.memory_space<semaphore_mem>>
      %dma_start3A_50 = arith.constant 0 : i32
      %dma_start3A_51 = tpu.memref_slice %arg4[%run_scoped3A_3, %dma_start3A_50] : memref<32x10240xf32, #tpu.memory_space<hbm>> -> memref<1x10240xf32, #tpu.memory_space<hbm>>
      %dma_start3A_52 = tpu.memref_squeeze %dma_start3A_51 : memref<1x10240xf32, #tpu.memory_space<hbm>> -> memref<10240xf32, #tpu.memory_space<hbm>>
      %dma_start3A_53 = arith.constant 0 : i32
      %dma_start3A_54 = tpu.memref_slice %arg4[%run_scoped3A_3, %dma_start3A_53] : memref<32x10240xf32, #tpu.memory_space<hbm>> -> memref<1x10240xf32, #tpu.memory_space<hbm>>
      %dma_start3A_55 = tpu.memref_squeeze %dma_start3A_54 : memref<1x10240xf32, #tpu.memory_space<hbm>> -> memref<10240xf32, #tpu.memory_space<hbm>>
      tpu.enqueue_dma source(%dma_start3A_55 : memref<10240xf32, #tpu.memory_space<hbm>>) target(%arg9 : memref<10240xf32, #tpu.memory_space<vmem>>) target_semaphore(%run_scoped3A_49 : memref<!tpu.dma_semaphore, #tpu.memory_space<semaphore_mem>>)
      %dma_wait3A = arith.constant 0 : i32
      %dma_wait3A_56 = tpu.memref_slice %arg4[%run_scoped3A_3, %dma_wait3A] : memref<32x10240xf32, #tpu.memory_space<hbm>> -> memref<1x10240xf32, #tpu.memory_space<hbm>>
      %dma_wait3A_57 = tpu.memref_squeeze %dma_wait3A_56 : memref<1x10240xf32, #tpu.memory_space<hbm>> -> memref<10240xf32, #tpu.memory_space<hbm>>
      %dma_wait3A_58 = arith.constant 0 : i32
      %dma_wait3A_59 = tpu.memref_slice %arg4[%run_scoped3A_3, %dma_wait3A_58] : memref<32x10240xf32, #tpu.memory_space<hbm>> -> memref<1x10240xf32, #tpu.memory_space<hbm>>
      %dma_wait3A_60 = tpu.memref_squeeze %dma_wait3A_59 : memref<1x10240xf32, #tpu.memory_space<hbm>> -> memref<10240xf32, #tpu.memory_space<hbm>>
      tpu.wait_dma2 semaphore(%run_scoped3A_49 : memref<!tpu.dma_semaphore, #tpu.memory_space<semaphore_mem>>) src(%dma_wait3A_60 : memref<10240xf32, #tpu.memory_space<hbm>>) dst(%arg9 : memref<10240xf32, #tpu.memory_space<vmem>>)
      tpu.yield
    }) : () -> ()
    %add3A = arith.constant 0 : i32
    %add3A_4 = arith.addi %arg1, %add3A : i32
    %add3A_5 = arith.constant 16 : i32
    %add3A_6 = arith.addi %arg1, %add3A_5 : i32
    %lt3A = arith.constant 20 : i32
    %lt3A_7 = arith.cmpi slt, %add3A_4, %lt3A : i32
    %jit3A = arith.constant 0 : i32
    %jit3A_8 = arith.constant 20480 : i32
    %select_n3A = arith.select %lt3A_7, %jit3A, %jit3A_8 : i32
    %lt3A_9 = arith.constant 20 : i32
    %lt3A_10 = arith.cmpi slt, %add3A_6, %lt3A_9 : i32
    %jit3A_11 = arith.constant 10240 : i32
    %jit3A_12 = arith.constant 20480 : i32
    %select_n3A_13 = arith.select %lt3A_10, %jit3A_11, %jit3A_12 : i32
    %lt3A_14 = arith.constant 20 : i32
    %lt3A_15 = arith.cmpi slt, %add3A_4, %lt3A_14 : i32
    %jit3A_16 = arith.constant 24 : i32
    %select_n3A_17 = arith.select %lt3A_15, %add3A_4, %jit3A_16 : i32
    "tpu.region"() ({
      %run_scoped3A_49 = tpu.sem_alloc : memref<!tpu.dma_semaphore, #tpu.memory_space<semaphore_mem>>
      %dma_start3A_50 = arith.constant 0 : i32
      %dma_start3A_51 = tpu.memref_slice %arg4[%select_n3A_17, %dma_start3A_50] : memref<32x10240xf32, #tpu.memory_space<hbm>> -> memref<1x10240xf32, #tpu.memory_space<hbm>>
      %dma_start3A_52 = tpu.memref_squeeze %dma_start3A_51 : memref<1x10240xf32, #tpu.memory_space<hbm>> -> memref<10240xf32, #tpu.memory_space<hbm>>
      %dma_start3A_53 = arith.constant 0 : i32
      %dma_start3A_54 = tpu.memref_slice %arg4[%select_n3A_17, %dma_start3A_53] : memref<32x10240xf32, #tpu.memory_space<hbm>> -> memref<1x10240xf32, #tpu.memory_space<hbm>>
      %dma_start3A_55 = tpu.memref_squeeze %dma_start3A_54 : memref<1x10240xf32, #tpu.memory_space<hbm>> -> memref<10240xf32, #tpu.memory_space<hbm>>
      tpu.enqueue_dma source(%dma_start3A_55 : memref<10240xf32, #tpu.memory_space<hbm>>) target(%arg10 : memref<10240xf32, #tpu.memory_space<vmem>>) target_semaphore(%run_scoped3A_49 : memref<!tpu.dma_semaphore, #tpu.memory_space<semaphore_mem>>)
      %dma_wait3A = arith.constant 0 : i32
      %dma_wait3A_56 = tpu.memref_slice %arg4[%select_n3A_17, %dma_wait3A] : memref<32x10240xf32, #tpu.memory_space<hbm>> -> memref<1x10240xf32, #tpu.memory_space<hbm>>
      %dma_wait3A_57 = tpu.memref_squeeze %dma_wait3A_56 : memref<1x10240xf32, #tpu.memory_space<hbm>> -> memref<10240xf32, #tpu.memory_space<hbm>>
      %dma_wait3A_58 = arith.constant 0 : i32
      %dma_wait3A_59 = tpu.memref_slice %arg4[%select_n3A_17, %dma_wait3A_58] : memref<32x10240xf32, #tpu.memory_space<hbm>> -> memref<1x10240xf32, #tpu.memory_space<hbm>>
      %dma_wait3A_60 = tpu.memref_squeeze %dma_wait3A_59 : memref<1x10240xf32, #tpu.memory_space<hbm>> -> memref<10240xf32, #tpu.memory_space<hbm>>
      tpu.wait_dma2 semaphore(%run_scoped3A_49 : memref<!tpu.dma_semaphore, #tpu.memory_space<semaphore_mem>>) src(%dma_wait3A_60 : memref<10240xf32, #tpu.memory_space<hbm>>) dst(%arg10 : memref<10240xf32, #tpu.memory_space<vmem>>)
      tpu.yield
    }) : () -> ()
    %lt3A_18 = arith.constant 20 : i32
    %lt3A_19 = arith.cmpi slt, %add3A_6, %lt3A_18 : i32
    %jit3A_20 = arith.constant 24 : i32
    %select_n3A_21 = arith.select %lt3A_19, %add3A_6, %jit3A_20 : i32
    "tpu.region"() ({
      %run_scoped3A_49 = tpu.sem_alloc : memref<!tpu.dma_semaphore, #tpu.memory_space<semaphore_mem>>
      %dma_start3A_50 = arith.constant 0 : i32
      %dma_start3A_51 = tpu.memref_slice %arg4[%select_n3A_21, %dma_start3A_50] : memref<32x10240xf32, #tpu.memory_space<hbm>> -> memref<1x10240xf32, #tpu.memory_space<hbm>>
      %dma_start3A_52 = tpu.memref_squeeze %dma_start3A_51 : memref<1x10240xf32, #tpu.memory_space<hbm>> -> memref<10240xf32, #tpu.memory_space<hbm>>
      %dma_start3A_53 = arith.constant 0 : i32
      %dma_start3A_54 = tpu.memref_slice %arg4[%select_n3A_21, %dma_start3A_53] : memref<32x10240xf32, #tpu.memory_space<hbm>> -> memref<1x10240xf32, #tpu.memory_space<hbm>>
      %dma_start3A_55 = tpu.memref_squeeze %dma_start3A_54 : memref<1x10240xf32, #tpu.memory_space<hbm>> -> memref<10240xf32, #tpu.memory_space<hbm>>
      tpu.enqueue_dma source(%dma_start3A_55 : memref<10240xf32, #tpu.memory_space<hbm>>) target(%arg11 : memref<10240xf32, #tpu.memory_space<vmem>>) target_semaphore(%run_scoped3A_49 : memref<!tpu.dma_semaphore, #tpu.memory_space<semaphore_mem>>)
      %dma_wait3A = arith.constant 0 : i32
      %dma_wait3A_56 = tpu.memref_slice %arg4[%select_n3A_21, %dma_wait3A] : memref<32x10240xf32, #tpu.memory_space<hbm>> -> memref<1x10240xf32, #tpu.memory_space<hbm>>
      %dma_wait3A_57 = tpu.memref_squeeze %dma_wait3A_56 : memref<1x10240xf32, #tpu.memory_space<hbm>> -> memref<10240xf32, #tpu.memory_space<hbm>>
      %dma_wait3A_58 = arith.constant 0 : i32
      %dma_wait3A_59 = tpu.memref_slice %arg4[%select_n3A_21, %dma_wait3A_58] : memref<32x10240xf32, #tpu.memory_space<hbm>> -> memref<1x10240xf32, #tpu.memory_space<hbm>>
      %dma_wait3A_60 = tpu.memref_squeeze %dma_wait3A_59 : memref<1x10240xf32, #tpu.memory_space<hbm>> -> memref<10240xf32, #tpu.memory_space<hbm>>
      tpu.wait_dma2 semaphore(%run_scoped3A_49 : memref<!tpu.dma_semaphore, #tpu.memory_space<semaphore_mem>>) src(%dma_wait3A_60 : memref<10240xf32, #tpu.memory_space<hbm>>) dst(%arg11 : memref<10240xf32, #tpu.memory_space<vmem>>)
      tpu.yield
    }) : () -> ()
    %run_scoped3A_22 = arith.constant 24 : i32
    "tpu.region"() ({
      %run_scoped3A_49 = tpu.sem_alloc : memref<!tpu.dma_semaphore, #tpu.memory_space<semaphore_mem>>
      %dma_start3A_50 = arith.constant 0 : i32
      %dma_start3A_51 = tpu.memref_slice %arg18[%dma_start3A_50] : memref<30720xf32, #tpu.memory_space<vmem>> -> memref<10240xf32, #tpu.memory_space<vmem>>
      %dma_start3A_52 = arith.constant 0 : i32
      %dma_start3A_53 = tpu.memref_slice %arg4[%run_scoped3A_22, %dma_start3A_52] : memref<32x10240xf32, #tpu.memory_space<hbm>> -> memref<1x10240xf32, #tpu.memory_space<hbm>>
      %dma_start3A_54 = tpu.memref_squeeze %dma_start3A_53 : memref<1x10240xf32, #tpu.memory_space<hbm>> -> memref<10240xf32, #tpu.memory_space<hbm>>
      %dma_start3A_55 = arith.constant 0 : i32
      %dma_start3A_56 = tpu.memref_slice %arg18[%dma_start3A_55] : memref<30720xf32, #tpu.memory_space<vmem>> -> memref<10240xf32, #tpu.memory_space<vmem>>
      %dma_start3A_57 = arith.constant 0 : i32
      %dma_start3A_58 = tpu.memref_slice %arg4[%run_scoped3A_22, %dma_start3A_57] : memref<32x10240xf32, #tpu.memory_space<hbm>> -> memref<1x10240xf32, #tpu.memory_space<hbm>>
      %dma_start3A_59 = tpu.memref_squeeze %dma_start3A_58 : memref<1x10240xf32, #tpu.memory_space<hbm>> -> memref<10240xf32, #tpu.memory_space<hbm>>
      tpu.enqueue_dma source(%dma_start3A_59 : memref<10240xf32, #tpu.memory_space<hbm>>) target(%dma_start3A_56 : memref<10240xf32, #tpu.memory_space<vmem>>) target_semaphore(%run_scoped3A_49 : memref<!tpu.dma_semaphore, #tpu.memory_space<semaphore_mem>>)
      %dma_wait3A = arith.constant 0 : i32
      %dma_wait3A_60 = tpu.memref_slice %arg18[%dma_wait3A] : memref<30720xf32, #tpu.memory_space<vmem>> -> memref<10240xf32, #tpu.memory_space<vmem>>
      %dma_wait3A_61 = arith.constant 0 : i32
      %dma_wait3A_62 = tpu.memref_slice %arg4[%run_scoped3A_22, %dma_wait3A_61] : memref<32x10240xf32, #tpu.memory_space<hbm>> -> memref<1x10240xf32, #tpu.memory_space<hbm>>
      %dma_wait3A_63 = tpu.memref_squeeze %dma_wait3A_62 : memref<1x10240xf32, #tpu.memory_space<hbm>> -> memref<10240xf32, #tpu.memory_space<hbm>>
      %dma_wait3A_64 = arith.constant 0 : i32
      %dma_wait3A_65 = tpu.memref_slice %arg18[%dma_wait3A_64] : memref<30720xf32, #tpu.memory_space<vmem>> -> memref<10240xf32, #tpu.memory_space<vmem>>
      %dma_wait3A_66 = arith.constant 0 : i32
      %dma_wait3A_67 = tpu.memref_slice %arg4[%run_scoped3A_22, %dma_wait3A_66] : memref<32x10240xf32, #tpu.memory_space<hbm>> -> memref<1x10240xf32, #tpu.memory_space<hbm>>
      %dma_wait3A_68 = tpu.memref_squeeze %dma_wait3A_67 : memref<1x10240xf32, #tpu.memory_space<hbm>> -> memref<10240xf32, #tpu.memory_space<hbm>>
      tpu.wait_dma2 semaphore(%run_scoped3A_49 : memref<!tpu.dma_semaphore, #tpu.memory_space<semaphore_mem>>) src(%dma_wait3A_68 : memref<10240xf32, #tpu.memory_space<hbm>>) dst(%dma_wait3A_65 : memref<10240xf32, #tpu.memory_space<vmem>>)
      tpu.yield
    }) : () -> ()
    %run_scoped3A_23 = arith.constant 24 : i32
    "tpu.region"() ({
      %run_scoped3A_49 = tpu.sem_alloc : memref<!tpu.dma_semaphore, #tpu.memory_space<semaphore_mem>>
      %dma_start3A_50 = arith.constant 10240 : i32
      %dma_start3A_51 = tpu.memref_slice %arg18[%dma_start3A_50] : memref<30720xf32, #tpu.memory_space<vmem>> -> memref<10240xf32, #tpu.memory_space<vmem>>
      %dma_start3A_52 = arith.constant 0 : i32
      %dma_start3A_53 = tpu.memref_slice %arg4[%run_scoped3A_23, %dma_start3A_52] : memref<32x10240xf32, #tpu.memory_space<hbm>> -> memref<1x10240xf32, #tpu.memory_space<hbm>>
      %dma_start3A_54 = tpu.memref_squeeze %dma_start3A_53 : memref<1x10240xf32, #tpu.memory_space<hbm>> -> memref<10240xf32, #tpu.memory_space<hbm>>
      %dma_start3A_55 = arith.constant 10240 : i32
      %dma_start3A_56 = tpu.memref_slice %arg18[%dma_start3A_55] : memref<30720xf32, #tpu.memory_space<vmem>> -> memref<10240xf32, #tpu.memory_space<vmem>>
      %dma_start3A_57 = arith.constant 0 : i32
      %dma_start3A_58 = tpu.memref_slice %arg4[%run_scoped3A_23, %dma_start3A_57] : memref<32x10240xf32, #tpu.memory_space<hbm>> -> memref<1x10240xf32, #tpu.memory_space<hbm>>
      %dma_start3A_59 = tpu.memref_squeeze %dma_start3A_58 : memref<1x10240xf32, #tpu.memory_space<hbm>> -> memref<10240xf32, #tpu.memory_space<hbm>>
      tpu.enqueue_dma source(%dma_start3A_59 : memref<10240xf32, #tpu.memory_space<hbm>>) target(%dma_start3A_56 : memref<10240xf32, #tpu.memory_space<vmem>>) target_semaphore(%run_scoped3A_49 : memref<!tpu.dma_semaphore, #tpu.memory_space<semaphore_mem>>)
      %dma_wait3A = arith.constant 10240 : i32
      %dma_wait3A_60 = tpu.memref_slice %arg18[%dma_wait3A] : memref<30720xf32, #tpu.memory_space<vmem>> -> memref<10240xf32, #tpu.memory_space<vmem>>
      %dma_wait3A_61 = arith.constant 0 : i32
      %dma_wait3A_62 = tpu.memref_slice %arg4[%run_scoped3A_23, %dma_wait3A_61] : memref<32x10240xf32, #tpu.memory_space<hbm>> -> memref<1x10240xf32, #tpu.memory_space<hbm>>
      %dma_wait3A_63 = tpu.memref_squeeze %dma_wait3A_62 : memref<1x10240xf32, #tpu.memory_space<hbm>> -> memref<10240xf32, #tpu.memory_space<hbm>>
      %dma_wait3A_64 = arith.constant 10240 : i32
      %dma_wait3A_65 = tpu.memref_slice %arg18[%dma_wait3A_64] : memref<30720xf32, #tpu.memory_space<vmem>> -> memref<10240xf32, #tpu.memory_space<vmem>>
      %dma_wait3A_66 = arith.constant 0 : i32
      %dma_wait3A_67 = tpu.memref_slice %arg4[%run_scoped3A_23, %dma_wait3A_66] : memref<32x10240xf32, #tpu.memory_space<hbm>> -> memref<1x10240xf32, #tpu.memory_space<hbm>>
      %dma_wait3A_68 = tpu.memref_squeeze %dma_wait3A_67 : memref<1x10240xf32, #tpu.memory_space<hbm>> -> memref<10240xf32, #tpu.memory_space<hbm>>
      tpu.wait_dma2 semaphore(%run_scoped3A_49 : memref<!tpu.dma_semaphore, #tpu.memory_space<semaphore_mem>>) src(%dma_wait3A_68 : memref<10240xf32, #tpu.memory_space<hbm>>) dst(%dma_wait3A_65 : memref<10240xf32, #tpu.memory_space<vmem>>)
      tpu.yield
    }) : () -> ()
    %run_scoped3A_24 = arith.constant 24 : i32
    "tpu.region"() ({
      %run_scoped3A_49 = tpu.sem_alloc : memref<!tpu.dma_semaphore, #tpu.memory_space<semaphore_mem>>
      %dma_start3A_50 = arith.constant 20480 : i32
      %dma_start3A_51 = tpu.memref_slice %arg18[%dma_start3A_50] : memref<30720xf32, #tpu.memory_space<vmem>> -> memref<10240xf32, #tpu.memory_space<vmem>>
      %dma_start3A_52 = arith.constant 0 : i32
      %dma_start3A_53 = tpu.memref_slice %arg4[%run_scoped3A_24, %dma_start3A_52] : memref<32x10240xf32, #tpu.memory_space<hbm>> -> memref<1x10240xf32, #tpu.memory_space<hbm>>
      %dma_start3A_54 = tpu.memref_squeeze %dma_start3A_53 : memref<1x10240xf32, #tpu.memory_space<hbm>> -> memref<10240xf32, #tpu.memory_space<hbm>>
      %dma_start3A_55 = arith.constant 20480 : i32
      %dma_start3A_56 = tpu.memref_slice %arg18[%dma_start3A_55] : memref<30720xf32, #tpu.memory_space<vmem>> -> memref<10240xf32, #tpu.memory_space<vmem>>
      %dma_start3A_57 = arith.constant 0 : i32
      %dma_start3A_58 = tpu.memref_slice %arg4[%run_scoped3A_24, %dma_start3A_57] : memref<32x10240xf32, #tpu.memory_space<hbm>> -> memref<1x10240xf32, #tpu.memory_space<hbm>>
      %dma_start3A_59 = tpu.memref_squeeze %dma_start3A_58 : memref<1x10240xf32, #tpu.memory_space<hbm>> -> memref<10240xf32, #tpu.memory_space<hbm>>
      tpu.enqueue_dma source(%dma_start3A_59 : memref<10240xf32, #tpu.memory_space<hbm>>) target(%dma_start3A_56 : memref<10240xf32, #tpu.memory_space<vmem>>) target_semaphore(%run_scoped3A_49 : memref<!tpu.dma_semaphore, #tpu.memory_space<semaphore_mem>>)
      %dma_wait3A = arith.constant 20480 : i32
      %dma_wait3A_60 = tpu.memref_slice %arg18[%dma_wait3A] : memref<30720xf32, #tpu.memory_space<vmem>> -> memref<10240xf32, #tpu.memory_space<vmem>>
      %dma_wait3A_61 = arith.constant 0 : i32
      %dma_wait3A_62 = tpu.memref_slice %arg4[%run_scoped3A_24, %dma_wait3A_61] : memref<32x10240xf32, #tpu.memory_space<hbm>> -> memref<1x10240xf32, #tpu.memory_space<hbm>>
      %dma_wait3A_63 = tpu.memref_squeeze %dma_wait3A_62 : memref<1x10240xf32, #tpu.memory_space<hbm>> -> memref<10240xf32, #tpu.memory_space<hbm>>
      %dma_wait3A_64 = arith.constant 20480 : i32
      %dma_wait3A_65 = tpu.memref_slice %arg18[%dma_wait3A_64] : memref<30720xf32, #tpu.memory_space<vmem>> -> memref<10240xf32, #tpu.memory_space<vmem>>
      %dma_wait3A_66 = arith.constant 0 : i32
      %dma_wait3A_67 = tpu.memref_slice %arg4[%run_scoped3A_24, %dma_wait3A_66] : memref<32x10240xf32, #tpu.memory_space<hbm>> -> memref<1x10240xf32, #tpu.memory_space<hbm>>
      %dma_wait3A_68 = tpu.memref_squeeze %dma_wait3A_67 : memref<1x10240xf32, #tpu.memory_space<hbm>> -> memref<10240xf32, #tpu.memory_space<hbm>>
      tpu.wait_dma2 semaphore(%run_scoped3A_49 : memref<!tpu.dma_semaphore, #tpu.memory_space<semaphore_mem>>) src(%dma_wait3A_68 : memref<10240xf32, #tpu.memory_space<hbm>>) dst(%dma_wait3A_65 : memref<10240xf32, #tpu.memory_space<vmem>>)
      tpu.yield
    }) : () -> ()
    %mul3A = arith.constant 166400 : i32
    %mul3A_25 = arith.muli %arg0, %mul3A : i32
    %add3A_26 = arith.constant 0 : i32
    %add3A_27 = arith.addi %mul3A_25, %add3A_26 : i32
    %dma_start3A = tpu.memref_slice %arg2[%add3A_27] : memref<332800xi32, #tpu.memory_space<hbm>> -> memref<6400xi32, #tpu.memory_space<hbm>>
    %dma_start3A_28 = tpu.memref_slice %arg2[%add3A_27] : memref<332800xi32, #tpu.memory_space<hbm>> -> memref<6400xi32, #tpu.memory_space<hbm>>
    tpu.enqueue_dma source(%dma_start3A_28 : memref<6400xi32, #tpu.memory_space<hbm>>) target(%arg12 : memref<6400xi32, #tpu.memory_space<vmem>>) target_semaphore(%arg16 : memref<!tpu.dma_semaphore, #tpu.memory_space<semaphore_mem>>)
    %dma_start3A_29 = tpu.memref_slice %arg3[%add3A_27] : memref<332800xi32, #tpu.memory_space<hbm>> -> memref<6400xi32, #tpu.memory_space<hbm>>
    %dma_start3A_30 = tpu.memref_slice %arg3[%add3A_27] : memref<332800xi32, #tpu.memory_space<hbm>> -> memref<6400xi32, #tpu.memory_space<hbm>>
    tpu.enqueue_dma source(%dma_start3A_30 : memref<6400xi32, #tpu.memory_space<hbm>>) target(%arg14 : memref<6400xi32, #tpu.memory_space<vmem>>) target_semaphore(%arg16 : memref<!tpu.dma_semaphore, #tpu.memory_space<semaphore_mem>>)
    %scan3A = arith.constant 0 : i32
    %scan3A_31 = arith.constant 0 : i32
    %scan3A_32 = arith.constant 13 : i32
    %scan3A_33 = arith.addi %scan3A_31, %scan3A_32 : i32
    %scan3A_34 = arith.constant 1 : i32
    scf.for %scan3A_49 = %scan3A_31 to %scan3A_33 step %scan3A_34  : i32 {
      %mul3A_50 = arith.constant 2 : i32
      %mul3A_51 = arith.muli %mul3A_50, %scan3A_49 : i32
      %add3A_52 = arith.constant 0 : i32
      %add3A_53 = arith.addi %mul3A_51, %add3A_52 : i32
      %add3A_54 = arith.constant 1 : i32
      %add3A_55 = arith.addi %add3A_53, %add3A_54 : i32
      %lt3A_56 = arith.constant 26 : i32
      %lt3A_57 = arith.cmpi slt, %add3A_55, %lt3A_56 : i32
      %convert_element_type3A_58 = arith.extui %lt3A_57 : i1 to i32
      %cond3A_59 = arith.constant 0 : i32
      %cond3A_60 = arith.cmpi ne, %convert_element_type3A_58, %cond3A_59 : i32
      scf.if %cond3A_60 {
        %add3A_101 = arith.constant 1 : i32
        %add3A_102 = arith.addi %add3A_53, %add3A_101 : i32
        %mul3A_103 = arith.constant 166400 : i32
        %mul3A_104 = arith.muli %arg0, %mul3A_103 : i32
        %mul3A_105 = arith.constant 6400 : i32
        %mul3A_106 = arith.muli %add3A_102, %mul3A_105 : i32
        %add3A_107 = arith.addi %mul3A_104, %mul3A_106 : i32
        %dma_start3A_108 = tpu.memref_slice %arg2[%add3A_107] : memref<332800xi32, #tpu.memory_space<hbm>> -> memref<6400xi32, #tpu.memory_space<hbm>>
        %dma_start3A_109 = tpu.memref_slice %arg2[%add3A_107] : memref<332800xi32, #tpu.memory_space<hbm>> -> memref<6400xi32, #tpu.memory_space<hbm>>
        tpu.enqueue_dma source(%dma_start3A_109 : memref<6400xi32, #tpu.memory_space<hbm>>) target(%arg13 : memref<6400xi32, #tpu.memory_space<vmem>>) target_semaphore(%arg17 : memref<!tpu.dma_semaphore, #tpu.memory_space<semaphore_mem>>)
        %dma_start3A_110 = tpu.memref_slice %arg3[%add3A_107] : memref<332800xi32, #tpu.memory_space<hbm>> -> memref<6400xi32, #tpu.memory_space<hbm>>
        %dma_start3A_111 = tpu.memref_slice %arg3[%add3A_107] : memref<332800xi32, #tpu.memory_space<hbm>> -> memref<6400xi32, #tpu.memory_space<hbm>>
        tpu.enqueue_dma source(%dma_start3A_111 : memref<6400xi32, #tpu.memory_space<hbm>>) target(%arg15 : memref<6400xi32, #tpu.memory_space<vmem>>) target_semaphore(%arg17 : memref<!tpu.dma_semaphore, #tpu.memory_space<semaphore_mem>>)
      } else {
      }
      %mul3A_61 = arith.constant 166400 : i32
      %mul3A_62 = arith.muli %arg0, %mul3A_61 : i32
      %mul3A_63 = arith.constant 6400 : i32
      %mul3A_64 = arith.muli %add3A_53, %mul3A_63 : i32
      %add3A_65 = arith.addi %mul3A_62, %mul3A_64 : i32
      %dma_wait3A = tpu.memref_slice %arg2[%add3A_65] : memref<332800xi32, #tpu.memory_space<hbm>> -> memref<6400xi32, #tpu.memory_space<hbm>>
      %dma_wait3A_66 = tpu.memref_slice %arg2[%add3A_65] : memref<332800xi32, #tpu.memory_space<hbm>> -> memref<6400xi32, #tpu.memory_space<hbm>>
      tpu.wait_dma2 semaphore(%arg16 : memref<!tpu.dma_semaphore, #tpu.memory_space<semaphore_mem>>) src(%dma_wait3A_66 : memref<6400xi32, #tpu.memory_space<hbm>>) dst(%arg12 : memref<6400xi32, #tpu.memory_space<vmem>>)
      %dma_wait3A_67 = tpu.memref_slice %arg3[%add3A_65] : memref<332800xi32, #tpu.memory_space<hbm>> -> memref<6400xi32, #tpu.memory_space<hbm>>
      %dma_wait3A_68 = tpu.memref_slice %arg3[%add3A_65] : memref<332800xi32, #tpu.memory_space<hbm>> -> memref<6400xi32, #tpu.memory_space<hbm>>
      tpu.wait_dma2 semaphore(%arg16 : memref<!tpu.dma_semaphore, #tpu.memory_space<semaphore_mem>>) src(%dma_wait3A_68 : memref<6400xi32, #tpu.memory_space<hbm>>) dst(%arg14 : memref<6400xi32, #tpu.memory_space<vmem>>)
      %scan3A_69 = arith.constant 0 : i32
      %scan3A_70 = arith.constant 0 : i32
      %scan3A_71 = arith.constant 400 : i32
      %scan3A_72 = arith.addi %scan3A_70, %scan3A_71 : i32
      %scan3A_73 = arith.constant 8 : i32
      scf.for %scan3A_101 = %scan3A_70 to %scan3A_72 step %scan3A_73  : i32 {
        %mul3A_102 = arith.constant 16 : i32
        %mul3A_103 = arith.muli %scan3A_101, %mul3A_102 : i32
        %get3A = arith.index_cast %mul3A_103 : i32 to index
        %get3A_104 = tpu.vector_load %arg12[%get3A] {strides = array<i32>} : memref<6400xi32, #tpu.memory_space<vmem>>, vector<16xi32>,
        %get3A_105 = arith.index_cast %mul3A_103 : i32 to index
        %get3A_106 = tpu.vector_load %arg14[%get3A_105] {strides = array<i32>} : memref<6400xi32, #tpu.memory_space<vmem>>, vector<16xi32>,
        %gather3A = tpu.vector_load_idx %arg6[%get3A_104] : memref<10240xf32, #tpu.memory_space<vmem>>[vector<16xi32>], vector<16xf32>,
        %gather3A_107 = tpu.vector_load_idx %arg7[%get3A_106] : memref<10240xf32, #tpu.memory_space<vmem>>[vector<16xi32>], vector<16xf32>,
        %gather3A_108 = tpu.vector_load_idx %arg8[%get3A_104] : memref<10240xf32, #tpu.memory_space<vmem>>[vector<16xi32>], vector<16xf32>,
        %gather3A_109 = tpu.vector_load_idx %arg9[%get3A_106] : memref<10240xf32, #tpu.memory_space<vmem>>[vector<16xi32>], vector<16xf32>,
        %mul3A_110 = arith.mulf %gather3A, %gather3A_107 : vector<16xf32>
        %mul3A_111 = arith.mulf %gather3A_108, %gather3A_109 : vector<16xf32>
        %max3A = arith.maximumf %mul3A_110, %mul3A_111 : vector<16xf32>
        %gather3A_112 = tpu.vector_load_idx %arg10[%get3A_104] : memref<10240xf32, #tpu.memory_space<vmem>>[vector<16xi32>], vector<16xf32>,
        %add3A_113 = vector.broadcast %select_n3A : i32 to vector<16xi32>
        %add3A_114 = arith.addi %get3A_106, %add3A_113 : vector<16xi32>
        %mul3A_115 = arith.mulf %gather3A_112, %max3A : vector<16xf32>
        tpu.vector_store_idx %arg18[%add3A_114], %mul3A_115 {add = true} : memref<30720xf32, #tpu.memory_space<vmem>>[vector<16xi32>], vector<16xf32>,
        %gather3A_116 = tpu.vector_load_idx %arg11[%get3A_104] : memref<10240xf32, #tpu.memory_space<vmem>>[vector<16xi32>], vector<16xf32>,
        %add3A_117 = vector.broadcast %select_n3A_13 : i32 to vector<16xi32>
        %add3A_118 = arith.addi %get3A_106, %add3A_117 : vector<16xi32>
        %mul3A_119 = arith.mulf %gather3A_116, %max3A : vector<16xf32>
        tpu.vector_store_idx %arg18[%add3A_118], %mul3A_119 {add = true} : memref<30720xf32, #tpu.memory_space<vmem>>[vector<16xi32>], vector<16xf32>,
        %add3A_120 = arith.constant 20480 : i32
        %add3A_121 = vector.broadcast %add3A_120 : i32 to vector<16xi32>
        %add3A_122 = arith.addi %get3A_106, %add3A_121 : vector<16xi32>
        tpu.vector_store_idx %arg18[%add3A_122], %max3A masked %broadcast_in_dim3A {add = true} : memref<30720xf32, #tpu.memory_space<vmem>>[vector<16xi32>], vector<16xf32>, vector<16xi1>
        %scan3A_123 = arith.constant 1 : i32
        %scan3A_124 = arith.addi %scan3A_101, %scan3A_123 : i32
        %mul3A_125 = arith.constant 16 : i32
        %mul3A_126 = arith.muli %scan3A_124, %mul3A_125 : i32
        %get3A_127 = arith.index_cast %mul3A_126 : i32 to index
        %get3A_128 = tpu.vector_load %arg12[%get3A_127] {strides = array<i32>} : memref<6400xi32, #tpu.memory_space<vmem>>, vector<16xi32>,
        %get3A_129 = arith.index_cast %mul3A_126 : i32 to index
        %get3A_130 = tpu.vector_load %arg14[%get3A_129] {strides = array<i32>} : memref<6400xi32, #tpu.memory_space<vmem>>, vector<16xi32>,
        %gather3A_131 = tpu.vector_load_idx %arg6[%get3A_128] : memref<10240xf32, #tpu.memory_space<vmem>>[vector<16xi32>], vector<16xf32>,
        %gather3A_132 = tpu.vector_load_idx %arg7[%get3A_130] : memref<10240xf32, #tpu.memory_space<vmem>>[vector<16xi32>], vector<16xf32>,
        %gather3A_133 = tpu.vector_load_idx %arg8[%get3A_128] : memref<10240xf32, #tpu.memory_space<vmem>>[vector<16xi32>], vector<16xf32>,
        %gather3A_134 = tpu.vector_load_idx %arg9[%get3A_130] : memref<10240xf32, #tpu.memory_space<vmem>>[vector<16xi32>], vector<16xf32>,
        %mul3A_135 = arith.mulf %gather3A_131, %gather3A_132 : vector<16xf32>
        %mul3A_136 = arith.mulf %gather3A_133, %gather3A_134 : vector<16xf32>
        %max3A_137 = arith.maximumf %mul3A_135, %mul3A_136 : vector<16xf32>
        %gather3A_138 = tpu.vector_load_idx %arg10[%get3A_128] : memref<10240xf32, #tpu.memory_space<vmem>>[vector<16xi32>], vector<16xf32>,
        %add3A_139 = vector.broadcast %select_n3A : i32 to vector<16xi32>
        %add3A_140 = arith.addi %get3A_130, %add3A_139 : vector<16xi32>
        %mul3A_141 = arith.mulf %gather3A_138, %max3A_137 : vector<16xf32>
        tpu.vector_store_idx %arg18[%add3A_140], %mul3A_141 {add = true} : memref<30720xf32, #tpu.memory_space<vmem>>[vector<16xi32>], vector<16xf32>,
        %gather3A_142 = tpu.vector_load_idx %arg11[%get3A_128] : memref<10240xf32, #tpu.memory_space<vmem>>[vector<16xi32>], vector<16xf32>,
        %add3A_143 = vector.broadcast %select_n3A_13 : i32 to vector<16xi32>
        %add3A_144 = arith.addi %get3A_130, %add3A_143 : vector<16xi32>
        %mul3A_145 = arith.mulf %gather3A_142, %max3A_137 : vector<16xf32>
        tpu.vector_store_idx %arg18[%add3A_144], %mul3A_145 {add = true} : memref<30720xf32, #tpu.memory_space<vmem>>[vector<16xi32>], vector<16xf32>,
        %add3A_146 = arith.constant 20480 : i32
        %add3A_147 = vector.broadcast %add3A_146 : i32 to vector<16xi32>
        %add3A_148 = arith.addi %get3A_130, %add3A_147 : vector<16xi32>
        tpu.vector_store_idx %arg18[%add3A_148], %max3A_137 masked %broadcast_in_dim3A {add = true} : memref<30720xf32, #tpu.memory_space<vmem>>[vector<16xi32>], vector<16xf32>, vector<16xi1>
        %scan3A_149 = arith.constant 2 : i32
        %scan3A_150 = arith.addi %scan3A_101, %scan3A_149 : i32
        %mul3A_151 = arith.constant 16 : i32
        %mul3A_152 = arith.muli %scan3A_150, %mul3A_151 : i32
        %get3A_153 = arith.index_cast %mul3A_152 : i32 to index
        %get3A_154 = tpu.vector_load %arg12[%get3A_153] {strides = array<i32>} : memref<6400xi32, #tpu.memory_space<vmem>>, vector<16xi32>,
        %get3A_155 = arith.index_cast %mul3A_152 : i32 to index
        %get3A_156 = tpu.vector_load %arg14[%get3A_155] {strides = array<i32>} : memref<6400xi32, #tpu.memory_space<vmem>>, vector<16xi32>,
        %gather3A_157 = tpu.vector_load_idx %arg6[%get3A_154] : memref<10240xf32, #tpu.memory_space<vmem>>[vector<16xi32>], vector<16xf32>,
        %gather3A_158 = tpu.vector_load_idx %arg7[%get3A_156] : memref<10240xf32, #tpu.memory_space<vmem>>[vector<16xi32>], vector<16xf32>,
        %gather3A_159 = tpu.vector_load_idx %arg8[%get3A_154] : memref<10240xf32, #tpu.memory_space<vmem>>[vector<16xi32>], vector<16xf32>,
        %gather3A_160 = tpu.vector_load_idx %arg9[%get3A_156] : memref<10240xf32, #tpu.memory_space<vmem>>[vector<16xi32>], vector<16xf32>,
        %mul3A_161 = arith.mulf %gather3A_157, %gather3A_158 : vector<16xf32>
        %mul3A_162 = arith.mulf %gather3A_159, %gather3A_160 : vector<16xf32>
        %max3A_163 = arith.maximumf %mul3A_161, %mul3A_162 : vector<16xf32>
        %gather3A_164 = tpu.vector_load_idx %arg10[%get3A_154] : memref<10240xf32, #tpu.memory_space<vmem>>[vector<16xi32>], vector<16xf32>,
        %add3A_165 = vector.broadcast %select_n3A : i32 to vector<16xi32>
        %add3A_166 = arith.addi %get3A_156, %add3A_165 : vector<16xi32>
        %mul3A_167 = arith.mulf %gather3A_164, %max3A_163 : vector<16xf32>
        tpu.vector_store_idx %arg18[%add3A_166], %mul3A_167 {add = true} : memref<30720xf32, #tpu.memory_space<vmem>>[vector<16xi32>], vector<16xf32>,
        %gather3A_168 = tpu.vector_load_idx %arg11[%get3A_154] : memref<10240xf32, #tpu.memory_space<vmem>>[vector<16xi32>], vector<16xf32>,
        %add3A_169 = vector.broadcast %select_n3A_13 : i32 to vector<16xi32>
        %add3A_170 = arith.addi %get3A_156, %add3A_169 : vector<16xi32>
        %mul3A_171 = arith.mulf %gather3A_168, %max3A_163 : vector<16xf32>
        tpu.vector_store_idx %arg18[%add3A_170], %mul3A_171 {add = true} : memref<30720xf32, #tpu.memory_space<vmem>>[vector<16xi32>], vector<16xf32>,
        %add3A_172 = arith.constant 20480 : i32
        %add3A_173 = vector.broadcast %add3A_172 : i32 to vector<16xi32>
        %add3A_174 = arith.addi %get3A_156, %add3A_173 : vector<16xi32>
        tpu.vector_store_idx %arg18[%add3A_174], %max3A_163 masked %broadcast_in_dim3A {add = true} : memref<30720xf32, #tpu.memory_space<vmem>>[vector<16xi32>], vector<16xf32>, vector<16xi1>
        %scan3A_175 = arith.constant 3 : i32
        %scan3A_176 = arith.addi %scan3A_101, %scan3A_175 : i32
        %mul3A_177 = arith.constant 16 : i32
        %mul3A_178 = arith.muli %scan3A_176, %mul3A_177 : i32
        %get3A_179 = arith.index_cast %mul3A_178 : i32 to index
        %get3A_180 = tpu.vector_load %arg12[%get3A_179] {strides = array<i32>} : memref<6400xi32, #tpu.memory_space<vmem>>, vector<16xi32>,
        %get3A_181 = arith.index_cast %mul3A_178 : i32 to index
        %get3A_182 = tpu.vector_load %arg14[%get3A_181] {strides = array<i32>} : memref<6400xi32, #tpu.memory_space<vmem>>, vector<16xi32>,
        %gather3A_183 = tpu.vector_load_idx %arg6[%get3A_180] : memref<10240xf32, #tpu.memory_space<vmem>>[vector<16xi32>], vector<16xf32>,
        %gather3A_184 = tpu.vector_load_idx %arg7[%get3A_182] : memref<10240xf32, #tpu.memory_space<vmem>>[vector<16xi32>], vector<16xf32>,
        %gather3A_185 = tpu.vector_load_idx %arg8[%get3A_180] : memref<10240xf32, #tpu.memory_space<vmem>>[vector<16xi32>], vector<16xf32>,
        %gather3A_186 = tpu.vector_load_idx %arg9[%get3A_182] : memref<10240xf32, #tpu.memory_space<vmem>>[vector<16xi32>], vector<16xf32>,
        %mul3A_187 = arith.mulf %gather3A_183, %gather3A_184 : vector<16xf32>
        %mul3A_188 = arith.mulf %gather3A_185, %gather3A_186 : vector<16xf32>
        %max3A_189 = arith.maximumf %mul3A_187, %mul3A_188 : vector<16xf32>
        %gather3A_190 = tpu.vector_load_idx %arg10[%get3A_180] : memref<10240xf32, #tpu.memory_space<vmem>>[vector<16xi32>], vector<16xf32>,
        %add3A_191 = vector.broadcast %select_n3A : i32 to vector<16xi32>
        %add3A_192 = arith.addi %get3A_182, %add3A_191 : vector<16xi32>
        %mul3A_193 = arith.mulf %gather3A_190, %max3A_189 : vector<16xf32>
        tpu.vector_store_idx %arg18[%add3A_192], %mul3A_193 {add = true} : memref<30720xf32, #tpu.memory_space<vmem>>[vector<16xi32>], vector<16xf32>,
        %gather3A_194 = tpu.vector_load_idx %arg11[%get3A_180] : memref<10240xf32, #tpu.memory_space<vmem>>[vector<16xi32>], vector<16xf32>,
        %add3A_195 = vector.broadcast %select_n3A_13 : i32 to vector<16xi32>
        %add3A_196 = arith.addi %get3A_182, %add3A_195 : vector<16xi32>
        %mul3A_197 = arith.mulf %gather3A_194, %max3A_189 : vector<16xf32>
        tpu.vector_store_idx %arg18[%add3A_196], %mul3A_197 {add = true} : memref<30720xf32, #tpu.memory_space<vmem>>[vector<16xi32>], vector<16xf32>,
        %add3A_198 = arith.constant 20480 : i32
        %add3A_199 = vector.broadcast %add3A_198 : i32 to vector<16xi32>
        %add3A_200 = arith.addi %get3A_182, %add3A_199 : vector<16xi32>
        tpu.vector_store_idx %arg18[%add3A_200], %max3A_189 masked %broadcast_in_dim3A {add = true} : memref<30720xf32, #tpu.memory_space<vmem>>[vector<16xi32>], vector<16xf32>, vector<16xi1>
        %scan3A_201 = arith.constant 4 : i32
        %scan3A_202 = arith.addi %scan3A_101, %scan3A_201 : i32
        %mul3A_203 = arith.constant 16 : i32
        %mul3A_204 = arith.muli %scan3A_202, %mul3A_203 : i32
        %get3A_205 = arith.index_cast %mul3A_204 : i32 to index
        %get3A_206 = tpu.vector_load %arg12[%get3A_205] {strides = array<i32>} : memref<6400xi32, #tpu.memory_space<vmem>>, vector<16xi32>,
        %get3A_207 = arith.index_cast %mul3A_204 : i32 to index
        %get3A_208 = tpu.vector_load %arg14[%get3A_207] {strides = array<i32>} : memref<6400xi32, #tpu.memory_space<vmem>>, vector<16xi32>,
        %gather3A_209 = tpu.vector_load_idx %arg6[%get3A_206] : memref<10240xf32, #tpu.memory_space<vmem>>[vector<16xi32>], vector<16xf32>,
        %gather3A_210 = tpu.vector_load_idx %arg7[%get3A_208] : memref<10240xf32, #tpu.memory_space<vmem>>[vector<16xi32>], vector<16xf32>,
        %gather3A_211 = tpu.vector_load_idx %arg8[%get3A_206] : memref<10240xf32, #tpu.memory_space<vmem>>[vector<16xi32>], vector<16xf32>,
        %gather3A_212 = tpu.vector_load_idx %arg9[%get3A_208] : memref<10240xf32, #tpu.memory_space<vmem>>[vector<16xi32>], vector<16xf32>,
        %mul3A_213 = arith.mulf %gather3A_209, %gather3A_210 : vector<16xf32>
        %mul3A_214 = arith.mulf %gather3A_211, %gather3A_212 : vector<16xf32>
        %max3A_215 = arith.maximumf %mul3A_213, %mul3A_214 : vector<16xf32>
        %gather3A_216 = tpu.vector_load_idx %arg10[%get3A_206] : memref<10240xf32, #tpu.memory_space<vmem>>[vector<16xi32>], vector<16xf32>,
        %add3A_217 = vector.broadcast %select_n3A : i32 to vector<16xi32>
        %add3A_218 = arith.addi %get3A_208, %add3A_217 : vector<16xi32>
        %mul3A_219 = arith.mulf %gather3A_216, %max3A_215 : vector<16xf32>
        tpu.vector_store_idx %arg18[%add3A_218], %mul3A_219 {add = true} : memref<30720xf32, #tpu.memory_space<vmem>>[vector<16xi32>], vector<16xf32>,
        %gather3A_220 = tpu.vector_load_idx %arg11[%get3A_206] : memref<10240xf32, #tpu.memory_space<vmem>>[vector<16xi32>], vector<16xf32>,
        %add3A_221 = vector.broadcast %select_n3A_13 : i32 to vector<16xi32>
        %add3A_222 = arith.addi %get3A_208, %add3A_221 : vector<16xi32>
        %mul3A_223 = arith.mulf %gather3A_220, %max3A_215 : vector<16xf32>
        tpu.vector_store_idx %arg18[%add3A_222], %mul3A_223 {add = true} : memref<30720xf32, #tpu.memory_space<vmem>>[vector<16xi32>], vector<16xf32>,
        %add3A_224 = arith.constant 20480 : i32
        %add3A_225 = vector.broadcast %add3A_224 : i32 to vector<16xi32>
        %add3A_226 = arith.addi %get3A_208, %add3A_225 : vector<16xi32>
        tpu.vector_store_idx %arg18[%add3A_226], %max3A_215 masked %broadcast_in_dim3A {add = true} : memref<30720xf32, #tpu.memory_space<vmem>>[vector<16xi32>], vector<16xf32>, vector<16xi1>
        %scan3A_227 = arith.constant 5 : i32
        %scan3A_228 = arith.addi %scan3A_101, %scan3A_227 : i32
        %mul3A_229 = arith.constant 16 : i32
        %mul3A_230 = arith.muli %scan3A_228, %mul3A_229 : i32
        %get3A_231 = arith.index_cast %mul3A_230 : i32 to index
        %get3A_232 = tpu.vector_load %arg12[%get3A_231] {strides = array<i32>} : memref<6400xi32, #tpu.memory_space<vmem>>, vector<16xi32>,
        %get3A_233 = arith.index_cast %mul3A_230 : i32 to index
        %get3A_234 = tpu.vector_load %arg14[%get3A_233] {strides = array<i32>} : memref<6400xi32, #tpu.memory_space<vmem>>, vector<16xi32>,
        %gather3A_235 = tpu.vector_load_idx %arg6[%get3A_232] : memref<10240xf32, #tpu.memory_space<vmem>>[vector<16xi32>], vector<16xf32>,
        %gather3A_236 = tpu.vector_load_idx %arg7[%get3A_234] : memref<10240xf32, #tpu.memory_space<vmem>>[vector<16xi32>], vector<16xf32>,
        %gather3A_237 = tpu.vector_load_idx %arg8[%get3A_232] : memref<10240xf32, #tpu.memory_space<vmem>>[vector<16xi32>], vector<16xf32>,
        %gather3A_238 = tpu.vector_load_idx %arg9[%get3A_234] : memref<10240xf32, #tpu.memory_space<vmem>>[vector<16xi32>], vector<16xf32>,
        %mul3A_239 = arith.mulf %gather3A_235, %gather3A_236 : vector<16xf32>
        %mul3A_240 = arith.mulf %gather3A_237, %gather3A_238 : vector<16xf32>
        %max3A_241 = arith.maximumf %mul3A_239, %mul3A_240 : vector<16xf32>
        %gather3A_242 = tpu.vector_load_idx %arg10[%get3A_232] : memref<10240xf32, #tpu.memory_space<vmem>>[vector<16xi32>], vector<16xf32>,
        %add3A_243 = vector.broadcast %select_n3A : i32 to vector<16xi32>
        %add3A_244 = arith.addi %get3A_234, %add3A_243 : vector<16xi32>
        %mul3A_245 = arith.mulf %gather3A_242, %max3A_241 : vector<16xf32>
        tpu.vector_store_idx %arg18[%add3A_244], %mul3A_245 {add = true} : memref<30720xf32, #tpu.memory_space<vmem>>[vector<16xi32>], vector<16xf32>,
        %gather3A_246 = tpu.vector_load_idx %arg11[%get3A_232] : memref<10240xf32, #tpu.memory_space<vmem>>[vector<16xi32>], vector<16xf32>,
        %add3A_247 = vector.broadcast %select_n3A_13 : i32 to vector<16xi32>
        %add3A_248 = arith.addi %get3A_234, %add3A_247 : vector<16xi32>
        %mul3A_249 = arith.mulf %gather3A_246, %max3A_241 : vector<16xf32>
        tpu.vector_store_idx %arg18[%add3A_248], %mul3A_249 {add = true} : memref<30720xf32, #tpu.memory_space<vmem>>[vector<16xi32>], vector<16xf32>,
        %add3A_250 = arith.constant 20480 : i32
        %add3A_251 = vector.broadcast %add3A_250 : i32 to vector<16xi32>
        %add3A_252 = arith.addi %get3A_234, %add3A_251 : vector<16xi32>
        tpu.vector_store_idx %arg18[%add3A_252], %max3A_241 masked %broadcast_in_dim3A {add = true} : memref<30720xf32, #tpu.memory_space<vmem>>[vector<16xi32>], vector<16xf32>, vector<16xi1>
        %scan3A_253 = arith.constant 6 : i32
        %scan3A_254 = arith.addi %scan3A_101, %scan3A_253 : i32
        %mul3A_255 = arith.constant 16 : i32
        %mul3A_256 = arith.muli %scan3A_254, %mul3A_255 : i32
        %get3A_257 = arith.index_cast %mul3A_256 : i32 to index
        %get3A_258 = tpu.vector_load %arg12[%get3A_257] {strides = array<i32>} : memref<6400xi32, #tpu.memory_space<vmem>>, vector<16xi32>,
        %get3A_259 = arith.index_cast %mul3A_256 : i32 to index
        %get3A_260 = tpu.vector_load %arg14[%get3A_259] {strides = array<i32>} : memref<6400xi32, #tpu.memory_space<vmem>>, vector<16xi32>,
        %gather3A_261 = tpu.vector_load_idx %arg6[%get3A_258] : memref<10240xf32, #tpu.memory_space<vmem>>[vector<16xi32>], vector<16xf32>,
        %gather3A_262 = tpu.vector_load_idx %arg7[%get3A_260] : memref<10240xf32, #tpu.memory_space<vmem>>[vector<16xi32>], vector<16xf32>,
        %gather3A_263 = tpu.vector_load_idx %arg8[%get3A_258] : memref<10240xf32, #tpu.memory_space<vmem>>[vector<16xi32>], vector<16xf32>,
        %gather3A_264 = tpu.vector_load_idx %arg9[%get3A_260] : memref<10240xf32, #tpu.memory_space<vmem>>[vector<16xi32>], vector<16xf32>,
        %mul3A_265 = arith.mulf %gather3A_261, %gather3A_262 : vector<16xf32>
        %mul3A_266 = arith.mulf %gather3A_263, %gather3A_264 : vector<16xf32>
        %max3A_267 = arith.maximumf %mul3A_265, %mul3A_266 : vector<16xf32>
        %gather3A_268 = tpu.vector_load_idx %arg10[%get3A_258] : memref<10240xf32, #tpu.memory_space<vmem>>[vector<16xi32>], vector<16xf32>,
        %add3A_269 = vector.broadcast %select_n3A : i32 to vector<16xi32>
        %add3A_270 = arith.addi %get3A_260, %add3A_269 : vector<16xi32>
        %mul3A_271 = arith.mulf %gather3A_268, %max3A_267 : vector<16xf32>
        tpu.vector_store_idx %arg18[%add3A_270], %mul3A_271 {add = true} : memref<30720xf32, #tpu.memory_space<vmem>>[vector<16xi32>], vector<16xf32>,
        %gather3A_272 = tpu.vector_load_idx %arg11[%get3A_258] : memref<10240xf32, #tpu.memory_space<vmem>>[vector<16xi32>], vector<16xf32>,
        %add3A_273 = vector.broadcast %select_n3A_13 : i32 to vector<16xi32>
        %add3A_274 = arith.addi %get3A_260, %add3A_273 : vector<16xi32>
        %mul3A_275 = arith.mulf %gather3A_272, %max3A_267 : vector<16xf32>
        tpu.vector_store_idx %arg18[%add3A_274], %mul3A_275 {add = true} : memref<30720xf32, #tpu.memory_space<vmem>>[vector<16xi32>], vector<16xf32>,
        %add3A_276 = arith.constant 20480 : i32
        %add3A_277 = vector.broadcast %add3A_276 : i32 to vector<16xi32>
        %add3A_278 = arith.addi %get3A_260, %add3A_277 : vector<16xi32>
        tpu.vector_store_idx %arg18[%add3A_278], %max3A_267 masked %broadcast_in_dim3A {add = true} : memref<30720xf32, #tpu.memory_space<vmem>>[vector<16xi32>], vector<16xf32>, vector<16xi1>
        %scan3A_279 = arith.constant 7 : i32
        %scan3A_280 = arith.addi %scan3A_101, %scan3A_279 : i32
        %mul3A_281 = arith.constant 16 : i32
        %mul3A_282 = arith.muli %scan3A_280, %mul3A_281 : i32
        %get3A_283 = arith.index_cast %mul3A_282 : i32 to index
        %get3A_284 = tpu.vector_load %arg12[%get3A_283] {strides = array<i32>} : memref<6400xi32, #tpu.memory_space<vmem>>, vector<16xi32>,
        %get3A_285 = arith.index_cast %mul3A_282 : i32 to index
        %get3A_286 = tpu.vector_load %arg14[%get3A_285] {strides = array<i32>} : memref<6400xi32, #tpu.memory_space<vmem>>, vector<16xi32>,
        %gather3A_287 = tpu.vector_load_idx %arg6[%get3A_284] : memref<10240xf32, #tpu.memory_space<vmem>>[vector<16xi32>], vector<16xf32>,
        %gather3A_288 = tpu.vector_load_idx %arg7[%get3A_286] : memref<10240xf32, #tpu.memory_space<vmem>>[vector<16xi32>], vector<16xf32>,
        %gather3A_289 = tpu.vector_load_idx %arg8[%get3A_284] : memref<10240xf32, #tpu.memory_space<vmem>>[vector<16xi32>], vector<16xf32>,
        %gather3A_290 = tpu.vector_load_idx %arg9[%get3A_286] : memref<10240xf32, #tpu.memory_space<vmem>>[vector<16xi32>], vector<16xf32>,
        %mul3A_291 = arith.mulf %gather3A_287, %gather3A_288 : vector<16xf32>
        %mul3A_292 = arith.mulf %gather3A_289, %gather3A_290 : vector<16xf32>
        %max3A_293 = arith.maximumf %mul3A_291, %mul3A_292 : vector<16xf32>
        %gather3A_294 = tpu.vector_load_idx %arg10[%get3A_284] : memref<10240xf32, #tpu.memory_space<vmem>>[vector<16xi32>], vector<16xf32>,
        %add3A_295 = vector.broadcast %select_n3A : i32 to vector<16xi32>
        %add3A_296 = arith.addi %get3A_286, %add3A_295 : vector<16xi32>
        %mul3A_297 = arith.mulf %gather3A_294, %max3A_293 : vector<16xf32>
        tpu.vector_store_idx %arg18[%add3A_296], %mul3A_297 {add = true} : memref<30720xf32, #tpu.memory_space<vmem>>[vector<16xi32>], vector<16xf32>,
        %gather3A_298 = tpu.vector_load_idx %arg11[%get3A_284] : memref<10240xf32, #tpu.memory_space<vmem>>[vector<16xi32>], vector<16xf32>,
        %add3A_299 = vector.broadcast %select_n3A_13 : i32 to vector<16xi32>
        %add3A_300 = arith.addi %get3A_286, %add3A_299 : vector<16xi32>
        %mul3A_301 = arith.mulf %gather3A_298, %max3A_293 : vector<16xf32>
        tpu.vector_store_idx %arg18[%add3A_300], %mul3A_301 {add = true} : memref<30720xf32, #tpu.memory_space<vmem>>[vector<16xi32>], vector<16xf32>,
        %add3A_302 = arith.constant 20480 : i32
        %add3A_303 = vector.broadcast %add3A_302 : i32 to vector<16xi32>
        %add3A_304 = arith.addi %get3A_286, %add3A_303 : vector<16xi32>
        tpu.vector_store_idx %arg18[%add3A_304], %max3A_293 masked %broadcast_in_dim3A {add = true} : memref<30720xf32, #tpu.memory_space<vmem>>[vector<16xi32>], vector<16xf32>, vector<16xi1>
      }
      %scan3A_74 = arith.constant 400 : i32
      %mul3A_75 = arith.constant 2 : i32
      %mul3A_76 = arith.muli %mul3A_75, %scan3A_49 : i32
      %add3A_77 = arith.constant 1 : i32
      %add3A_78 = arith.addi %mul3A_76, %add3A_77 : i32
      %add3A_79 = arith.constant 1 : i32
      %add3A_80 = arith.addi %add3A_78, %add3A_79 : i32
      %lt3A_81 = arith.constant 26 : i32
      %lt3A_82 = arith.cmpi slt, %add3A_80, %lt3A_81 : i32
      %convert_element_type3A_83 = arith.extui %lt3A_82 : i1 to i32
      %cond3A_84 = arith.constant 0 : i32
      %cond3A_85 = arith.cmpi ne, %convert_element_type3A_83, %cond3A_84 : i32
      scf.if %cond3A_85 {
        %add3A_101 = arith.constant 1 : i32
        %add3A_102 = arith.addi %add3A_78, %add3A_101 : i32
        %mul3A_103 = arith.constant 166400 : i32
        %mul3A_104 = arith.muli %arg0, %mul3A_103 : i32
        %mul3A_105 = arith.constant 6400 : i32
        %mul3A_106 = arith.muli %add3A_102, %mul3A_105 : i32
        %add3A_107 = arith.addi %mul3A_104, %mul3A_106 : i32
        %dma_start3A_108 = tpu.memref_slice %arg2[%add3A_107] : memref<332800xi32, #tpu.memory_space<hbm>> -> memref<6400xi32, #tpu.memory_space<hbm>>
        %dma_start3A_109 = tpu.memref_slice %arg2[%add3A_107] : memref<332800xi32, #tpu.memory_space<hbm>> -> memref<6400xi32, #tpu.memory_space<hbm>>
        tpu.enqueue_dma source(%dma_start3A_109 : memref<6400xi32, #tpu.memory_space<hbm>>) target(%arg12 : memref<6400xi32, #tpu.memory_space<vmem>>) target_semaphore(%arg16 : memref<!tpu.dma_semaphore, #tpu.memory_space<semaphore_mem>>)
        %dma_start3A_110 = tpu.memref_slice %arg3[%add3A_107] : memref<332800xi32, #tpu.memory_space<hbm>> -> memref<6400xi32, #tpu.memory_space<hbm>>
        %dma_start3A_111 = tpu.memref_slice %arg3[%add3A_107] : memref<332800xi32, #tpu.memory_space<hbm>> -> memref<6400xi32, #tpu.memory_space<hbm>>
        tpu.enqueue_dma source(%dma_start3A_111 : memref<6400xi32, #tpu.memory_space<hbm>>) target(%arg14 : memref<6400xi32, #tpu.memory_space<vmem>>) target_semaphore(%arg16 : memref<!tpu.dma_semaphore, #tpu.memory_space<semaphore_mem>>)
      } else {
      }
      %mul3A_86 = arith.constant 166400 : i32
      %mul3A_87 = arith.muli %arg0, %mul3A_86 : i32
      %mul3A_88 = arith.constant 6400 : i32
      %mul3A_89 = arith.muli %add3A_78, %mul3A_88 : i32
      %add3A_90 = arith.addi %mul3A_87, %mul3A_89 : i32
      %dma_wait3A_91 = tpu.memref_slice %arg2[%add3A_90] : memref<332800xi32, #tpu.memory_space<hbm>> -> memref<6400xi32, #tpu.memory_space<hbm>>
      %dma_wait3A_92 = tpu.memref_slice %arg2[%add3A_90] : memref<332800xi32, #tpu.memory_space<hbm>> -> memref<6400xi32, #tpu.memory_space<hbm>>
      tpu.wait_dma2 semaphore(%arg17 : memref<!tpu.dma_semaphore, #tpu.memory_space<semaphore_mem>>) src(%dma_wait3A_92 : memref<6400xi32, #tpu.memory_space<hbm>>) dst(%arg13 : memref<6400xi32, #tpu.memory_space<vmem>>)
      %dma_wait3A_93 = tpu.memref_slice %arg3[%add3A_90] : memref<332800xi32, #tpu.memory_space<hbm>> -> memref<6400xi32, #tpu.memory_space<hbm>>
      %dma_wait3A_94 = tpu.memref_slice %arg3[%add3A_90] : memref<332800xi32, #tpu.memory_space<hbm>> -> memref<6400xi32, #tpu.memory_space<hbm>>
      tpu.wait_dma2 semaphore(%arg17 : memref<!tpu.dma_semaphore, #tpu.memory_space<semaphore_mem>>) src(%dma_wait3A_94 : memref<6400xi32, #tpu.memory_space<hbm>>) dst(%arg15 : memref<6400xi32, #tpu.memory_space<vmem>>)
      %scan3A_95 = arith.constant 0 : i32
      %scan3A_96 = arith.constant 0 : i32
      %scan3A_97 = arith.constant 400 : i32
      %scan3A_98 = arith.addi %scan3A_96, %scan3A_97 : i32
      %scan3A_99 = arith.constant 8 : i32
      scf.for %scan3A_101 = %scan3A_96 to %scan3A_98 step %scan3A_99  : i32 {
        %mul3A_102 = arith.constant 16 : i32
        %mul3A_103 = arith.muli %scan3A_101, %mul3A_102 : i32
        %get3A = arith.index_cast %mul3A_103 : i32 to index
        %get3A_104 = tpu.vector_load %arg13[%get3A] {strides = array<i32>} : memref<6400xi32, #tpu.memory_space<vmem>>, vector<16xi32>,
        %get3A_105 = arith.index_cast %mul3A_103 : i32 to index
        %get3A_106 = tpu.vector_load %arg15[%get3A_105] {strides = array<i32>} : memref<6400xi32, #tpu.memory_space<vmem>>, vector<16xi32>,
        %gather3A = tpu.vector_load_idx %arg6[%get3A_104] : memref<10240xf32, #tpu.memory_space<vmem>>[vector<16xi32>], vector<16xf32>,
        %gather3A_107 = tpu.vector_load_idx %arg7[%get3A_106] : memref<10240xf32, #tpu.memory_space<vmem>>[vector<16xi32>], vector<16xf32>,
        %gather3A_108 = tpu.vector_load_idx %arg8[%get3A_104] : memref<10240xf32, #tpu.memory_space<vmem>>[vector<16xi32>], vector<16xf32>,
        %gather3A_109 = tpu.vector_load_idx %arg9[%get3A_106] : memref<10240xf32, #tpu.memory_space<vmem>>[vector<16xi32>], vector<16xf32>,
        %mul3A_110 = arith.mulf %gather3A, %gather3A_107 : vector<16xf32>
        %mul3A_111 = arith.mulf %gather3A_108, %gather3A_109 : vector<16xf32>
        %max3A = arith.maximumf %mul3A_110, %mul3A_111 : vector<16xf32>
        %gather3A_112 = tpu.vector_load_idx %arg10[%get3A_104] : memref<10240xf32, #tpu.memory_space<vmem>>[vector<16xi32>], vector<16xf32>,
        %add3A_113 = vector.broadcast %select_n3A : i32 to vector<16xi32>
        %add3A_114 = arith.addi %get3A_106, %add3A_113 : vector<16xi32>
        %mul3A_115 = arith.mulf %gather3A_112, %max3A : vector<16xf32>
        tpu.vector_store_idx %arg18[%add3A_114], %mul3A_115 {add = true} : memref<30720xf32, #tpu.memory_space<vmem>>[vector<16xi32>], vector<16xf32>,
        %gather3A_116 = tpu.vector_load_idx %arg11[%get3A_104] : memref<10240xf32, #tpu.memory_space<vmem>>[vector<16xi32>], vector<16xf32>,
        %add3A_117 = vector.broadcast %select_n3A_13 : i32 to vector<16xi32>
        %add3A_118 = arith.addi %get3A_106, %add3A_117 : vector<16xi32>
        %mul3A_119 = arith.mulf %gather3A_116, %max3A : vector<16xf32>
        tpu.vector_store_idx %arg18[%add3A_118], %mul3A_119 {add = true} : memref<30720xf32, #tpu.memory_space<vmem>>[vector<16xi32>], vector<16xf32>,
        %add3A_120 = arith.constant 20480 : i32
        %add3A_121 = vector.broadcast %add3A_120 : i32 to vector<16xi32>
        %add3A_122 = arith.addi %get3A_106, %add3A_121 : vector<16xi32>
        tpu.vector_store_idx %arg18[%add3A_122], %max3A masked %broadcast_in_dim3A {add = true} : memref<30720xf32, #tpu.memory_space<vmem>>[vector<16xi32>], vector<16xf32>, vector<16xi1>
        %scan3A_123 = arith.constant 1 : i32
        %scan3A_124 = arith.addi %scan3A_101, %scan3A_123 : i32
        %mul3A_125 = arith.constant 16 : i32
        %mul3A_126 = arith.muli %scan3A_124, %mul3A_125 : i32
        %get3A_127 = arith.index_cast %mul3A_126 : i32 to index
        %get3A_128 = tpu.vector_load %arg13[%get3A_127] {strides = array<i32>} : memref<6400xi32, #tpu.memory_space<vmem>>, vector<16xi32>,
        %get3A_129 = arith.index_cast %mul3A_126 : i32 to index
        %get3A_130 = tpu.vector_load %arg15[%get3A_129] {strides = array<i32>} : memref<6400xi32, #tpu.memory_space<vmem>>, vector<16xi32>,
        %gather3A_131 = tpu.vector_load_idx %arg6[%get3A_128] : memref<10240xf32, #tpu.memory_space<vmem>>[vector<16xi32>], vector<16xf32>,
        %gather3A_132 = tpu.vector_load_idx %arg7[%get3A_130] : memref<10240xf32, #tpu.memory_space<vmem>>[vector<16xi32>], vector<16xf32>,
        %gather3A_133 = tpu.vector_load_idx %arg8[%get3A_128] : memref<10240xf32, #tpu.memory_space<vmem>>[vector<16xi32>], vector<16xf32>,
        %gather3A_134 = tpu.vector_load_idx %arg9[%get3A_130] : memref<10240xf32, #tpu.memory_space<vmem>>[vector<16xi32>], vector<16xf32>,
        %mul3A_135 = arith.mulf %gather3A_131, %gather3A_132 : vector<16xf32>
        %mul3A_136 = arith.mulf %gather3A_133, %gather3A_134 : vector<16xf32>
        %max3A_137 = arith.maximumf %mul3A_135, %mul3A_136 : vector<16xf32>
        %gather3A_138 = tpu.vector_load_idx %arg10[%get3A_128] : memref<10240xf32, #tpu.memory_space<vmem>>[vector<16xi32>], vector<16xf32>,
        %add3A_139 = vector.broadcast %select_n3A : i32 to vector<16xi32>
        %add3A_140 = arith.addi %get3A_130, %add3A_139 : vector<16xi32>
        %mul3A_141 = arith.mulf %gather3A_138, %max3A_137 : vector<16xf32>
        tpu.vector_store_idx %arg18[%add3A_140], %mul3A_141 {add = true} : memref<30720xf32, #tpu.memory_space<vmem>>[vector<16xi32>], vector<16xf32>,
        %gather3A_142 = tpu.vector_load_idx %arg11[%get3A_128] : memref<10240xf32, #tpu.memory_space<vmem>>[vector<16xi32>], vector<16xf32>,
        %add3A_143 = vector.broadcast %select_n3A_13 : i32 to vector<16xi32>
        %add3A_144 = arith.addi %get3A_130, %add3A_143 : vector<16xi32>
        %mul3A_145 = arith.mulf %gather3A_142, %max3A_137 : vector<16xf32>
        tpu.vector_store_idx %arg18[%add3A_144], %mul3A_145 {add = true} : memref<30720xf32, #tpu.memory_space<vmem>>[vector<16xi32>], vector<16xf32>,
        %add3A_146 = arith.constant 20480 : i32
        %add3A_147 = vector.broadcast %add3A_146 : i32 to vector<16xi32>
        %add3A_148 = arith.addi %get3A_130, %add3A_147 : vector<16xi32>
        tpu.vector_store_idx %arg18[%add3A_148], %max3A_137 masked %broadcast_in_dim3A {add = true} : memref<30720xf32, #tpu.memory_space<vmem>>[vector<16xi32>], vector<16xf32>, vector<16xi1>
        %scan3A_149 = arith.constant 2 : i32
        %scan3A_150 = arith.addi %scan3A_101, %scan3A_149 : i32
        %mul3A_151 = arith.constant 16 : i32
        %mul3A_152 = arith.muli %scan3A_150, %mul3A_151 : i32
        %get3A_153 = arith.index_cast %mul3A_152 : i32 to index
        %get3A_154 = tpu.vector_load %arg13[%get3A_153] {strides = array<i32>} : memref<6400xi32, #tpu.memory_space<vmem>>, vector<16xi32>,
        %get3A_155 = arith.index_cast %mul3A_152 : i32 to index
        %get3A_156 = tpu.vector_load %arg15[%get3A_155] {strides = array<i32>} : memref<6400xi32, #tpu.memory_space<vmem>>, vector<16xi32>,
        %gather3A_157 = tpu.vector_load_idx %arg6[%get3A_154] : memref<10240xf32, #tpu.memory_space<vmem>>[vector<16xi32>], vector<16xf32>,
        %gather3A_158 = tpu.vector_load_idx %arg7[%get3A_156] : memref<10240xf32, #tpu.memory_space<vmem>>[vector<16xi32>], vector<16xf32>,
        %gather3A_159 = tpu.vector_load_idx %arg8[%get3A_154] : memref<10240xf32, #tpu.memory_space<vmem>>[vector<16xi32>], vector<16xf32>,
        %gather3A_160 = tpu.vector_load_idx %arg9[%get3A_156] : memref<10240xf32, #tpu.memory_space<vmem>>[vector<16xi32>], vector<16xf32>,
        %mul3A_161 = arith.mulf %gather3A_157, %gather3A_158 : vector<16xf32>
        %mul3A_162 = arith.mulf %gather3A_159, %gather3A_160 : vector<16xf32>
        %max3A_163 = arith.maximumf %mul3A_161, %mul3A_162 : vector<16xf32>
        %gather3A_164 = tpu.vector_load_idx %arg10[%get3A_154] : memref<10240xf32, #tpu.memory_space<vmem>>[vector<16xi32>], vector<16xf32>,
        %add3A_165 = vector.broadcast %select_n3A : i32 to vector<16xi32>
        %add3A_166 = arith.addi %get3A_156, %add3A_165 : vector<16xi32>
        %mul3A_167 = arith.mulf %gather3A_164, %max3A_163 : vector<16xf32>
        tpu.vector_store_idx %arg18[%add3A_166], %mul3A_167 {add = true} : memref<30720xf32, #tpu.memory_space<vmem>>[vector<16xi32>], vector<16xf32>,
        %gather3A_168 = tpu.vector_load_idx %arg11[%get3A_154] : memref<10240xf32, #tpu.memory_space<vmem>>[vector<16xi32>], vector<16xf32>,
        %add3A_169 = vector.broadcast %select_n3A_13 : i32 to vector<16xi32>
        %add3A_170 = arith.addi %get3A_156, %add3A_169 : vector<16xi32>
        %mul3A_171 = arith.mulf %gather3A_168, %max3A_163 : vector<16xf32>
        tpu.vector_store_idx %arg18[%add3A_170], %mul3A_171 {add = true} : memref<30720xf32, #tpu.memory_space<vmem>>[vector<16xi32>], vector<16xf32>,
        %add3A_172 = arith.constant 20480 : i32
        %add3A_173 = vector.broadcast %add3A_172 : i32 to vector<16xi32>
        %add3A_174 = arith.addi %get3A_156, %add3A_173 : vector<16xi32>
        tpu.vector_store_idx %arg18[%add3A_174], %max3A_163 masked %broadcast_in_dim3A {add = true} : memref<30720xf32, #tpu.memory_space<vmem>>[vector<16xi32>], vector<16xf32>, vector<16xi1>
        %scan3A_175 = arith.constant 3 : i32
        %scan3A_176 = arith.addi %scan3A_101, %scan3A_175 : i32
        %mul3A_177 = arith.constant 16 : i32
        %mul3A_178 = arith.muli %scan3A_176, %mul3A_177 : i32
        %get3A_179 = arith.index_cast %mul3A_178 : i32 to index
        %get3A_180 = tpu.vector_load %arg13[%get3A_179] {strides = array<i32>} : memref<6400xi32, #tpu.memory_space<vmem>>, vector<16xi32>,
        %get3A_181 = arith.index_cast %mul3A_178 : i32 to index
        %get3A_182 = tpu.vector_load %arg15[%get3A_181] {strides = array<i32>} : memref<6400xi32, #tpu.memory_space<vmem>>, vector<16xi32>,
        %gather3A_183 = tpu.vector_load_idx %arg6[%get3A_180] : memref<10240xf32, #tpu.memory_space<vmem>>[vector<16xi32>], vector<16xf32>,
        %gather3A_184 = tpu.vector_load_idx %arg7[%get3A_182] : memref<10240xf32, #tpu.memory_space<vmem>>[vector<16xi32>], vector<16xf32>,
        %gather3A_185 = tpu.vector_load_idx %arg8[%get3A_180] : memref<10240xf32, #tpu.memory_space<vmem>>[vector<16xi32>], vector<16xf32>,
        %gather3A_186 = tpu.vector_load_idx %arg9[%get3A_182] : memref<10240xf32, #tpu.memory_space<vmem>>[vector<16xi32>], vector<16xf32>,
        %mul3A_187 = arith.mulf %gather3A_183, %gather3A_184 : vector<16xf32>
        %mul3A_188 = arith.mulf %gather3A_185, %gather3A_186 : vector<16xf32>
        %max3A_189 = arith.maximumf %mul3A_187, %mul3A_188 : vector<16xf32>
        %gather3A_190 = tpu.vector_load_idx %arg10[%get3A_180] : memref<10240xf32, #tpu.memory_space<vmem>>[vector<16xi32>], vector<16xf32>,
        %add3A_191 = vector.broadcast %select_n3A : i32 to vector<16xi32>
        %add3A_192 = arith.addi %get3A_182, %add3A_191 : vector<16xi32>
        %mul3A_193 = arith.mulf %gather3A_190, %max3A_189 : vector<16xf32>
        tpu.vector_store_idx %arg18[%add3A_192], %mul3A_193 {add = true} : memref<30720xf32, #tpu.memory_space<vmem>>[vector<16xi32>], vector<16xf32>,
        %gather3A_194 = tpu.vector_load_idx %arg11[%get3A_180] : memref<10240xf32, #tpu.memory_space<vmem>>[vector<16xi32>], vector<16xf32>,
        %add3A_195 = vector.broadcast %select_n3A_13 : i32 to vector<16xi32>
        %add3A_196 = arith.addi %get3A_182, %add3A_195 : vector<16xi32>
        %mul3A_197 = arith.mulf %gather3A_194, %max3A_189 : vector<16xf32>
        tpu.vector_store_idx %arg18[%add3A_196], %mul3A_197 {add = true} : memref<30720xf32, #tpu.memory_space<vmem>>[vector<16xi32>], vector<16xf32>,
        %add3A_198 = arith.constant 20480 : i32
        %add3A_199 = vector.broadcast %add3A_198 : i32 to vector<16xi32>
        %add3A_200 = arith.addi %get3A_182, %add3A_199 : vector<16xi32>
        tpu.vector_store_idx %arg18[%add3A_200], %max3A_189 masked %broadcast_in_dim3A {add = true} : memref<30720xf32, #tpu.memory_space<vmem>>[vector<16xi32>], vector<16xf32>, vector<16xi1>
        %scan3A_201 = arith.constant 4 : i32
        %scan3A_202 = arith.addi %scan3A_101, %scan3A_201 : i32
        %mul3A_203 = arith.constant 16 : i32
        %mul3A_204 = arith.muli %scan3A_202, %mul3A_203 : i32
        %get3A_205 = arith.index_cast %mul3A_204 : i32 to index
        %get3A_206 = tpu.vector_load %arg13[%get3A_205] {strides = array<i32>} : memref<6400xi32, #tpu.memory_space<vmem>>, vector<16xi32>,
        %get3A_207 = arith.index_cast %mul3A_204 : i32 to index
        %get3A_208 = tpu.vector_load %arg15[%get3A_207] {strides = array<i32>} : memref<6400xi32, #tpu.memory_space<vmem>>, vector<16xi32>,
        %gather3A_209 = tpu.vector_load_idx %arg6[%get3A_206] : memref<10240xf32, #tpu.memory_space<vmem>>[vector<16xi32>], vector<16xf32>,
        %gather3A_210 = tpu.vector_load_idx %arg7[%get3A_208] : memref<10240xf32, #tpu.memory_space<vmem>>[vector<16xi32>], vector<16xf32>,
        %gather3A_211 = tpu.vector_load_idx %arg8[%get3A_206] : memref<10240xf32, #tpu.memory_space<vmem>>[vector<16xi32>], vector<16xf32>,
        %gather3A_212 = tpu.vector_load_idx %arg9[%get3A_208] : memref<10240xf32, #tpu.memory_space<vmem>>[vector<16xi32>], vector<16xf32>,
        %mul3A_213 = arith.mulf %gather3A_209, %gather3A_210 : vector<16xf32>
        %mul3A_214 = arith.mulf %gather3A_211, %gather3A_212 : vector<16xf32>
        %max3A_215 = arith.maximumf %mul3A_213, %mul3A_214 : vector<16xf32>
        %gather3A_216 = tpu.vector_load_idx %arg10[%get3A_206] : memref<10240xf32, #tpu.memory_space<vmem>>[vector<16xi32>], vector<16xf32>,
        %add3A_217 = vector.broadcast %select_n3A : i32 to vector<16xi32>
        %add3A_218 = arith.addi %get3A_208, %add3A_217 : vector<16xi32>
        %mul3A_219 = arith.mulf %gather3A_216, %max3A_215 : vector<16xf32>
        tpu.vector_store_idx %arg18[%add3A_218], %mul3A_219 {add = true} : memref<30720xf32, #tpu.memory_space<vmem>>[vector<16xi32>], vector<16xf32>,
        %gather3A_220 = tpu.vector_load_idx %arg11[%get3A_206] : memref<10240xf32, #tpu.memory_space<vmem>>[vector<16xi32>], vector<16xf32>,
        %add3A_221 = vector.broadcast %select_n3A_13 : i32 to vector<16xi32>
        %add3A_222 = arith.addi %get3A_208, %add3A_221 : vector<16xi32>
        %mul3A_223 = arith.mulf %gather3A_220, %max3A_215 : vector<16xf32>
        tpu.vector_store_idx %arg18[%add3A_222], %mul3A_223 {add = true} : memref<30720xf32, #tpu.memory_space<vmem>>[vector<16xi32>], vector<16xf32>,
        %add3A_224 = arith.constant 20480 : i32
        %add3A_225 = vector.broadcast %add3A_224 : i32 to vector<16xi32>
        %add3A_226 = arith.addi %get3A_208, %add3A_225 : vector<16xi32>
        tpu.vector_store_idx %arg18[%add3A_226], %max3A_215 masked %broadcast_in_dim3A {add = true} : memref<30720xf32, #tpu.memory_space<vmem>>[vector<16xi32>], vector<16xf32>, vector<16xi1>
        %scan3A_227 = arith.constant 5 : i32
        %scan3A_228 = arith.addi %scan3A_101, %scan3A_227 : i32
        %mul3A_229 = arith.constant 16 : i32
        %mul3A_230 = arith.muli %scan3A_228, %mul3A_229 : i32
        %get3A_231 = arith.index_cast %mul3A_230 : i32 to index
        %get3A_232 = tpu.vector_load %arg13[%get3A_231] {strides = array<i32>} : memref<6400xi32, #tpu.memory_space<vmem>>, vector<16xi32>,
        %get3A_233 = arith.index_cast %mul3A_230 : i32 to index
        %get3A_234 = tpu.vector_load %arg15[%get3A_233] {strides = array<i32>} : memref<6400xi32, #tpu.memory_space<vmem>>, vector<16xi32>,
        %gather3A_235 = tpu.vector_load_idx %arg6[%get3A_232] : memref<10240xf32, #tpu.memory_space<vmem>>[vector<16xi32>], vector<16xf32>,
        %gather3A_236 = tpu.vector_load_idx %arg7[%get3A_234] : memref<10240xf32, #tpu.memory_space<vmem>>[vector<16xi32>], vector<16xf32>,
        %gather3A_237 = tpu.vector_load_idx %arg8[%get3A_232] : memref<10240xf32, #tpu.memory_space<vmem>>[vector<16xi32>], vector<16xf32>,
        %gather3A_238 = tpu.vector_load_idx %arg9[%get3A_234] : memref<10240xf32, #tpu.memory_space<vmem>>[vector<16xi32>], vector<16xf32>,
        %mul3A_239 = arith.mulf %gather3A_235, %gather3A_236 : vector<16xf32>
        %mul3A_240 = arith.mulf %gather3A_237, %gather3A_238 : vector<16xf32>
        %max3A_241 = arith.maximumf %mul3A_239, %mul3A_240 : vector<16xf32>
        %gather3A_242 = tpu.vector_load_idx %arg10[%get3A_232] : memref<10240xf32, #tpu.memory_space<vmem>>[vector<16xi32>], vector<16xf32>,
        %add3A_243 = vector.broadcast %select_n3A : i32 to vector<16xi32>
        %add3A_244 = arith.addi %get3A_234, %add3A_243 : vector<16xi32>
        %mul3A_245 = arith.mulf %gather3A_242, %max3A_241 : vector<16xf32>
        tpu.vector_store_idx %arg18[%add3A_244], %mul3A_245 {add = true} : memref<30720xf32, #tpu.memory_space<vmem>>[vector<16xi32>], vector<16xf32>,
        %gather3A_246 = tpu.vector_load_idx %arg11[%get3A_232] : memref<10240xf32, #tpu.memory_space<vmem>>[vector<16xi32>], vector<16xf32>,
        %add3A_247 = vector.broadcast %select_n3A_13 : i32 to vector<16xi32>
        %add3A_248 = arith.addi %get3A_234, %add3A_247 : vector<16xi32>
        %mul3A_249 = arith.mulf %gather3A_246, %max3A_241 : vector<16xf32>
        tpu.vector_store_idx %arg18[%add3A_248], %mul3A_249 {add = true} : memref<30720xf32, #tpu.memory_space<vmem>>[vector<16xi32>], vector<16xf32>,
        %add3A_250 = arith.constant 20480 : i32
        %add3A_251 = vector.broadcast %add3A_250 : i32 to vector<16xi32>
        %add3A_252 = arith.addi %get3A_234, %add3A_251 : vector<16xi32>
        tpu.vector_store_idx %arg18[%add3A_252], %max3A_241 masked %broadcast_in_dim3A {add = true} : memref<30720xf32, #tpu.memory_space<vmem>>[vector<16xi32>], vector<16xf32>, vector<16xi1>
        %scan3A_253 = arith.constant 6 : i32
        %scan3A_254 = arith.addi %scan3A_101, %scan3A_253 : i32
        %mul3A_255 = arith.constant 16 : i32
        %mul3A_256 = arith.muli %scan3A_254, %mul3A_255 : i32
        %get3A_257 = arith.index_cast %mul3A_256 : i32 to index
        %get3A_258 = tpu.vector_load %arg13[%get3A_257] {strides = array<i32>} : memref<6400xi32, #tpu.memory_space<vmem>>, vector<16xi32>,
        %get3A_259 = arith.index_cast %mul3A_256 : i32 to index
        %get3A_260 = tpu.vector_load %arg15[%get3A_259] {strides = array<i32>} : memref<6400xi32, #tpu.memory_space<vmem>>, vector<16xi32>,
        %gather3A_261 = tpu.vector_load_idx %arg6[%get3A_258] : memref<10240xf32, #tpu.memory_space<vmem>>[vector<16xi32>], vector<16xf32>,
        %gather3A_262 = tpu.vector_load_idx %arg7[%get3A_260] : memref<10240xf32, #tpu.memory_space<vmem>>[vector<16xi32>], vector<16xf32>,
        %gather3A_263 = tpu.vector_load_idx %arg8[%get3A_258] : memref<10240xf32, #tpu.memory_space<vmem>>[vector<16xi32>], vector<16xf32>,
        %gather3A_264 = tpu.vector_load_idx %arg9[%get3A_260] : memref<10240xf32, #tpu.memory_space<vmem>>[vector<16xi32>], vector<16xf32>,
        %mul3A_265 = arith.mulf %gather3A_261, %gather3A_262 : vector<16xf32>
        %mul3A_266 = arith.mulf %gather3A_263, %gather3A_264 : vector<16xf32>
        %max3A_267 = arith.maximumf %mul3A_265, %mul3A_266 : vector<16xf32>
        %gather3A_268 = tpu.vector_load_idx %arg10[%get3A_258] : memref<10240xf32, #tpu.memory_space<vmem>>[vector<16xi32>], vector<16xf32>,
        %add3A_269 = vector.broadcast %select_n3A : i32 to vector<16xi32>
        %add3A_270 = arith.addi %get3A_260, %add3A_269 : vector<16xi32>
        %mul3A_271 = arith.mulf %gather3A_268, %max3A_267 : vector<16xf32>
        tpu.vector_store_idx %arg18[%add3A_270], %mul3A_271 {add = true} : memref<30720xf32, #tpu.memory_space<vmem>>[vector<16xi32>], vector<16xf32>,
        %gather3A_272 = tpu.vector_load_idx %arg11[%get3A_258] : memref<10240xf32, #tpu.memory_space<vmem>>[vector<16xi32>], vector<16xf32>,
        %add3A_273 = vector.broadcast %select_n3A_13 : i32 to vector<16xi32>
        %add3A_274 = arith.addi %get3A_260, %add3A_273 : vector<16xi32>
        %mul3A_275 = arith.mulf %gather3A_272, %max3A_267 : vector<16xf32>
        tpu.vector_store_idx %arg18[%add3A_274], %mul3A_275 {add = true} : memref<30720xf32, #tpu.memory_space<vmem>>[vector<16xi32>], vector<16xf32>,
        %add3A_276 = arith.constant 20480 : i32
        %add3A_277 = vector.broadcast %add3A_276 : i32 to vector<16xi32>
        %add3A_278 = arith.addi %get3A_260, %add3A_277 : vector<16xi32>
        tpu.vector_store_idx %arg18[%add3A_278], %max3A_267 masked %broadcast_in_dim3A {add = true} : memref<30720xf32, #tpu.memory_space<vmem>>[vector<16xi32>], vector<16xf32>, vector<16xi1>
        %scan3A_279 = arith.constant 7 : i32
        %scan3A_280 = arith.addi %scan3A_101, %scan3A_279 : i32
        %mul3A_281 = arith.constant 16 : i32
        %mul3A_282 = arith.muli %scan3A_280, %mul3A_281 : i32
        %get3A_283 = arith.index_cast %mul3A_282 : i32 to index
        %get3A_284 = tpu.vector_load %arg13[%get3A_283] {strides = array<i32>} : memref<6400xi32, #tpu.memory_space<vmem>>, vector<16xi32>,
        %get3A_285 = arith.index_cast %mul3A_282 : i32 to index
        %get3A_286 = tpu.vector_load %arg15[%get3A_285] {strides = array<i32>} : memref<6400xi32, #tpu.memory_space<vmem>>, vector<16xi32>,
        %gather3A_287 = tpu.vector_load_idx %arg6[%get3A_284] : memref<10240xf32, #tpu.memory_space<vmem>>[vector<16xi32>], vector<16xf32>,
        %gather3A_288 = tpu.vector_load_idx %arg7[%get3A_286] : memref<10240xf32, #tpu.memory_space<vmem>>[vector<16xi32>], vector<16xf32>,
        %gather3A_289 = tpu.vector_load_idx %arg8[%get3A_284] : memref<10240xf32, #tpu.memory_space<vmem>>[vector<16xi32>], vector<16xf32>,
        %gather3A_290 = tpu.vector_load_idx %arg9[%get3A_286] : memref<10240xf32, #tpu.memory_space<vmem>>[vector<16xi32>], vector<16xf32>,
        %mul3A_291 = arith.mulf %gather3A_287, %gather3A_288 : vector<16xf32>
        %mul3A_292 = arith.mulf %gather3A_289, %gather3A_290 : vector<16xf32>
        %max3A_293 = arith.maximumf %mul3A_291, %mul3A_292 : vector<16xf32>
        %gather3A_294 = tpu.vector_load_idx %arg10[%get3A_284] : memref<10240xf32, #tpu.memory_space<vmem>>[vector<16xi32>], vector<16xf32>,
        %add3A_295 = vector.broadcast %select_n3A : i32 to vector<16xi32>
        %add3A_296 = arith.addi %get3A_286, %add3A_295 : vector<16xi32>
        %mul3A_297 = arith.mulf %gather3A_294, %max3A_293 : vector<16xf32>
        tpu.vector_store_idx %arg18[%add3A_296], %mul3A_297 {add = true} : memref<30720xf32, #tpu.memory_space<vmem>>[vector<16xi32>], vector<16xf32>,
        %gather3A_298 = tpu.vector_load_idx %arg11[%get3A_284] : memref<10240xf32, #tpu.memory_space<vmem>>[vector<16xi32>], vector<16xf32>,
        %add3A_299 = vector.broadcast %select_n3A_13 : i32 to vector<16xi32>
        %add3A_300 = arith.addi %get3A_286, %add3A_299 : vector<16xi32>
        %mul3A_301 = arith.mulf %gather3A_298, %max3A_293 : vector<16xf32>
        tpu.vector_store_idx %arg18[%add3A_300], %mul3A_301 {add = true} : memref<30720xf32, #tpu.memory_space<vmem>>[vector<16xi32>], vector<16xf32>,
        %add3A_302 = arith.constant 20480 : i32
        %add3A_303 = vector.broadcast %add3A_302 : i32 to vector<16xi32>
        %add3A_304 = arith.addi %get3A_286, %add3A_303 : vector<16xi32>
        tpu.vector_store_idx %arg18[%add3A_304], %max3A_293 masked %broadcast_in_dim3A {add = true} : memref<30720xf32, #tpu.memory_space<vmem>>[vector<16xi32>], vector<16xf32>, vector<16xi1>
      }
      %scan3A_100 = arith.constant 400 : i32
    }
    %scan3A_35 = arith.constant 13 : i32
    %lt3A_36 = arith.constant 20 : i32
    %lt3A_37 = arith.cmpi slt, %add3A_4, %lt3A_36 : i32
    %convert_element_type3A = arith.extui %lt3A_37 : i1 to i32
    %cond3A = arith.constant 0 : i32
    %cond3A_38 = arith.cmpi ne, %convert_element_type3A, %cond3A : i32
    scf.if %cond3A_38 {
      "tpu.region"() ({
        %run_scoped3A_49 = tpu.sem_alloc : memref<!tpu.dma_semaphore, #tpu.memory_space<semaphore_mem>>
        %dma_start3A_50 = arith.constant 0 : i32
        %dma_start3A_51 = tpu.memref_slice %arg18[%dma_start3A_50] : memref<30720xf32, #tpu.memory_space<vmem>> -> memref<10240xf32, #tpu.memory_space<vmem>>
        %dma_start3A_52 = arith.constant 0 : i32
        %dma_start3A_53 = tpu.memref_slice %arg5[%arg0, %add3A_4, %dma_start3A_52] : memref<2x21x10240xf32, #tpu.memory_space<hbm>> -> memref<1x1x10240xf32, #tpu.memory_space<hbm>>
        %dma_start3A_54 = tpu.memref_squeeze %dma_start3A_53 : memref<1x1x10240xf32, #tpu.memory_space<hbm>> -> memref<10240xf32, #tpu.memory_space<hbm>>
        %dma_start3A_55 = arith.constant 0 : i32
        %dma_start3A_56 = tpu.memref_slice %arg5[%arg0, %add3A_4, %dma_start3A_55] : memref<2x21x10240xf32, #tpu.memory_space<hbm>> -> memref<1x1x10240xf32, #tpu.memory_space<hbm>>
        %dma_start3A_57 = tpu.memref_squeeze %dma_start3A_56 : memref<1x1x10240xf32, #tpu.memory_space<hbm>> -> memref<10240xf32, #tpu.memory_space<hbm>>
        %dma_start3A_58 = arith.constant 0 : i32
        %dma_start3A_59 = tpu.memref_slice %arg18[%dma_start3A_58] : memref<30720xf32, #tpu.memory_space<vmem>> -> memref<10240xf32, #tpu.memory_space<vmem>>
        tpu.enqueue_dma source(%dma_start3A_59 : memref<10240xf32, #tpu.memory_space<vmem>>) target(%dma_start3A_57 : memref<10240xf32, #tpu.memory_space<hbm>>) target_semaphore(%run_scoped3A_49 : memref<!tpu.dma_semaphore, #tpu.memory_space<semaphore_mem>>)
        %dma_wait3A = arith.constant 0 : i32
        %dma_wait3A_60 = tpu.memref_slice %arg18[%dma_wait3A] : memref<30720xf32, #tpu.memory_space<vmem>> -> memref<10240xf32, #tpu.memory_space<vmem>>
        %dma_wait3A_61 = arith.constant 0 : i32
        %dma_wait3A_62 = tpu.memref_slice %arg5[%arg0, %add3A_4, %dma_wait3A_61] : memref<2x21x10240xf32, #tpu.memory_space<hbm>> -> memref<1x1x10240xf32, #tpu.memory_space<hbm>>
        %dma_wait3A_63 = tpu.memref_squeeze %dma_wait3A_62 : memref<1x1x10240xf32, #tpu.memory_space<hbm>> -> memref<10240xf32, #tpu.memory_space<hbm>>
        %dma_wait3A_64 = arith.constant 0 : i32
        %dma_wait3A_65 = tpu.memref_slice %arg5[%arg0, %add3A_4, %dma_wait3A_64] : memref<2x21x10240xf32, #tpu.memory_space<hbm>> -> memref<1x1x10240xf32, #tpu.memory_space<hbm>>
        %dma_wait3A_66 = tpu.memref_squeeze %dma_wait3A_65 : memref<1x1x10240xf32, #tpu.memory_space<hbm>> -> memref<10240xf32, #tpu.memory_space<hbm>>
        %dma_wait3A_67 = arith.constant 0 : i32
        %dma_wait3A_68 = tpu.memref_slice %arg18[%dma_wait3A_67] : memref<30720xf32, #tpu.memory_space<vmem>> -> memref<10240xf32, #tpu.memory_space<vmem>>
        tpu.wait_dma2 semaphore(%run_scoped3A_49 : memref<!tpu.dma_semaphore, #tpu.memory_space<semaphore_mem>>) src(%dma_wait3A_68 : memref<10240xf32, #tpu.memory_space<vmem>>) dst(%dma_wait3A_66 : memref<10240xf32, #tpu.memory_space<hbm>>)
        tpu.yield
      }) : () -> ()
    } else {
    }
    %lt3A_39 = arith.constant 20 : i32
    %lt3A_40 = arith.cmpi slt, %add3A_6, %lt3A_39 : i32
    %convert_element_type3A_41 = arith.extui %lt3A_40 : i1 to i32
    %cond3A_42 = arith.constant 0 : i32
    %cond3A_43 = arith.cmpi ne, %convert_element_type3A_41, %cond3A_42 : i32
    scf.if %cond3A_43 {
      "tpu.region"() ({
        %run_scoped3A_49 = tpu.sem_alloc : memref<!tpu.dma_semaphore, #tpu.memory_space<semaphore_mem>>
        %dma_start3A_50 = arith.constant 10240 : i32
        %dma_start3A_51 = tpu.memref_slice %arg18[%dma_start3A_50] : memref<30720xf32, #tpu.memory_space<vmem>> -> memref<10240xf32, #tpu.memory_space<vmem>>
        %dma_start3A_52 = arith.constant 0 : i32
        %dma_start3A_53 = tpu.memref_slice %arg5[%arg0, %add3A_6, %dma_start3A_52] : memref<2x21x10240xf32, #tpu.memory_space<hbm>> -> memref<1x1x10240xf32, #tpu.memory_space<hbm>>
        %dma_start3A_54 = tpu.memref_squeeze %dma_start3A_53 : memref<1x1x10240xf32, #tpu.memory_space<hbm>> -> memref<10240xf32, #tpu.memory_space<hbm>>
        %dma_start3A_55 = arith.constant 0 : i32
        %dma_start3A_56 = tpu.memref_slice %arg5[%arg0, %add3A_6, %dma_start3A_55] : memref<2x21x10240xf32, #tpu.memory_space<hbm>> -> memref<1x1x10240xf32, #tpu.memory_space<hbm>>
        %dma_start3A_57 = tpu.memref_squeeze %dma_start3A_56 : memref<1x1x10240xf32, #tpu.memory_space<hbm>> -> memref<10240xf32, #tpu.memory_space<hbm>>
        %dma_start3A_58 = arith.constant 10240 : i32
        %dma_start3A_59 = tpu.memref_slice %arg18[%dma_start3A_58] : memref<30720xf32, #tpu.memory_space<vmem>> -> memref<10240xf32, #tpu.memory_space<vmem>>
        tpu.enqueue_dma source(%dma_start3A_59 : memref<10240xf32, #tpu.memory_space<vmem>>) target(%dma_start3A_57 : memref<10240xf32, #tpu.memory_space<hbm>>) target_semaphore(%run_scoped3A_49 : memref<!tpu.dma_semaphore, #tpu.memory_space<semaphore_mem>>)
        %dma_wait3A = arith.constant 10240 : i32
        %dma_wait3A_60 = tpu.memref_slice %arg18[%dma_wait3A] : memref<30720xf32, #tpu.memory_space<vmem>> -> memref<10240xf32, #tpu.memory_space<vmem>>
        %dma_wait3A_61 = arith.constant 0 : i32
        %dma_wait3A_62 = tpu.memref_slice %arg5[%arg0, %add3A_6, %dma_wait3A_61] : memref<2x21x10240xf32, #tpu.memory_space<hbm>> -> memref<1x1x10240xf32, #tpu.memory_space<hbm>>
        %dma_wait3A_63 = tpu.memref_squeeze %dma_wait3A_62 : memref<1x1x10240xf32, #tpu.memory_space<hbm>> -> memref<10240xf32, #tpu.memory_space<hbm>>
        %dma_wait3A_64 = arith.constant 0 : i32
        %dma_wait3A_65 = tpu.memref_slice %arg5[%arg0, %add3A_6, %dma_wait3A_64] : memref<2x21x10240xf32, #tpu.memory_space<hbm>> -> memref<1x1x10240xf32, #tpu.memory_space<hbm>>
        %dma_wait3A_66 = tpu.memref_squeeze %dma_wait3A_65 : memref<1x1x10240xf32, #tpu.memory_space<hbm>> -> memref<10240xf32, #tpu.memory_space<hbm>>
        %dma_wait3A_67 = arith.constant 10240 : i32
        %dma_wait3A_68 = tpu.memref_slice %arg18[%dma_wait3A_67] : memref<30720xf32, #tpu.memory_space<vmem>> -> memref<10240xf32, #tpu.memory_space<vmem>>
        tpu.wait_dma2 semaphore(%run_scoped3A_49 : memref<!tpu.dma_semaphore, #tpu.memory_space<semaphore_mem>>) src(%dma_wait3A_68 : memref<10240xf32, #tpu.memory_space<vmem>>) dst(%dma_wait3A_66 : memref<10240xf32, #tpu.memory_space<hbm>>)
        tpu.yield
      }) : () -> ()
    } else {
    }
    %eq3A_44 = arith.constant 4 : i32
    %eq3A_45 = arith.cmpi eq, %arg1, %eq3A_44 : i32
    %convert_element_type3A_46 = arith.extui %eq3A_45 : i1 to i32
    %cond3A_47 = arith.constant 0 : i32
    %cond3A_48 = arith.cmpi ne, %convert_element_type3A_46, %cond3A_47 : i32
    scf.if %cond3A_48 {
      %add3A_49 = arith.constant 16 : i32
      %add3A_50 = arith.addi %arg1, %add3A_49 : i32
      "tpu.region"() ({
        %run_scoped3A_51 = tpu.sem_alloc : memref<!tpu.dma_semaphore, #tpu.memory_space<semaphore_mem>>
        %dma_start3A_52 = arith.constant 20480 : i32
        %dma_start3A_53 = tpu.memref_slice %arg18[%dma_start3A_52] : memref<30720xf32, #tpu.memory_space<vmem>> -> memref<10240xf32, #tpu.memory_space<vmem>>
        %dma_start3A_54 = arith.constant 0 : i32
        %dma_start3A_55 = tpu.memref_slice %arg5[%arg0, %add3A_50, %dma_start3A_54] : memref<2x21x10240xf32, #tpu.memory_space<hbm>> -> memref<1x1x10240xf32, #tpu.memory_space<hbm>>
        %dma_start3A_56 = tpu.memref_squeeze %dma_start3A_55 : memref<1x1x10240xf32, #tpu.memory_space<hbm>> -> memref<10240xf32, #tpu.memory_space<hbm>>
        %dma_start3A_57 = arith.constant 0 : i32
        %dma_start3A_58 = tpu.memref_slice %arg5[%arg0, %add3A_50, %dma_start3A_57] : memref<2x21x10240xf32, #tpu.memory_space<hbm>> -> memref<1x1x10240xf32, #tpu.memory_space<hbm>>
        %dma_start3A_59 = tpu.memref_squeeze %dma_start3A_58 : memref<1x1x10240xf32, #tpu.memory_space<hbm>> -> memref<10240xf32, #tpu.memory_space<hbm>>
        %dma_start3A_60 = arith.constant 20480 : i32
        %dma_start3A_61 = tpu.memref_slice %arg18[%dma_start3A_60] : memref<30720xf32, #tpu.memory_space<vmem>> -> memref<10240xf32, #tpu.memory_space<vmem>>
        tpu.enqueue_dma source(%dma_start3A_61 : memref<10240xf32, #tpu.memory_space<vmem>>) target(%dma_start3A_59 : memref<10240xf32, #tpu.memory_space<hbm>>) target_semaphore(%run_scoped3A_51 : memref<!tpu.dma_semaphore, #tpu.memory_space<semaphore_mem>>)
        %dma_wait3A = arith.constant 20480 : i32
        %dma_wait3A_62 = tpu.memref_slice %arg18[%dma_wait3A] : memref<30720xf32, #tpu.memory_space<vmem>> -> memref<10240xf32, #tpu.memory_space<vmem>>
        %dma_wait3A_63 = arith.constant 0 : i32
        %dma_wait3A_64 = tpu.memref_slice %arg5[%arg0, %add3A_50, %dma_wait3A_63] : memref<2x21x10240xf32, #tpu.memory_space<hbm>> -> memref<1x1x10240xf32, #tpu.memory_space<hbm>>
        %dma_wait3A_65 = tpu.memref_squeeze %dma_wait3A_64 : memref<1x1x10240xf32, #tpu.memory_space<hbm>> -> memref<10240xf32, #tpu.memory_space<hbm>>
        %dma_wait3A_66 = arith.constant 0 : i32
        %dma_wait3A_67 = tpu.memref_slice %arg5[%arg0, %add3A_50, %dma_wait3A_66] : memref<2x21x10240xf32, #tpu.memory_space<hbm>> -> memref<1x1x10240xf32, #tpu.memory_space<hbm>>
        %dma_wait3A_68 = tpu.memref_squeeze %dma_wait3A_67 : memref<1x1x10240xf32, #tpu.memory_space<hbm>> -> memref<10240xf32, #tpu.memory_space<hbm>>
        %dma_wait3A_69 = arith.constant 20480 : i32
        %dma_wait3A_70 = tpu.memref_slice %arg18[%dma_wait3A_69] : memref<30720xf32, #tpu.memory_space<vmem>> -> memref<10240xf32, #tpu.memory_space<vmem>>
        tpu.wait_dma2 semaphore(%run_scoped3A_51 : memref<!tpu.dma_semaphore, #tpu.memory_space<semaphore_mem>>) src(%dma_wait3A_70 : memref<10240xf32, #tpu.memory_space<vmem>>) dst(%dma_wait3A_68 : memref<10240xf32, #tpu.memory_space<hbm>>)
        tpu.yield
      }) : () -> ()
    } else {
    }
    return
  }
}

module attributes {stable_mosaic.version = 14 : i64} {
  func.func @_tc1_body(%arg0: memref<10240x128xf32, #tpu.memory_space<vmem>>, %arg1: memref<20x128xf32, #tpu.memory_space<vmem>>, %arg2: memref<20x1xf32, #tpu.memory_space<vmem>>, %arg3: memref<32x128xf32, #tpu.memory_space<vmem>>, %arg4: memref<32x128xf32, #tpu.memory_space<vmem>>, %arg5: memref<1x32xf32, #tpu.memory_space<vmem>>, %arg6: memref<1x32xf32, #tpu.memory_space<vmem>>, %arg7: memref<40x10240xf32, #tpu.memory_space<vmem>>, %arg8: memref<20x10240xf32, #tpu.memory_space<vmem>>) attributes {dimension_semantics = [], scalar_prefetch = 0 : i64, scratch_operands = 0 : i64, tpu.core_type = #tpu.core_type<tc>} {
    %get3A = arith.constant 0 : index
    %get3A_0 = arith.constant 0 : index
    %get3A_1 = vector.load %arg0[%get3A, %get3A_0] : memref<10240x128xf32, #tpu.memory_space<vmem>>, vector<10240x128xf32>
    %get3A_2 = arith.constant 0 : index
    %get3A_3 = arith.constant 0 : index
    %get3A_4 = vector.load %arg3[%get3A_2, %get3A_3] : memref<32x128xf32, #tpu.memory_space<vmem>>, vector<32x128xf32>
    %dot_general3A = arith.constant dense<0.000000e+00> : vector<32x10240xf32>
    %dot_general3A_5 = tpu.matmul %get3A_4, %get3A_1, %dot_general3A {dimension_numbers = #tpu.dot_dimension_numbers<[1], [1], [0], [0], [0, 0, 1, 0], [], []>, transpose_lhs_hint = false} : vector<32x128xf32>, vector<10240x128xf32>, vector<32x10240xf32> -> vector<32x10240xf32>
    %get3A_6 = arith.constant 0 : index
    %get3A_7 = arith.constant 0 : index
    %get3A_8 = vector.load %arg4[%get3A_6, %get3A_7] : memref<32x128xf32, #tpu.memory_space<vmem>>, vector<32x128xf32>
    %dot_general3A_9 = arith.constant dense<0.000000e+00> : vector<32x10240xf32>
    %dot_general3A_10 = tpu.matmul %get3A_8, %get3A_1, %dot_general3A_9 {dimension_numbers = #tpu.dot_dimension_numbers<[1], [1], [0], [0], [0, 0, 1, 0], [], []>, transpose_lhs_hint = false} : vector<32x128xf32>, vector<10240x128xf32>, vector<32x10240xf32> -> vector<32x10240xf32>
    %get3A_11 = arith.constant 0 : index
    %get3A_12 = arith.constant 0 : index
    %get3A_13 = vector.load %arg5[%get3A_11, %get3A_12] : memref<1x32xf32, #tpu.memory_space<vmem>>, vector<1x32xf32>
    %dot_general3A_14 = arith.constant dense<0.000000e+00> : vector<1x10240xf32>
    %dot_general3A_15 = tpu.matmul %get3A_13, %dot_general3A_5, %dot_general3A_14 {dimension_numbers = #tpu.dot_dimension_numbers<[1], [0], [0], [1], [0, 0, 1, 1], [], []>, transpose_lhs_hint = false} : vector<1x32xf32>, vector<32x10240xf32>, vector<1x10240xf32> -> vector<1x10240xf32>
    %get3A_16 = arith.constant 0 : index
    %get3A_17 = arith.constant 0 : index
    %get3A_18 = vector.load %arg6[%get3A_16, %get3A_17] : memref<1x32xf32, #tpu.memory_space<vmem>>, vector<1x32xf32>
    %dot_general3A_19 = arith.constant dense<0.000000e+00> : vector<1x10240xf32>
    %dot_general3A_20 = tpu.matmul %get3A_18, %dot_general3A_10, %dot_general3A_19 {dimension_numbers = #tpu.dot_dimension_numbers<[1], [0], [0], [1], [0, 0, 1, 1], [], []>, transpose_lhs_hint = false} : vector<1x32xf32>, vector<32x10240xf32>, vector<1x10240xf32> -> vector<1x10240xf32>
    %broadcast_in_dim3A = arith.constant 0.000000e+00 : f32
    %broadcast_in_dim3A_21 = vector.broadcast %broadcast_in_dim3A : f32 to vector<4x10240xf32>
    %exp3A = math.exp %dot_general3A_15 : vector<1x10240xf32>
    %exp3A_22 = math.exp %dot_general3A_20 : vector<1x10240xf32>
    %mul3A = arith.constant 2.000000e-01 : f32
    %mul3A_23 = vector.broadcast %mul3A : f32 to vector<1x10240xf32>
    %mul3A_24 = arith.mulf %mul3A_23, %dot_general3A_15 : vector<1x10240xf32>
    %exp3A_25 = math.exp %mul3A_24 : vector<1x10240xf32>
    %mul3A_26 = arith.constant 2.000000e-01 : f32
    %mul3A_27 = vector.broadcast %mul3A_26 : f32 to vector<1x10240xf32>
    %mul3A_28 = arith.mulf %mul3A_27, %dot_general3A_20 : vector<1x10240xf32>
    %exp3A_29 = math.exp %mul3A_28 : vector<1x10240xf32>
    %concatenate3A = tpu.concatenate %dot_general3A_5, %exp3A, %exp3A_22, %exp3A_25, %exp3A_29, %broadcast_in_dim3A_21 in 0 : vector<32x10240xf32>, vector<1x10240xf32>, vector<1x10240xf32>, vector<1x10240xf32>, vector<1x10240xf32>, vector<4x10240xf32> -> vector<40x10240xf32>
    %swap3A = arith.constant 0 : index
    %swap3A_30 = arith.constant 0 : index
    %swap3A_31 = vector.load %arg7[%swap3A, %swap3A_30] : memref<40x10240xf32, #tpu.memory_space<vmem>>, vector<40x10240xf32>
    tpu.vector_store %arg7[%swap3A, %swap3A_30], %concatenate3A {strides = array<i32>} : memref<40x10240xf32, #tpu.memory_space<vmem>>, vector<40x10240xf32>,
    %get3A_32 = arith.constant 0 : index
    %get3A_33 = arith.constant 0 : index
    %get3A_34 = vector.load %arg1[%get3A_32, %get3A_33] : memref<20x128xf32, #tpu.memory_space<vmem>>, vector<20x128xf32>
    %dot_general3A_35 = arith.constant dense<0.000000e+00> : vector<20x10240xf32>
    %dot_general3A_36 = tpu.matmul %get3A_34, %get3A_1, %dot_general3A_35 {dimension_numbers = #tpu.dot_dimension_numbers<[1], [1], [0], [0], [0, 0, 1, 0], [], []>, transpose_lhs_hint = false} : vector<20x128xf32>, vector<10240x128xf32>, vector<20x10240xf32> -> vector<20x10240xf32>
    %get3A_37 = arith.constant 0 : index
    %get3A_38 = arith.constant 0 : index
    %get3A_39 = vector.load %arg2[%get3A_37, %get3A_38] : memref<20x1xf32, #tpu.memory_space<vmem>>, vector<20x1xf32>
    %add3A = vector.broadcast %get3A_39 : vector<20x1xf32> to vector<20x10240xf32>
    %add3A_40 = arith.addf %dot_general3A_36, %add3A : vector<20x10240xf32>
    %iota3A = tpu.iota {dimensions = array<i32: 1>} : vector<20x10240xi32>
    %lt3A = arith.constant 10000 : i32
    %lt3A_41 = vector.broadcast %lt3A : i32 to vector<20x10240xi32>
    %lt3A_42 = arith.cmpi slt, %iota3A, %lt3A_41 : vector<20x10240xi32>
    %jit3A = arith.constant 0xFF800000 : f32
    %broadcast_in_dim3A_43 = vector.broadcast %jit3A : f32 to vector<20x10240xf32>
    %select_n3A = arith.select %lt3A_42, %add3A_40, %broadcast_in_dim3A_43 : vector<20x10240xi1>, vector<20x10240xf32>
    %reduce_max3A = arith.constant dense<0xFF800000> : vector<20xf32>
    %reduce_max3A_44 = vector.multi_reduction <maximumf>, %select_n3A, %reduce_max3A [1] : vector<20x10240xf32> to vector<20xf32>
    %broadcast_in_dim3A_45 = vector.shape_cast %reduce_max3A_44 : vector<20xf32> to vector<20x1xf32>
    %sub3A = vector.broadcast %broadcast_in_dim3A_45 : vector<20x1xf32> to vector<20x10240xf32>
    %sub3A_46 = arith.subf %select_n3A, %sub3A : vector<20x10240xf32>
    %exp3A_47 = math.exp %sub3A_46 : vector<20x10240xf32>
    %reduce_sum3A = arith.constant dense<0.000000e+00> : vector<20xf32>
    %reduce_sum3A_48 = vector.multi_reduction <add>, %exp3A_47, %reduce_sum3A [1] : vector<20x10240xf32> to vector<20xf32>
    %broadcast_in_dim3A_49 = vector.shape_cast %reduce_sum3A_48 : vector<20xf32> to vector<20x1xf32>
    %div3A = vector.broadcast %broadcast_in_dim3A_49 : vector<20x1xf32> to vector<20x10240xf32>
    %div3A_50 = arith.divf %exp3A_47, %div3A : vector<20x10240xf32>
    %swap3A_51 = arith.constant 0 : index
    %swap3A_52 = arith.constant 0 : index
    %swap3A_53 = vector.load %arg8[%swap3A_51, %swap3A_52] : memref<20x10240xf32, #tpu.memory_space<vmem>>, vector<20x10240xf32>
    tpu.vector_store %arg8[%swap3A_51, %swap3A_52], %div3A_50 {strides = array<i32>} : memref<20x10240xf32, #tpu.memory_space<vmem>>, vector<20x10240xf32>,
    return
  }
}

module attributes {stable_mosaic.version = 14 : i64} {
  func.func @_tc2_body(%arg0: memref<2x33x10240xf32, #tpu.memory_space<vmem>>, %arg1: memref<32x1xf32, #tpu.memory_space<vmem>>, %arg2: memref<20x32xf32, #tpu.memory_space<vmem>>, %arg3: memref<20x32xf32, #tpu.memory_space<vmem>>, %arg4: memref<1x20xf32, #tpu.memory_space<vmem>>, %arg5: memref<1x20xf32, #tpu.memory_space<vmem>>, %arg6: memref<32x10240xf32, #tpu.memory_space<vmem>>) attributes {dimension_semantics = [], scalar_prefetch = 0 : i64, scratch_operands = 0 : i64, tpu.core_type = #tpu.core_type<tc>} {
    %get3A = arith.constant 0 : index
    %get3A_0 = arith.constant 0 : index
    %get3A_1 = arith.constant 0 : index
    %get3A_2 = vector.load %arg0[%get3A, %get3A_0, %get3A_1] : memref<2x33x10240xf32, #tpu.memory_space<vmem>>, vector<1x33x10240xf32>
    %get3A_3 = vector.shape_cast %get3A_2 : vector<1x33x10240xf32> to vector<33x10240xf32>
    %get3A_4 = arith.constant 1 : index
    %get3A_5 = arith.constant 0 : index
    %get3A_6 = arith.constant 0 : index
    %get3A_7 = vector.load %arg0[%get3A_4, %get3A_5, %get3A_6] : memref<2x33x10240xf32, #tpu.memory_space<vmem>>, vector<1x33x10240xf32>
    %get3A_8 = vector.shape_cast %get3A_7 : vector<1x33x10240xf32> to vector<33x10240xf32>
    %add3A = arith.addf %get3A_3, %get3A_8 : vector<33x10240xf32>
    %slice3A = vector.extract_strided_slice %add3A {offsets = [0, 0], sizes = [32, 10240], strides = [1, 1]} : vector<33x10240xf32> to vector<32x10240xf32>
    %slice3A_9 = vector.extract_strided_slice %add3A {offsets = [32, 0], sizes = [1, 10240], strides = [1, 1]} : vector<33x10240xf32> to vector<1x10240xf32>
    %add3A_10 = arith.constant 1.000000e-16 : f32
    %add3A_11 = vector.broadcast %add3A_10 : f32 to vector<1x10240xf32>
    %add3A_12 = arith.addf %slice3A_9, %add3A_11 : vector<1x10240xf32>
    %div3A = vector.broadcast %add3A_12 : vector<1x10240xf32> to vector<32x10240xf32>
    %div3A_13 = arith.divf %slice3A, %div3A : vector<32x10240xf32>
    %get3A_14 = arith.constant 0 : index
    %get3A_15 = arith.constant 0 : index
    %get3A_16 = vector.load %arg1[%get3A_14, %get3A_15] : memref<32x1xf32, #tpu.memory_space<vmem>>, vector<32x1xf32>
    %add3A_17 = vector.broadcast %get3A_16 : vector<32x1xf32> to vector<32x10240xf32>
    %add3A_18 = arith.addf %div3A_13, %add3A_17 : vector<32x10240xf32>
    %max3A = arith.constant 0.000000e+00 : f32
    %max3A_19 = vector.broadcast %max3A : f32 to vector<32x10240xf32>
    %max3A_20 = arith.maximumf %add3A_18, %max3A_19 : vector<32x10240xf32>
    %get3A_21 = arith.constant 0 : index
    %get3A_22 = arith.constant 0 : index
    %get3A_23 = vector.load %arg2[%get3A_21, %get3A_22] : memref<20x32xf32, #tpu.memory_space<vmem>>, vector<20x32xf32>
    %dot_general3A = arith.constant dense<0.000000e+00> : vector<20x10240xf32>
    %dot_general3A_24 = tpu.matmul %get3A_23, %max3A_20, %dot_general3A {dimension_numbers = #tpu.dot_dimension_numbers<[1], [0], [0], [1], [0, 0, 1, 1], [], []>, transpose_lhs_hint = false} : vector<20x32xf32>, vector<32x10240xf32>, vector<20x10240xf32> -> vector<20x10240xf32>
    %get3A_25 = arith.constant 0 : index
    %get3A_26 = arith.constant 0 : index
    %get3A_27 = vector.load %arg3[%get3A_25, %get3A_26] : memref<20x32xf32, #tpu.memory_space<vmem>>, vector<20x32xf32>
    %dot_general3A_28 = arith.constant dense<0.000000e+00> : vector<20x10240xf32>
    %dot_general3A_29 = tpu.matmul %get3A_27, %max3A_20, %dot_general3A_28 {dimension_numbers = #tpu.dot_dimension_numbers<[1], [0], [0], [1], [0, 0, 1, 1], [], []>, transpose_lhs_hint = false} : vector<20x32xf32>, vector<32x10240xf32>, vector<20x10240xf32> -> vector<20x10240xf32>
    %get3A_30 = arith.constant 0 : index
    %get3A_31 = arith.constant 0 : index
    %get3A_32 = vector.load %arg4[%get3A_30, %get3A_31] : memref<1x20xf32, #tpu.memory_space<vmem>>, vector<1x20xf32>
    %dot_general3A_33 = arith.constant dense<0.000000e+00> : vector<1x10240xf32>
    %dot_general3A_34 = tpu.matmul %get3A_32, %dot_general3A_24, %dot_general3A_33 {dimension_numbers = #tpu.dot_dimension_numbers<[1], [0], [0], [1], [0, 0, 1, 1], [], []>, transpose_lhs_hint = false} : vector<1x20xf32>, vector<20x10240xf32>, vector<1x10240xf32> -> vector<1x10240xf32>
    %get3A_35 = arith.constant 0 : index
    %get3A_36 = arith.constant 0 : index
    %get3A_37 = vector.load %arg5[%get3A_35, %get3A_36] : memref<1x20xf32, #tpu.memory_space<vmem>>, vector<1x20xf32>
    %dot_general3A_38 = arith.constant dense<0.000000e+00> : vector<1x10240xf32>
    %dot_general3A_39 = tpu.matmul %get3A_37, %dot_general3A_29, %dot_general3A_38 {dimension_numbers = #tpu.dot_dimension_numbers<[1], [0], [0], [1], [0, 0, 1, 1], [], []>, transpose_lhs_hint = false} : vector<1x20xf32>, vector<20x10240xf32>, vector<1x10240xf32> -> vector<1x10240xf32>
    %broadcast_in_dim3A = arith.constant 0.000000e+00 : f32
    %broadcast_in_dim3A_40 = vector.broadcast %broadcast_in_dim3A : f32 to vector<8x10240xf32>
    %exp3A = math.exp %dot_general3A_34 : vector<1x10240xf32>
    %exp3A_41 = math.exp %dot_general3A_39 : vector<1x10240xf32>
    %mul3A = arith.constant 2.000000e-01 : f32
    %mul3A_42 = vector.broadcast %mul3A : f32 to vector<1x10240xf32>
    %mul3A_43 = arith.mulf %mul3A_42, %dot_general3A_34 : vector<1x10240xf32>
    %exp3A_44 = math.exp %mul3A_43 : vector<1x10240xf32>
    %mul3A_45 = arith.constant 2.000000e-01 : f32
    %mul3A_46 = vector.broadcast %mul3A_45 : f32 to vector<1x10240xf32>
    %mul3A_47 = arith.mulf %mul3A_46, %dot_general3A_39 : vector<1x10240xf32>
    %exp3A_48 = math.exp %mul3A_47 : vector<1x10240xf32>
    %concatenate3A = tpu.concatenate %dot_general3A_24, %exp3A, %exp3A_41, %exp3A_44, %exp3A_48, %broadcast_in_dim3A_40 in 0 : vector<20x10240xf32>, vector<1x10240xf32>, vector<1x10240xf32>, vector<1x10240xf32>, vector<1x10240xf32>, vector<8x10240xf32> -> vector<32x10240xf32>
    %swap3A = arith.constant 0 : index
    %swap3A_49 = arith.constant 0 : index
    %swap3A_50 = vector.load %arg6[%swap3A, %swap3A_49] : memref<32x10240xf32, #tpu.memory_space<vmem>>, vector<32x10240xf32>
    tpu.vector_store %arg6[%swap3A, %swap3A_49], %concatenate3A {strides = array<i32>} : memref<32x10240xf32, #tpu.memory_space<vmem>>, vector<32x10240xf32>,
    return
  }
}

module attributes {stable_mosaic.version = 14 : i64} {
  func.func @_tc3_body(%arg0: memref<2x21x10240xf32, #tpu.memory_space<vmem>>, %arg1: memref<20x1xf32, #tpu.memory_space<vmem>>, %arg2: memref<20x10240xf32, #tpu.memory_space<vmem>>, %arg3: memref<20x10240xf32, #tpu.memory_space<vmem>>) attributes {dimension_semantics = [], scalar_prefetch = 0 : i64, scratch_operands = 0 : i64, tpu.core_type = #tpu.core_type<tc>} {
    %get3A = arith.constant 0 : index
    %get3A_0 = arith.constant 0 : index
    %get3A_1 = arith.constant 0 : index
    %get3A_2 = vector.load %arg0[%get3A, %get3A_0, %get3A_1] : memref<2x21x10240xf32, #tpu.memory_space<vmem>>, vector<1x21x10240xf32>
    %get3A_3 = vector.shape_cast %get3A_2 : vector<1x21x10240xf32> to vector<21x10240xf32>
    %get3A_4 = arith.constant 1 : index
    %get3A_5 = arith.constant 0 : index
    %get3A_6 = arith.constant 0 : index
    %get3A_7 = vector.load %arg0[%get3A_4, %get3A_5, %get3A_6] : memref<2x21x10240xf32, #tpu.memory_space<vmem>>, vector<1x21x10240xf32>
    %get3A_8 = vector.shape_cast %get3A_7 : vector<1x21x10240xf32> to vector<21x10240xf32>
    %add3A = arith.addf %get3A_3, %get3A_8 : vector<21x10240xf32>
    %slice3A = vector.extract_strided_slice %add3A {offsets = [0, 0], sizes = [20, 10240], strides = [1, 1]} : vector<21x10240xf32> to vector<20x10240xf32>
    %slice3A_9 = vector.extract_strided_slice %add3A {offsets = [20, 0], sizes = [1, 10240], strides = [1, 1]} : vector<21x10240xf32> to vector<1x10240xf32>
    %add3A_10 = arith.constant 1.000000e-16 : f32
    %add3A_11 = vector.broadcast %add3A_10 : f32 to vector<1x10240xf32>
    %add3A_12 = arith.addf %slice3A_9, %add3A_11 : vector<1x10240xf32>
    %div3A = vector.broadcast %add3A_12 : vector<1x10240xf32> to vector<20x10240xf32>
    %div3A_13 = arith.divf %slice3A, %div3A : vector<20x10240xf32>
    %get3A_14 = arith.constant 0 : index
    %get3A_15 = arith.constant 0 : index
    %get3A_16 = vector.load %arg1[%get3A_14, %get3A_15] : memref<20x1xf32, #tpu.memory_space<vmem>>, vector<20x1xf32>
    %add3A_17 = vector.broadcast %get3A_16 : vector<20x1xf32> to vector<20x10240xf32>
    %add3A_18 = arith.addf %div3A_13, %add3A_17 : vector<20x10240xf32>
    %reduce_max3A = arith.constant dense<0xFF800000> : vector<10240xf32>
    %reduce_max3A_19 = vector.multi_reduction <maximumf>, %add3A_18, %reduce_max3A [0] : vector<20x10240xf32> to vector<10240xf32>
    %broadcast_in_dim3A = vector.shape_cast %reduce_max3A_19 : vector<10240xf32> to vector<1x10240xf32>
    %sub3A = vector.broadcast %broadcast_in_dim3A : vector<1x10240xf32> to vector<20x10240xf32>
    %sub3A_20 = arith.subf %add3A_18, %sub3A : vector<20x10240xf32>
    %exp3A = math.exp %sub3A_20 : vector<20x10240xf32>
    %reduce_sum3A = arith.constant dense<0.000000e+00> : vector<10240xf32>
    %reduce_sum3A_21 = vector.multi_reduction <add>, %exp3A, %reduce_sum3A [0] : vector<20x10240xf32> to vector<10240xf32>
    %broadcast_in_dim3A_22 = vector.shape_cast %reduce_sum3A_21 : vector<10240xf32> to vector<1x10240xf32>
    %div3A_23 = vector.broadcast %broadcast_in_dim3A_22 : vector<1x10240xf32> to vector<20x10240xf32>
    %div3A_24 = arith.divf %exp3A, %div3A_23 : vector<20x10240xf32>
    %get3A_25 = arith.constant 0 : index
    %get3A_26 = arith.constant 0 : index
    %get3A_27 = vector.load %arg2[%get3A_25, %get3A_26] : memref<20x10240xf32, #tpu.memory_space<vmem>>, vector<20x10240xf32>
    %mul3A = arith.mulf %get3A_27, %div3A_24 : vector<20x10240xf32>
    %swap3A = arith.constant 0 : index
    %swap3A_28 = arith.constant 0 : index
    %swap3A_29 = vector.load %arg3[%swap3A, %swap3A_28] : memref<20x10240xf32, #tpu.memory_space<vmem>>, vector<20x10240xf32>
    tpu.vector_store %arg3[%swap3A, %swap3A_28], %mul3A {strides = array<i32>} : memref<20x10240xf32, #tpu.memory_space<vmem>>, vector<20x10240xf32>,
    return
  }
}

</mosaic_0001>

<sc_bundles>
// kernel: kernel.10.cloned.1.call-start
scs
__scs_entry_jumppad:
0x0: {  	(pc) =	sbr.rel $0x88, $3  }
0x1: {  	(tag) =	ssettag $0x0;
	lr =	simm.s32 $0x1  }
0x2: {  	[smem:$0x3F93] =	sst lr;
	_ =	strace $0xD0000000  }
0x3: {  	_ = 	snop  }
0x4: {  	_ = 	snop  }
0x5: {  	_ = 	snop  }
0x6: {  	_ = 	snop  }
0x7: {  	_ = 	snop  }
__scs_overlays_trampoline_lowered:
0x8: {  	[smem:$0x3FA2] =	sst s0  }
0x9: {  	[smem:$0x3FA3] =	sst s1  }
0xa: {  	[smem:$0x3FA4] =	sst s2  }
0xb: {  	[smem:$0x3FA5] =	sst s3  }
0xc: {  	[smem:$0x3FA6] =	sst s4  }
0xd: {  	[smem:$0x3FA7] =	sst s5  }
0xe: {  	[smem:$0x3FA8] =	sst s6  }
0xf: {  	[smem:$0x3FA9] =	sst s7  }
0x10: {  	[smem:$0x3FAA] =	sst s8  }
0x11: {  	[smem:$0x3FAB] =	sst s9;
	s0 =	simm.s32 @!p0 $0x0  }
0x12: {  	s1 =	sld [smem:$0x3F91];
	s0 =	simm.s32 @p0 $0x1  }
0x13: {  	[smem:$0x3FAC] =	sst s0;
	s0 =	simm.s32 @!p1 $0x0  }
0x14: {  	s2 =	sld [smem:$0x3F90];
	s0 =	simm.s32 @p1 $0x1  }
0x15: {  	[smem:$0x3FAD] =	sst s0;
	s0 =	simm.s32 @!p2 $0x0  }
0x16: {  	s3 =	sld [smem:$0x3FDB];
	s0 =	simm.s32 @p2 $0x1  }
0x17: {  	s4 =	simm.s32 $0x1BF5;
	[smem:$0x3FAF] =	sst s0  }
0x18: {  	s0 =	sld [smem:$0x3F92];
	_ =	swait.ge [sflag:s4], $0x0  }
0x19: {  	s7 =	sld [smem:$0x3F93]  }
0x1a: {  	s8 =	sadd.s32 $0xFFFFE003, lr  }
0x1b: {  	s9 =	sadd.s32 $0xFFFFFEF7, lr;
	s5 =	simm.s32 $0xFFFFFFFF;
	p2 =	slt.u32 s8, $0xFFFFF086  }
0x1c: {  	p1 =	slt.u32 s9, $0xF7A;
	s5 =	simm.s32 @!p2 $0x0  }
0x1d: {  	s5 =	simm.s32 @p1 $0x1;
	p0 =	seq.s32 s7, s2  }
0x1e: {  	s7 =	smul.u32 @!p0 $0xF7A, s2;
	p2 =	seq.s32 @!p0 s5, $0x0  }
0x1f: {  	s9 =	smul.u32 $0xF7A, s1;
	s8 =	simm.s32 @!p0 $0x1BF5;
	p2 =	por !p2, p0  }
0x20: {  	[sflag:s8] =	ssyncset.s32 @!p0 $0xFFFFF086;
	s6 =	sadd.s32 @!p0 s3, s7;
	s7 =	simm.s32 @!p0 $0x108  }
0x21: {  	s3 =	sadd.s32 s3, s9;
	s6 =	sadd.s32 @!p0 $0x88, s6;
	s7 =	simm.s32 @p2 $0x1082  }
0x22: {  	[simem:s7], [sflag:s8] =	dma.local @!p0 [hbm:s6], $0xF7A  }
0x23: {  	s9 =	sor.u32 $0xD0000000, s2;
	s6 =	simm.s32 $0x108;
	_ =	swait.ge @!p0 [sflag:s8], $0x0  }
0x24: {  	s3 =	sadd.s32 $0x88, s3;
	s6 =	simm.s32 @!p1 $0x1082;
	[sflag:s4] =	ssyncset.s32 $0xFFFFF086  }
0x25: {  	[simem:s6], [sflag:s4] =	dma.local [hbm:s3], $0xF7A  }
0x26: {  	[smem:$0x3F93] =	sst s1;
	(tag) =	ssettag s2;
	_ =	strace s9  }
0x27: {  	s1 =	sld [smem:$0x3FA3]  }
0x28: {  	s2 =	sld [smem:$0x3FA4]  }
0x29: {  	s4 =	sld [smem:$0x3FA6]  }
0x2a: {  	p0 =	seq.s32 s5, $0x0;
	s5 =	sld [smem:$0x3FA7]  }
0x2b: {  	s6 =	sld [smem:$0x3FA8]  }
0x2c: {  	s7 =	sld [smem:$0x3FA9]  }
0x2d: {  	s3 =	simm.s32 $0x108;
	s8 =	sld [smem:$0x3FAA]  }
0x2e: {  	s3 =	simm.s32 @!p0 $0x1082;
	s9 =	sld [smem:$0x3FAB]  }
0x2f: {  	lr =	sadd.s32 s0, s3;
	s0 =	sld [smem:$0x3FA2]  }
0x30: {  	s3 =	sld [smem:$0x3FA5]  }
0x31: {  	[smem:$0x3FAE] =	sst s10  }
0x32: {  	s10 =	sld [smem:$0x3FAC];
	_ =	sdelay $0x3  }
0x33: {  	p0 =	seq.s32 s10, $0x1;
	s10 =	sld [smem:$0x3FAE];
	_ =	sdelay $0x3  }
0x34: {  	[smem:$0x3FAE] =	sst s10  }
0x35: {  	s10 =	sld [smem:$0x3FAD];
	_ =	sdelay $0x3  }
0x36: {  	p1 =	seq.s32 s10, $0x1;
	s10 =	sld [smem:$0x3FAE];
	_ =	sdelay $0x3  }
0x37: {  	[smem:$0x3FAE] =	sst s10  }
0x38: {  	s10 =	sld [smem:$0x3FAF]  }
0x39: {  	_ = 	snop;
	(pc) =	sbr.ind lr, $3  }
0x3a: {  	_ = 	snop  }
0x3b: {  	_ = 	snop  }
0x3c: {  	p2 =	seq.s32 s10, $0x1;
	s10 =	sld [smem:$0x3FAE]  }
0x3d: {  	_ =	shalt  }
0x3e: {  	_ =	shalt  }
0x3f: {  	_ =	shalt  }
0x40: {  	_ =	shalt  }
0x41: {  	_ =	shalt  }
0x42: {  	_ =	shalt  }
0x43: {  	_ =	shalt  }
0x44: {  	_ =	shalt  }
0x45: {  	_ =	shalt  }
0x46: {  	_ =	shalt  }
0x47: {  	_ =	shalt  }
0x48: {  	_ =	shalt  }
0x49: {  	_ =	shalt  }
0x4a: {  	_ =	shalt  }
0x4b: {  	_ =	shalt  }
0x4c: {  	_ =	shalt  }
0x4d: {  	_ =	shalt  }
0x4e: {  	_ =	shalt  }
0x4f: {  	_ =	shalt  }
0x50: {  	_ =	shalt  }
0x51: {  	_ =	shalt  }
0x52: {  	_ =	shalt  }
0x53: {  	_ =	shalt  }
0x54: {  	_ =	shalt  }
0x55: {  	_ =	shalt  }
0x56: {  	_ =	shalt  }
0x57: {  	_ =	shalt  }
0x58: {  	_ =	shalt  }
0x59: {  	_ =	shalt  }
0x5a: {  	_ =	shalt  }
0x5b: {  	_ =	shalt  }
0x5c: {  	_ =	shalt  }
0x5d: {  	_ =	shalt  }
0x5e: {  	_ =	shalt  }
0x5f: {  	_ =	shalt  }
0x60: {  	_ =	shalt  }
0x61: {  	_ =	shalt  }
0x62: {  	_ =	shalt  }
0x63: {  	_ =	shalt  }
0x64: {  	_ =	shalt  }
0x65: {  	_ =	shalt  }
0x66: {  	_ =	shalt  }
0x67: {  	_ =	shalt  }
0x68: {  	_ =	shalt  }
0x69: {  	_ =	shalt  }
0x6a: {  	_ =	shalt  }
0x6b: {  	_ =	shalt  }
0x6c: {  	_ =	shalt  }
0x6d: {  	_ =	shalt  }
0x6e: {  	_ =	shalt  }
0x6f: {  	_ =	shalt  }
0x70: {  	_ =	shalt  }
0x71: {  	_ =	shalt  }
0x72: {  	_ =	shalt  }
0x73: {  	_ =	shalt  }
0x74: {  	_ =	shalt  }
0x75: {  	_ =	shalt  }
0x76: {  	_ =	shalt  }
0x77: {  	_ =	shalt  }
0x78: {  	_ =	shalt  }
0x79: {  	_ =	shalt  }
0x7a: {  	_ =	shalt  }
0x7b: {  	_ =	shalt  }
0x7c: {  	_ =	shalt  }
0x7d: {  	_ =	shalt  }
0x7e: {  	_ =	shalt  }
0x7f: {  	_ =	shalt  }
0x80: {  	_ =	shalt  }
0x81: {  	_ =	shalt  }
0x82: {  	_ =	shalt  }
0x83: {  	_ =	shalt  }
0x84: {  	_ =	shalt  }
0x85: {  	_ =	shalt  }
0x86: {  	_ =	shalt  }
0x87: {  	_ =	shalt  }
.Lfunc_end0:
.L_simem_size_0:
called_computation.1_lowered:
.L_overlay_start_0:
0x88: {  	s2 =	sld [smem:$0x3FD9]  }
0x89: {  	s3 =	sld [smem:$0x3FFE];
	_ =	sdelay $0x1  }
0x8a: {  	s1 =	srdreg.scid  }
0x8b: {  	s0 =	sand.u32 $0x1, s1  }
0x8c: {  	s16 =	sshll.u32 s0, $0xA;
	s2 =	sadd.s32 s3, s2  }
0x8d: {  	s2 =	sadd.s32 s2, s16  }
0x8e: {  	[smem:$0x3FBA] =	sst s2  }
0x8f: {  	_ = 	snop  }
0x90: {  	(tm) =	ssettm $0x1  }
0x91: {  	s17 =	sld [smem:$0x3FFB];
	_ =	sdelay $0x3  }
0x92: {  	_ =	strace s17  }
0x93: {  	s2 =	sld [smem:$0x3FFC];
	_ =	sdelay $0x3  }
0x94: {  	_ =	strace s2  }
0x95: {  	s2 =	sld [smem:$0x3FFD];
	_ =	sdelay $0x3  }
0x96: {  	_ =	strace s2  }
0x97: {  	_ =	strace $0x8FFFFFFF  }
0x98: {  	s18 =	sld [smem:$0x3FDB];
	_ =	sdelay $0x1  }
0x99: {  	s19 =	simm.s32 $_scs_section_size  }
0x9a: {  	s4 =	simm.s32 $_size__tile_overlayer_lowered;
	s5 =	simm.s32 $_tile_overlayer_lowered  }
0x9b: {  	s22 =	simm.s32 $0x1BFF;
	s21 =	sshll.u32 s5, $0x1;
	s2 =	sadd.s32 s19, s18  }
0x9c: {  	s6 =	simm.s32 $0x0;
	s20 =	sshll.u32 s4, $0x1;
	s4 =	sadd.s32 s21, s2  }
0x9d: {  	[timem:s6], [sflag:s22] =	dma.local [hbm:s4], s20  }
0x9e: {  	_ =	swait.ge [sflag:s22], s20  }
0x9f: {  	s3 =	ssub.s32 $0x0, s20;
	[sflag:s22] =	ssyncset.done $0x0  }
0xa0: {  	[sflag:s22] =	ssyncadd.s32 s3;
	_ =	sdelay $0x1  }
0xa1: {  	s23 =	simm.s32 $0x1B8B  }
0xa2: {  	_ =	swait.ge [sflag:s23], $0x1  }
0xa3: {  	[sflag:s23] =	ssyncset.done $0x0  }
0xa4: {  	s25 =	simm.s32 $0x1B8E;
	s24 =	sld [smem:$0x3FFE];
	[sflag:s23] =	ssyncadd.s32 $0xFFFFFFFF  }
0xa5: {  	s26 =	simm.s32 $execute0_lowered;
	[smem:$0x3FD2] =	sst s25  }
0xa6: {  	s4 =	sshll.u32 s26, $0x1;
	_ =	strace $0x80000049;
	[dreg:$0x1] =	wrdreg $0xFFFFFFFF  }
0xa7: {  	s28 =	simm.s32 $_size_execute0_lowered;
	s2 =	sadd.s32 s2, s4;
	[dreg:$0x0] =	wrdreg $0x0  }
0xa8: {  	s4 =	sshll.u32 s28, $0x1;
	[dreg:$0x2] =	wrdreg s2  }
0xa9: {  	[dreg:$0x3] =	wrdreg s4  }
0xaa: {  	[dreg:$0x4] =	wrdreg $0xC0  }
0xab: {  	_ =	task [dreg:s6], $0x5FFFF  }
0xac: {  	[dreg:$0x1] =	wrdreg $0xFFFFFFFF  }
0xad: {  	[dreg:$0x0] =	wrdreg $0x60  }
0xae: {  	[dreg:$0x2] =	wrdreg s24  }
0xaf: {  	[dreg:$0x3] =	wrdreg $0x9  }
0xb0: {  	_ =	task.clear_ibuf [dreg:s6], $0x4FFFF;
	_ =	strace $0x90000049  }
0xb1: {  	s29 =	simm.s32 $0x9;
	_ =	strace $0x8000004B  }
0xb2: {  	_ =	swait.ge [sflag:s29], $0x1  }
0xb3: {  	[sflag:s29] =	ssyncadd.s32 $0xFFFFFFFF  }
0xb4: {  	_ =	strace $0x9000004B  }
0xb5: {  	_ =	sfence  }
0xb6: {  	s30 =	sld [smem:$0x0];
	_ =	sdelay $0x2  }
0xb7: {  	s31 =	sshll.u32 s1, $0xD;
	s1 =	sshrl.u32 s1, $0x2  }
0xb8: {  	s3 =	sand.u32 $0x4000, s31;
	s1 =	sadd.s32 s1, s30  }
0xb9: {  	s0 =	sor.u32 s3, s0;
	s1 =	sshll.u32 s1, $0x11  }
0xba: {  	s0 =	sor.u32 s1, s0  }
0xbb: {  	s0 =	sadd.s32 $0x8F2B, s0  }
0xbc: {  	[sflag:s0] =	ssyncadd.remote.s32 $0x1  }
0xbd: {  	_ =	sfence.sel $0xFFFF  }
0xbe: {  	[dreg:$0x0] =	wrdreg $0xFFFFFFFF;
	(pc) =	sbr.abs _section_cstart, $3  }
0xbf: {  	[dreg:$0x1] =	wrdreg $0xFFFFFFFF  }
0xc0: {  	_ =	task.clear_ibuf [dreg:s6], $0x2FFFF;
	_ =	strace $0x9FFFFFFF  }
0xc1: {  	(tm) =	ssettm $0x7FFFFFFF  }
tec
execute0_lowered:
.L_overlay_start_1:
0x0: {  	(tag) =	ssettag $0x1  }
0x1: {  	s0 =	rddreg [dreg:$0x0];
	s1 =	simm.s32 $0x0  }
0x2: {  	s2 =	srdreg.scid;
	s20 =	stileid.u32;
	s9 =	simm.s32 $0x2800  }
0x3: {  	s11 =	simm.s32 $0x2800;
	s28 =	simm.s32 $0xA000;
	s29 =	simm.s32 $0xC800  }
0x4: {  	s30 =	simm.s32 $0x15400;
	s31 =	simm.s32 $0x13B00;
	[smem:$0x7FF] =	sst s1  }
0x5: {  	s2 =	sand.u32 $0x1, s2;
	s3 =	sadd.s32 $0x2400, s0;
	s4 =	sadd.s32 $0xC800, s0  }
0x6: {  	s6 =	sadd.s32 $0x16C00, s0;
	s8 =	sadd.s32 $0x20C00, s0;
	p1 =	seq.s32 s20, $0x4  }
0x7: {  	s18 =	sadd.s32 $0x1BC40, s0;
	s19 =	sadd.s32 $0x1BC50, s0;
	s21 =	sadd.s32 $0x1BC60, s0  }
0x8: {  	s22 =	sadd.s32 $0x1BC70, s0;
	_ =	strace $0x8000004A;
	[dreg:$0x2] =	wrdreg s18  }
0x9: {  	p0 =	slt.u32 s20, $0x4;
	s10 =	sshrl.u32 s20, $0x3;
	[dreg:$0x3] =	wrdreg s19  }
0xa: {  	s17 =	sshll.u32 s20, $0x7;
	[dreg:$0x4] =	wrdreg s21;
	s10 =	smul.u32 $0x14000, s10  }
0xb: {  	s5 =	ssub.s32 $0x2, s2;
	[dreg:$0x5] =	wrdreg s22;
	s18 =	smul.u32 $0x28A00, s2  }
0xc: {  	s11 =	simm.s32 @!p0 $0x5000;
	s16 =	sand.u32 $0x380, s17;
	s2 =	smul.u32 $0x3C000, s2  }
0xd: {  	s19 =	simm.s32 $0x17C00;
	s22 =	simm.s32 $0x80;
	s7 =	sshrl.u32 s5, $0x1  }
0xe: {  	s19 =	simm.s32 @!p0 $0x1A400;
	s5 =	ssub.s32 s5, s7;
	s7 =	sor.u32 $0x10, s20  }
0xf: {  	s13 =	sor.u32 s16, s10;
	s24 =	sshrl.u32 s18, $0x3;
	s7 =	simm.s32 @!p0 $0x18  }
0x10: {  	s25 =	sadd.s32 s2, s10;
	s15 =	sadd.s32 $0x1900, s18;
	s12 =	sshrl.u32 s7, $0x3  }
0x11: {  	s26 =	sor.u32 s17, s2;
	s7 =	sshll.u32 s7, $0x7;
	s12 =	smul.u32 $0x14000, s12  }
0x12: {  	s23 =	sshrl.u32 s13, $0x3;
	s13 =	sadd.s32 s3, s24;
	s7 =	sand.u32 $0x380, s7  }
0x13: {  	s14 =	sadd.s32 s4, s24;
	s24 =	simm.s32 $0x3;
	s7 =	sor.u32 s7, s12  }
0x14: {  	s12 =	sadd.s32 s6, s23;
	s23 =	simm.s32 $0x400;
	s7 =	sshrl.u32 s7, $0x3  }
0x15: {  	[dreg:$0x6] =	wrdreg s12;
	s12 =	sadd.s32 $0x1E400, s0;
	s0 =	sor.u32 s16, s25  }
0x16: {  	s16 =	sadd.s32 $0x3200, s18;
	s18 =	smax.u32 s5, $0x1;
	s25 =	simm.s32 $0x5000  }
0x17: {  	s5 =	simm.s32 $0x0;
	s6 =	sadd.s32 s6, s7;
	s0 =	sshrl.u32 s0, $0x3  }
0x18: {  	s17 =	sadd.s32 s8, s0;
	s0 =	sadd.s32 $0x28200, s2;
	s2 =	sadd.s32 $0x28000, s26  }
0x19: {  	[dreg:$0x7] =	wrdreg s6;
	s26 =	simm.s32 $0x7800;
	s0 =	smov.u32 @p0 s2  }
0x1a: {  	vm0 =	vmxor vm0, vm0;
	p0 =	sgt.u32 s20, $0x4;
	s20 =	simm.s32 $0x10900;
	s0 =	sshrl.u32 s0, $0x3  }
0x1b: {  	vm0 =	vmneg @p1 vm0;
	v0 =	vmov s11;
	s2 =	simm.s32 $0x2;
	s21 =	sadd.s32 s8, s0;
	s0 =	simm.s32 $0x1  }
.LBB2_1:
0x1c: {  	s6 =	rddreg [dreg:$0x2]  }
0x1d: {  	[tilespmem:s1], [sflag:$0x3] =	stream.strided.gather [hbm4b:s6+s22], $0x2800, s23, s22, $0x38;
	[tilespmem:$0x1CC00] =	vst v63  }
0x1e: {  	_ =	swait.ge [sflag:s24], $0x2800  }
0x1f: {  	[sflag:s24] =	ssyncset.done $0x0  }
0x20: {  	s11 =	rddreg [dreg:$0x3];
	[sflag:s24] =	ssyncadd.s32 $0xFFFFD800  }
0x21: {  	[tilespmem:s9], [sflag:$0x3] =	stream.strided.gather [hbm4b:s11+s22], $0x2800, s23, s22, $0x38;
	[tilespmem:$0x1CC00] =	vst v63  }
0x22: {  	_ =	swait.ge [sflag:s24], $0x2800  }
0x23: {  	[sflag:s24] =	ssyncset.done $0x0  }
0x24: {  	s7 =	rddreg [dreg:$0x4];
	[sflag:s24] =	ssyncadd.s32 $0xFFFFD800  }
0x25: {  	[tilespmem:s25], [sflag:$0x3] =	stream.strided.gather [hbm4b:s7+s22], $0x2800, s23, s22, $0x38;
	[tilespmem:$0x1CC00] =	vst v63  }
0x26: {  	_ =	swait.ge [sflag:s24], $0x2800  }
0x27: {  	[sflag:s24] =	ssyncset.done $0x0  }
0x28: {  	s8 =	rddreg [dreg:$0x5];
	[sflag:s24] =	ssyncadd.s32 $0xFFFFD800  }
0x29: {  	[tilespmem:s26], [sflag:$0x3] =	stream.strided.gather [hbm4b:s8+s22], $0x2800, s23, s22, $0x38;
	[tilespmem:$0x1CC00] =	vst v63  }
0x2a: {  	_ =	swait.ge [sflag:s24], $0x2800  }
0x2b: {  	[sflag:s24] =	ssyncset.done $0x0  }
0x2c: {  	s10 =	rddreg [dreg:$0x6];
	[sflag:s24] =	ssyncadd.s32 $0xFFFFD800  }
0x2d: {  	[tilespmem:s28], [sflag:$0x3] =	stream.strided.gather [hbm4b:s10+s22], $0x2800, s23, s22, $0x38;
	[tilespmem:$0x1CC00] =	vst v63  }
0x2e: {  	_ =	swait.ge [sflag:s24], $0x2800  }
0x2f: {  	[sflag:s24] =	ssyncset.done $0x0  }
0x30: {  	s11 =	rddreg [dreg:$0x7];
	[sflag:s24] =	ssyncadd.s32 $0xFFFFD800  }
0x31: {  	[tilespmem:s29], [sflag:$0x3] =	stream.strided.gather [hbm4b:s11+s22], $0x2800, s23, s22, $0x38;
	[tilespmem:$0x1CC00] =	vst v63  }
0x32: {  	_ =	swait.ge [sflag:s24], $0x2800  }
0x33: {  	[sflag:s24] =	ssyncset.done $0x0  }
0x34: {  	[sflag:s24] =	ssyncadd.s32 $0xFFFFD800  }
0x35: {  	[tilespmem:s30], [sflag:$0x3] =	stream.strided.gather [hbm4b:s12+s22], $0x2800, s23, s22, $0x38;
	[tilespmem:$0x1CC00] =	vst v63  }
0x36: {  	_ =	swait.ge [sflag:s24], $0x2800  }
0x37: {  	[sflag:s24] =	ssyncset.done $0x0  }
0x38: {  	s7 =	simm.s32 $0x17C00;
	[sflag:s24] =	ssyncadd.s32 $0xFFFFD800  }
0x39: {  	[tilespmem:s7], [sflag:$0x3] =	stream.strided.gather [hbm4b:s12+s22], $0x2800, s23, s22, $0x38;
	[tilespmem:$0x1CC00] =	vst v63  }
0x3a: {  	_ =	swait.ge [sflag:s24], $0x2800  }
0x3b: {  	[sflag:s24] =	ssyncset.done $0x0  }
0x3c: {  	s8 =	simm.s32 $0x1A400;
	[sflag:s24] =	ssyncadd.s32 $0xFFFFD800  }
0x3d: {  	[tilespmem:s8], [sflag:$0x3] =	stream.strided.gather [hbm4b:s12+s22], $0x2800, s23, s22, $0x38;
	[tilespmem:$0x1CC00] =	vst v63  }
0x3e: {  	_ =	swait.ge [sflag:s24], $0x2800  }
0x3f: {  	[sflag:s24] =	ssyncset.done $0x0  }
0x40: {  	s10 =	simm.s32 $0xF000;
	[sflag:s24] =	ssyncadd.s32 $0xFFFFD800  }
0x41: {  	[tilespmem:s10], [sflag:$0x1] =	stream.linear.gather [hbm4b:s13+s1], $0x1900, $0x38;
	[tilespmem:$0x1CC00] =	vst v63  }
0x42: {  	s6 =	simm.s32 $0x0;
	s11 =	simm.s32 $0x12200  }
0x43: {  	[tilespmem:s11], [sflag:$0x1] =	stream.linear.gather [hbm4b:s14+s1], $0x1900, $0x38;
	[tilespmem:$0x1CC00] =	vst v63  }
.LBB2_2:
0x44: {  	s7 =	smul.u32 $0x3200, s6;
	_ =	sdelay $0x1  }
0x45: {  	s8 =	sadd.s32 s7, s15  }
0x46: {  	s8 =	sshrl.u32 s8, $0x3  }
0x47: {  	s10 =	sadd.s32 s3, s8  }
0x48: {  	[tilespmem:s20], [sflag:$0x2] =	stream.linear.gather [hbm4b:s10+s1], $0x1900, $0x38;
	[tilespmem:$0x1CC00] =	vst v63  }
0x49: {  	s8 =	sadd.s32 s4, s8  }
0x4a: {  	[tilespmem:s31], [sflag:$0x2] =	stream.linear.gather [hbm4b:s8+s1], $0x1900, $0x38;
	[tilespmem:$0x1CC00] =	vst v63  }
0x4b: {  	_ =	swait.ge [sflag:s0], $0x1900  }
0x4c: {  	[sflag:s0] =	ssyncset.done $0x0  }
0x4d: {  	[sflag:s0] =	ssyncadd.s32 $0xFFFFE700  }
0x4e: {  	_ =	swait.ge [sflag:s0], $0x1900  }
0x4f: {  	s11 =	simm.s32 $0x12240;
	[sflag:s0] =	ssyncset.done $0x0  }
0x50: {  	s10 =	simm.s32 $0xF040;
	s8 =	simm.s32 $0xFFFFFFF8;
	[sflag:s0] =	ssyncadd.s32 $0xFFFFE700  }
.LBB2_3:
0x51: {  	v1 =	vld [tilespmem:s10+$0xFFFFFFC0]  }
0x52: {  	v2 =	vld [tilespmem:s11+$0xFFFFFFC0];
	_ =	sdelay $0x6  }
0x53: {  	v3 =	vld.idx.msk [tilespmem:v1+s1+$0x0], $0xffff  }
0x54: {  	v4 =	vld.idx.msk [tilespmem:v2+s9+$0x0], $0xffff  }
0x55: {  	v5 =	vld.idx.msk [tilespmem:v1+s25+$0x0], $0xffff  }
0x56: {  	v6 =	vld.idx.msk [tilespmem:v2+s26+$0x0], $0xffff;
	_ =	sdelay $0x2  }
0x57: {  	v7 =	vld.idx.msk [tilespmem:v1+s28+$0x0], $0xffff;
	_ =	sdelay $0x1  }
0x58: {  	v3 =	vmul.f32 v4, v3;
	v27 =	vmul.f32 v6, v5;
	_ =	sdelay $0x1  }
0x59: {  	v3 =	vmax.f32 v3, v27  }
0x5a: {  	v4 =	vmul.f32 v3, v7;
	_ =	sdelay $0x1  }
0x5b: {  	[tilespmem:v2+s30+$0x0] =	vst.idx.add.f32.msk $0xffff, v4  }
0x5c: {  	v1 =	vld.idx.msk [tilespmem:v1+s29+$0x0], $0xffff;
	_ =	sdelay $0x1  }
0x5d: {  	v28 =	vadd.s32 v0, v2  }
0x5e: {  	v2 =	vadd.s32 $0x5000, v2;
	_ =	sdelay $0x1  }
0x5f: {  	v1 =	vmul.f32 v1, v3;
	_ =	sdelay $0x1  }
0x60: {  	[tilespmem:v28+s30+$0x0] =	vst.idx.add.f32.msk $0xffff, v1  }
0x61: {  	[tilespmem:v2+s30+$0x0] =	vst.idx.add.f32.msk vm0, v3  }
0x62: {  	v1 =	vld [tilespmem:s10+$0xFFFFFFD0]  }
0x63: {  	v2 =	vld [tilespmem:s11+$0xFFFFFFD0];
	_ =	sdelay $0x6  }
0x64: {  	v3 =	vld.idx.msk [tilespmem:v1+s1+$0x0], $0xffff  }
0x65: {  	v4 =	vld.idx.msk [tilespmem:v2+s9+$0x0], $0xffff  }
0x66: {  	v29 =	vld.idx.msk [tilespmem:v1+s25+$0x0], $0xffff  }
0x67: {  	v30 =	vld.idx.msk [tilespmem:v2+s26+$0x0], $0xffff;
	_ =	sdelay $0x2  }
0x68: {  	v31 =	vld.idx.msk [tilespmem:v1+s28+$0x0], $0xffff;
	_ =	sdelay $0x1  }
0x69: {  	v3 =	vmul.f32 v4, v3;
	v32 =	vmul.f32 v30, v29;
	_ =	sdelay $0x1  }
0x6a: {  	v3 =	vmax.f32 v3, v32  }
0x6b: {  	v4 =	vmul.f32 v3, v31;
	_ =	sdelay $0x1  }
0x6c: {  	[tilespmem:v2+s30+$0x0] =	vst.idx.add.f32.msk $0xffff, v4  }
0x6d: {  	v1 =	vld.idx.msk [tilespmem:v1+s29+$0x0], $0xffff;
	_ =	sdelay $0x1  }
0x6e: {  	v33 =	vadd.s32 v0, v2  }
0x6f: {  	v2 =	vadd.s32 $0x5000, v2;
	_ =	sdelay $0x1  }
0x70: {  	v1 =	vmul.f32 v1, v3;
	_ =	sdelay $0x1  }
0x71: {  	[tilespmem:v33+s30+$0x0] =	vst.idx.add.f32.msk $0xffff, v1  }
0x72: {  	[tilespmem:v2+s30+$0x0] =	vst.idx.add.f32.msk vm0, v3  }
0x73: {  	v1 =	vld [tilespmem:s10+$0xFFFFFFE0]  }
0x74: {  	v2 =	vld [tilespmem:s11+$0xFFFFFFE0];
	_ =	sdelay $0x6  }
0x75: {  	v3 =	vld.idx.msk [tilespmem:v1+s1+$0x0], $0xffff  }
0x76: {  	v4 =	vld.idx.msk [tilespmem:v2+s9+$0x0], $0xffff  }
0x77: {  	v34 =	vld.idx.msk [tilespmem:v1+s25+$0x0], $0xffff  }
0x78: {  	v35 =	vld.idx.msk [tilespmem:v2+s26+$0x0], $0xffff;
	_ =	sdelay $0x2  }
0x79: {  	v36 =	vld.idx.msk [tilespmem:v1+s28+$0x0], $0xffff;
	_ =	sdelay $0x1  }
0x7a: {  	v3 =	vmul.f32 v4, v3;
	v37 =	vmul.f32 v35, v34;
	_ =	sdelay $0x1  }
0x7b: {  	v3 =	vmax.f32 v3, v37  }
0x7c: {  	v4 =	vmul.f32 v3, v36;
	_ =	sdelay $0x1  }
0x7d: {  	[tilespmem:v2+s30+$0x0] =	vst.idx.add.f32.msk $0xffff, v4  }
0x7e: {  	v1 =	vld.idx.msk [tilespmem:v1+s29+$0x0], $0xffff;
	_ =	sdelay $0x1  }
0x7f: {  	v38 =	vadd.s32 v0, v2  }
0x80: {  	v2 =	vadd.s32 $0x5000, v2;
	_ =	sdelay $0x1  }
0x81: {  	v1 =	vmul.f32 v1, v3;
	_ =	sdelay $0x1  }
0x82: {  	[tilespmem:v38+s30+$0x0] =	vst.idx.add.f32.msk $0xffff, v1  }
0x83: {  	[tilespmem:v2+s30+$0x0] =	vst.idx.add.f32.msk vm0, v3  }
0x84: {  	v1 =	vld [tilespmem:s10+$0xFFFFFFF0]  }
0x85: {  	v2 =	vld [tilespmem:s11+$0xFFFFFFF0];
	_ =	sdelay $0x6  }
0x86: {  	v3 =	vld.idx.msk [tilespmem:v1+s1+$0x0], $0xffff  }
0x87: {  	v4 =	vld.idx.msk [tilespmem:v2+s9+$0x0], $0xffff  }
0x88: {  	v39 =	vld.idx.msk [tilespmem:v1+s25+$0x0], $0xffff  }
0x89: {  	v40 =	vld.idx.msk [tilespmem:v2+s26+$0x0], $0xffff;
	_ =	sdelay $0x2  }
0x8a: {  	v41 =	vld.idx.msk [tilespmem:v1+s28+$0x0], $0xffff;
	_ =	sdelay $0x1  }
0x8b: {  	v3 =	vmul.f32 v4, v3;
	v42 =	vmul.f32 v40, v39;
	_ =	sdelay $0x1  }
0x8c: {  	v3 =	vmax.f32 v3, v42  }
0x8d: {  	v4 =	vmul.f32 v3, v41;
	_ =	sdelay $0x1  }
0x8e: {  	[tilespmem:v2+s30+$0x0] =	vst.idx.add.f32.msk $0xffff, v4  }
0x8f: {  	v1 =	vld.idx.msk [tilespmem:v1+s29+$0x0], $0xffff;
	_ =	sdelay $0x1  }
0x90: {  	v43 =	vadd.s32 v0, v2  }
0x91: {  	v2 =	vadd.s32 $0x5000, v2;
	_ =	sdelay $0x1  }
0x92: {  	v1 =	vmul.f32 v1, v3;
	_ =	sdelay $0x1  }
0x93: {  	[tilespmem:v43+s30+$0x0] =	vst.idx.add.f32.msk $0xffff, v1  }
0x94: {  	[tilespmem:v2+s30+$0x0] =	vst.idx.add.f32.msk vm0, v3  }
0x95: {  	v1 =	vld [tilespmem:s10+$0x0]  }
0x96: {  	v2 =	vld [tilespmem:s11+$0x0];
	_ =	sdelay $0x6  }
0x97: {  	v3 =	vld.idx.msk [tilespmem:v1+s1+$0x0], $0xffff  }
0x98: {  	v4 =	vld.idx.msk [tilespmem:v2+s9+$0x0], $0xffff  }
0x99: {  	v44 =	vld.idx.msk [tilespmem:v1+s25+$0x0], $0xffff  }
0x9a: {  	v45 =	vld.idx.msk [tilespmem:v2+s26+$0x0], $0xffff;
	_ =	sdelay $0x2  }
0x9b: {  	v46 =	vld.idx.msk [tilespmem:v1+s28+$0x0], $0xffff;
	_ =	sdelay $0x1  }
0x9c: {  	v3 =	vmul.f32 v4, v3;
	v47 =	vmul.f32 v45, v44;
	_ =	sdelay $0x1  }
0x9d: {  	v3 =	vmax.f32 v3, v47  }
0x9e: {  	v4 =	vmul.f32 v3, v46;
	_ =	sdelay $0x1  }
0x9f: {  	[tilespmem:v2+s30+$0x0] =	vst.idx.add.f32.msk $0xffff, v4  }
0xa0: {  	v1 =	vld.idx.msk [tilespmem:v1+s29+$0x0], $0xffff;
	_ =	sdelay $0x1  }
0xa1: {  	v48 =	vadd.s32 v0, v2  }
0xa2: {  	v2 =	vadd.s32 $0x5000, v2;
	_ =	sdelay $0x1  }
0xa3: {  	v1 =	vmul.f32 v1, v3;
	_ =	sdelay $0x1  }
0xa4: {  	[tilespmem:v48+s30+$0x0] =	vst.idx.add.f32.msk $0xffff, v1  }
0xa5: {  	[tilespmem:v2+s30+$0x0] =	vst.idx.add.f32.msk vm0, v3  }
0xa6: {  	v1 =	vld [tilespmem:s10+$0x10]  }
0xa7: {  	v2 =	vld [tilespmem:s11+$0x10];
	_ =	sdelay $0x6  }
0xa8: {  	v3 =	vld.idx.msk [tilespmem:v1+s1+$0x0], $0xffff  }
0xa9: {  	v4 =	vld.idx.msk [tilespmem:v2+s9+$0x0], $0xffff  }
0xaa: {  	v49 =	vld.idx.msk [tilespmem:v1+s25+$0x0], $0xffff  }
0xab: {  	v50 =	vld.idx.msk [tilespmem:v2+s26+$0x0], $0xffff;
	_ =	sdelay $0x2  }
0xac: {  	v51 =	vld.idx.msk [tilespmem:v1+s28+$0x0], $0xffff;
	_ =	sdelay $0x1  }
0xad: {  	v3 =	vmul.f32 v4, v3;
	v52 =	vmul.f32 v50, v49;
	_ =	sdelay $0x1  }
0xae: {  	v3 =	vmax.f32 v3, v52  }
0xaf: {  	v4 =	vmul.f32 v3, v51;
	_ =	sdelay $0x1  }
0xb0: {  	[tilespmem:v2+s30+$0x0] =	vst.idx.add.f32.msk $0xffff, v4  }
0xb1: {  	v1 =	vld.idx.msk [tilespmem:v1+s29+$0x0], $0xffff;
	_ =	sdelay $0x1  }
0xb2: {  	v53 =	vadd.s32 v0, v2  }
0xb3: {  	v2 =	vadd.s32 $0x5000, v2;
	_ =	sdelay $0x1  }
0xb4: {  	v1 =	vmul.f32 v1, v3;
	_ =	sdelay $0x1  }
0xb5: {  	[tilespmem:v53+s30+$0x0] =	vst.idx.add.f32.msk $0xffff, v1  }
0xb6: {  	[tilespmem:v2+s30+$0x0] =	vst.idx.add.f32.msk vm0, v3  }
0xb7: {  	v1 =	vld [tilespmem:s10+$0x20]  }
0xb8: {  	v2 =	vld [tilespmem:s11+$0x20];
	_ =	sdelay $0x6  }
0xb9: {  	v3 =	vld.idx.msk [tilespmem:v1+s1+$0x0], $0xffff  }
0xba: {  	v4 =	vld.idx.msk [tilespmem:v2+s9+$0x0], $0xffff  }
0xbb: {  	v54 =	vld.idx.msk [tilespmem:v1+s25+$0x0], $0xffff  }
0xbc: {  	v55 =	vld.idx.msk [tilespmem:v2+s26+$0x0], $0xffff;
	_ =	sdelay $0x2  }
0xbd: {  	v56 =	vld.idx.msk [tilespmem:v1+s28+$0x0], $0xffff;
	_ =	sdelay $0x1  }
0xbe: {  	v3 =	vmul.f32 v4, v3;
	v57 =	vmul.f32 v55, v54;
	_ =	sdelay $0x1  }
0xbf: {  	v3 =	vmax.f32 v3, v57  }
0xc0: {  	v4 =	vmul.f32 v3, v56;
	_ =	sdelay $0x1  }
0xc1: {  	[tilespmem:v2+s30+$0x0] =	vst.idx.add.f32.msk $0xffff, v4  }
0xc2: {  	v1 =	vld.idx.msk [tilespmem:v1+s29+$0x0], $0xffff;
	_ =	sdelay $0x1  }
0xc3: {  	v58 =	vadd.s32 v0, v2  }
0xc4: {  	v2 =	vadd.s32 $0x5000, v2;
	_ =	sdelay $0x1  }
0xc5: {  	v1 =	vmul.f32 v1, v3;
	_ =	sdelay $0x1  }
0xc6: {  	[tilespmem:v58+s30+$0x0] =	vst.idx.add.f32.msk $0xffff, v1  }
0xc7: {  	[tilespmem:v2+s30+$0x0] =	vst.idx.add.f32.msk vm0, v3  }
0xc8: {  	v1 =	vld [tilespmem:s10+$0x30]  }
0xc9: {  	v2 =	vld [tilespmem:s11+$0x30];
	_ =	sdelay $0x6  }
0xca: {  	v3 =	vld.idx.msk [tilespmem:v1+s1+$0x0], $0xffff  }
0xcb: {  	v4 =	vld.idx.msk [tilespmem:v2+s9+$0x0], $0xffff  }
0xcc: {  	v59 =	vld.idx.msk [tilespmem:v1+s25+$0x0], $0xffff  }
0xcd: {  	v60 =	vld.idx.msk [tilespmem:v2+s26+$0x0], $0xffff;
	_ =	sdelay $0x2  }
0xce: {  	v61 =	vld.idx.msk [tilespmem:v1+s28+$0x0], $0xffff;
	_ =	sdelay $0x1  }
0xcf: {  	v3 =	vmul.f32 v4, v3;
	v62 =	vmul.f32 v60, v59;
	_ =	sdelay $0x1  }
0xd0: {  	v3 =	vmax.f32 v3, v62  }
0xd1: {  	v4 =	vmul.f32 v3, v61;
	_ =	sdelay $0x1  }
0xd2: {  	[tilespmem:v2+s30+$0x0] =	vst.idx.add.f32.msk $0xffff, v4  }
0xd3: {  	v1 =	vld.idx.msk [tilespmem:v1+s29+$0x0], $0xffff;
	_ =	sdelay $0x1  }
0xd4: {  	s8 =	sadd.s32 $0x8, s8;
	v63 =	vadd.s32 v0, v2  }
0xd5: {  	p1 =	slt.u32 s8, $0x188;
	v2 =	vadd.s32 $0x5000, v2  }
.Ltmp0:
0xd6: {  	_ = 	snop;
	(pc) =	sbr.rel @p1 .LBB2_3-.Ltmp0, $3  }
0xd7: {  	v1 =	vmul.f32 v1, v3;
	_ =	sdelay $0x1  }
0xd8: {  	[tilespmem:v63+s30+$0x0] =	vst.idx.add.f32.msk $0xffff, v1  }
0xd9: {  	s10 =	sadd.s32 $0x80, s10;
	s11 =	sadd.s32 $0x80, s11;
	[tilespmem:v2+s30+$0x0] =	vst.idx.add.f32.msk vm0, v3  }
0xda: {  	p1 =	seq.s32 s6, $0xC  }
0xdb: {  	s7 =	sadd.s32 @!p1 s7, s16  }
0xdc: {  	s7 =	sshrl.u32 @!p1 s7, $0x3  }
0xdd: {  	s10 =	simm.s32 @!p1 $0x0;
	s11 =	simm.s32 @!p1 $0xF000;
	s8 =	sadd.s32 @!p1 s3, s7  }
0xde: {  	[tilespmem:s11], [sflag:$0x1] =	stream.linear.gather @!p1 [hbm4b:s8+s10], $0x1900, $0x38;
	[tilespmem:$0x1CC00] =	vst v63  }
0xdf: {  	s7 =	sadd.s32 @!p1 s4, s7;
	s8 =	simm.s32 @!p1 $0x12200  }
0xe0: {  	[tilespmem:s8], [sflag:$0x1] =	stream.linear.gather @!p1 [hbm4b:s7+s10], $0x1900, $0x38;
	[tilespmem:$0x1CC00] =	vst v63  }
0xe1: {  	_ =	swait.ge [sflag:s2], $0x1900  }
0xe2: {  	[sflag:s2] =	ssyncset.done $0x0  }
0xe3: {  	[sflag:s2] =	ssyncadd.s32 $0xFFFFE700  }
0xe4: {  	_ =	swait.ge [sflag:s2], $0x1900  }
0xe5: {  	s7 =	simm.s32 $0xFFFFFFF8;
	[sflag:s2] =	ssyncset.done $0x0  }
0xe6: {  	s8 =	simm.s32 $0x10940;
	s10 =	simm.s32 $0x13B40;
	[sflag:s2] =	ssyncadd.s32 $0xFFFFE700  }
.LBB2_5:
0xe7: {  	v1 =	vld [tilespmem:s8+$0xFFFFFFC0]  }
0xe8: {  	v2 =	vld [tilespmem:s10+$0xFFFFFFC0];
	_ =	sdelay $0x6  }
0xe9: {  	v3 =	vld.idx.msk [tilespmem:v1+s1+$0x0], $0xffff  }
0xea: {  	v4 =	vld.idx.msk [tilespmem:v2+s9+$0x0], $0xffff  }
0xeb: {  	v5 =	vld.idx.msk [tilespmem:v1+s25+$0x0], $0xffff  }
0xec: {  	v6 =	vld.idx.msk [tilespmem:v2+s26+$0x0], $0xffff;
	_ =	sdelay $0x2  }
0xed: {  	v7 =	vld.idx.msk [tilespmem:v1+s28+$0x0], $0xffff;
	_ =	sdelay $0x1  }
0xee: {  	v3 =	vmul.f32 v4, v3;
	v27 =	vmul.f32 v6, v5;
	_ =	sdelay $0x1  }
0xef: {  	v3 =	vmax.f32 v3, v27  }
0xf0: {  	v4 =	vmul.f32 v3, v7;
	_ =	sdelay $0x1  }
0xf1: {  	[tilespmem:v2+s30+$0x0] =	vst.idx.add.f32.msk $0xffff, v4  }
0xf2: {  	v1 =	vld.idx.msk [tilespmem:v1+s29+$0x0], $0xffff;
	_ =	sdelay $0x1  }
0xf3: {  	v28 =	vadd.s32 v0, v2  }
0xf4: {  	v2 =	vadd.s32 $0x5000, v2;
	_ =	sdelay $0x1  }
0xf5: {  	v1 =	vmul.f32 v1, v3;
	_ =	sdelay $0x1  }
0xf6: {  	[tilespmem:v28+s30+$0x0] =	vst.idx.add.f32.msk $0xffff, v1  }
0xf7: {  	[tilespmem:v2+s30+$0x0] =	vst.idx.add.f32.msk vm0, v3  }
0xf8: {  	v1 =	vld [tilespmem:s8+$0xFFFFFFD0]  }
0xf9: {  	v2 =	vld [tilespmem:s10+$0xFFFFFFD0];
	_ =	sdelay $0x6  }
0xfa: {  	v3 =	vld.idx.msk [tilespmem:v1+s1+$0x0], $0xffff  }
0xfb: {  	v4 =	vld.idx.msk [tilespmem:v2+s9+$0x0], $0xffff  }
0xfc: {  	v29 =	vld.idx.msk [tilespmem:v1+s25+$0x0], $0xffff  }
0xfd: {  	v30 =	vld.idx.msk [tilespmem:v2+s26+$0x0], $0xffff;
	_ =	sdelay $0x2  }
0xfe: {  	v31 =	vld.idx.msk [tilespmem:v1+s28+$0x0], $0xffff;
	_ =	sdelay $0x1  }
0xff: {  	v3 =	vmul.f32 v4, v3;
	v32 =	vmul.f32 v30, v29;
	_ =	sdelay $0x1  }
0x100: {  	v3 =	vmax.f32 v3, v32  }
0x101: {  	v4 =	vmul.f32 v3, v31;
	_ =	sdelay $0x1  }
0x102: {  	[tilespmem:v2+s30+$0x0] =	vst.idx.add.f32.msk $0xffff, v4  }
0x103: {  	v1 =	vld.idx.msk [tilespmem:v1+s29+$0x0], $0xffff;
	_ =	sdelay $0x1  }
0x104: {  	v33 =	vadd.s32 v0, v2  }
0x105: {  	v2 =	vadd.s32 $0x5000, v2;
	_ =	sdelay $0x1  }
0x106: {  	v1 =	vmul.f32 v1, v3;
	_ =	sdelay $0x1  }
0x107: {  	[tilespmem:v33+s30+$0x0] =	vst.idx.add.f32.msk $0xffff, v1  }
0x108: {  	[tilespmem:v2+s30+$0x0] =	vst.idx.add.f32.msk vm0, v3  }
0x109: {  	v1 =	vld [tilespmem:s8+$0xFFFFFFE0]  }
0x10a: {  	v2 =	vld [tilespmem:s10+$0xFFFFFFE0];
	_ =	sdelay $0x6  }
0x10b: {  	v3 =	vld.idx.msk [tilespmem:v1+s1+$0x0], $0xffff  }
0x10c: {  	v4 =	vld.idx.msk [tilespmem:v2+s9+$0x0], $0xffff  }
0x10d: {  	v34 =	vld.idx.msk [tilespmem:v1+s25+$0x0], $0xffff  }
0x10e: {  	v35 =	vld.idx.msk [tilespmem:v2+s26+$0x0], $0xffff;
	_ =	sdelay $0x2  }
0x10f: {  	v36 =	vld.idx.msk [tilespmem:v1+s28+$0x0], $0xffff;
	_ =	sdelay $0x1  }
0x110: {  	v3 =	vmul.f32 v4, v3;
	v37 =	vmul.f32 v35, v34;
	_ =	sdelay $0x1  }
0x111: {  	v3 =	vmax.f32 v3, v37  }
0x112: {  	v4 =	vmul.f32 v3, v36;
	_ =	sdelay $0x1  }
0x113: {  	[tilespmem:v2+s30+$0x0] =	vst.idx.add.f32.msk $0xffff, v4  }
0x114: {  	v1 =	vld.idx.msk [tilespmem:v1+s29+$0x0], $0xffff;
	_ =	sdelay $0x1  }
0x115: {  	v38 =	vadd.s32 v0, v2  }
0x116: {  	v2 =	vadd.s32 $0x5000, v2;
	_ =	sdelay $0x1  }
0x117: {  	v1 =	vmul.f32 v1, v3;
	_ =	sdelay $0x1  }
0x118: {  	[tilespmem:v38+s30+$0x0] =	vst.idx.add.f32.msk $0xffff, v1  }
0x119: {  	[tilespmem:v2+s30+$0x0] =	vst.idx.add.f32.msk vm0, v3  }
0x11a: {  	v1 =	vld [tilespmem:s8+$0xFFFFFFF0]  }
0x11b: {  	v2 =	vld [tilespmem:s10+$0xFFFFFFF0];
	_ =	sdelay $0x6  }
0x11c: {  	v3 =	vld.idx.msk [tilespmem:v1+s1+$0x0], $0xffff  }
0x11d: {  	v4 =	vld.idx.msk [tilespmem:v2+s9+$0x0], $0xffff  }
0x11e: {  	v39 =	vld.idx.msk [tilespmem:v1+s25+$0x0], $0xffff  }
0x11f: {  	v40 =	vld.idx.msk [tilespmem:v2+s26+$0x0], $0xffff;
	_ =	sdelay $0x2  }
0x120: {  	v41 =	vld.idx.msk [tilespmem:v1+s28+$0x0], $0xffff;
	_ =	sdelay $0x1  }
0x121: {  	v3 =	vmul.f32 v4, v3;
	v42 =	vmul.f32 v40, v39;
	_ =	sdelay $0x1  }
0x122: {  	v3 =	vmax.f32 v3, v42  }
0x123: {  	v4 =	vmul.f32 v3, v41;
	_ =	sdelay $0x1  }
0x124: {  	[tilespmem:v2+s30+$0x0] =	vst.idx.add.f32.msk $0xffff, v4  }
0x125: {  	v1 =	vld.idx.msk [tilespmem:v1+s29+$0x0], $0xffff;
	_ =	sdelay $0x1  }
0x126: {  	v43 =	vadd.s32 v0, v2  }
0x127: {  	v2 =	vadd.s32 $0x5000, v2;
	_ =	sdelay $0x1  }
0x128: {  	v1 =	vmul.f32 v1, v3;
	_ =	sdelay $0x1  }
0x129: {  	[tilespmem:v43+s30+$0x0] =	vst.idx.add.f32.msk $0xffff, v1  }
0x12a: {  	[tilespmem:v2+s30+$0x0] =	vst.idx.add.f32.msk vm0, v3  }
0x12b: {  	v1 =	vld [tilespmem:s8+$0x0]  }
0x12c: {  	v2 =	vld [tilespmem:s10+$0x0];
	_ =	sdelay $0x6  }
0x12d: {  	v3 =	vld.idx.msk [tilespmem:v1+s1+$0x0], $0xffff  }
0x12e: {  	v4 =	vld.idx.msk [tilespmem:v2+s9+$0x0], $0xffff  }
0x12f: {  	v44 =	vld.idx.msk [tilespmem:v1+s25+$0x0], $0xffff  }
0x130: {  	v45 =	vld.idx.msk [tilespmem:v2+s26+$0x0], $0xffff;
	_ =	sdelay $0x2  }
0x131: {  	v46 =	vld.idx.msk [tilespmem:v1+s28+$0x0], $0xffff;
	_ =	sdelay $0x1  }
0x132: {  	v3 =	vmul.f32 v4, v3;
	v47 =	vmul.f32 v45, v44;
	_ =	sdelay $0x1  }
0x133: {  	v3 =	vmax.f32 v3, v47  }
0x134: {  	v4 =	vmul.f32 v3, v46;
	_ =	sdelay $0x1  }
0x135: {  	[tilespmem:v2+s30+$0x0] =	vst.idx.add.f32.msk $0xffff, v4  }
0x136: {  	v1 =	vld.idx.msk [tilespmem:v1+s29+$0x0], $0xffff;
	_ =	sdelay $0x1  }
0x137: {  	v48 =	vadd.s32 v0, v2  }
0x138: {  	v2 =	vadd.s32 $0x5000, v2;
	_ =	sdelay $0x1  }
0x139: {  	v1 =	vmul.f32 v1, v3;
	_ =	sdelay $0x1  }
0x13a: {  	[tilespmem:v48+s30+$0x0] =	vst.idx.add.f32.msk $0xffff, v1  }
0x13b: {  	[tilespmem:v2+s30+$0x0] =	vst.idx.add.f32.msk vm0, v3  }
0x13c: {  	v1 =	vld [tilespmem:s8+$0x10]  }
0x13d: {  	v2 =	vld [tilespmem:s10+$0x10];
	_ =	sdelay $0x6  }
0x13e: {  	v3 =	vld.idx.msk [tilespmem:v1+s1+$0x0], $0xffff  }
0x13f: {  	v4 =	vld.idx.msk [tilespmem:v2+s9+$0x0], $0xffff  }
0x140: {  	v49 =	vld.idx.msk [tilespmem:v1+s25+$0x0], $0xffff  }
0x141: {  	v50 =	vld.idx.msk [tilespmem:v2+s26+$0x0], $0xffff;
	_ =	sdelay $0x2  }
0x142: {  	v51 =	vld.idx.msk [tilespmem:v1+s28+$0x0], $0xffff;
	_ =	sdelay $0x1  }
0x143: {  	v3 =	vmul.f32 v4, v3;
	v52 =	vmul.f32 v50, v49;
	_ =	sdelay $0x1  }
0x144: {  	v3 =	vmax.f32 v3, v52  }
0x145: {  	v4 =	vmul.f32 v3, v51;
	_ =	sdelay $0x1  }
0x146: {  	[tilespmem:v2+s30+$0x0] =	vst.idx.add.f32.msk $0xffff, v4  }
0x147: {  	v1 =	vld.idx.msk [tilespmem:v1+s29+$0x0], $0xffff;
	_ =	sdelay $0x1  }
0x148: {  	v53 =	vadd.s32 v0, v2  }
0x149: {  	v2 =	vadd.s32 $0x5000, v2;
	_ =	sdelay $0x1  }
0x14a: {  	v1 =	vmul.f32 v1, v3;
	_ =	sdelay $0x1  }
0x14b: {  	[tilespmem:v53+s30+$0x0] =	vst.idx.add.f32.msk $0xffff, v1  }
0x14c: {  	[tilespmem:v2+s30+$0x0] =	vst.idx.add.f32.msk vm0, v3  }
0x14d: {  	v1 =	vld [tilespmem:s8+$0x20]  }
0x14e: {  	v2 =	vld [tilespmem:s10+$0x20];
	_ =	sdelay $0x6  }
0x14f: {  	v3 =	vld.idx.msk [tilespmem:v1+s1+$0x0], $0xffff  }
0x150: {  	v4 =	vld.idx.msk [tilespmem:v2+s9+$0x0], $0xffff  }
0x151: {  	v54 =	vld.idx.msk [tilespmem:v1+s25+$0x0], $0xffff  }
0x152: {  	v55 =	vld.idx.msk [tilespmem:v2+s26+$0x0], $0xffff;
	_ =	sdelay $0x2  }
0x153: {  	v56 =	vld.idx.msk [tilespmem:v1+s28+$0x0], $0xffff;
	_ =	sdelay $0x1  }
0x154: {  	v3 =	vmul.f32 v4, v3;
	v57 =	vmul.f32 v55, v54;
	_ =	sdelay $0x1  }
0x155: {  	v3 =	vmax.f32 v3, v57  }
0x156: {  	v4 =	vmul.f32 v3, v56;
	_ =	sdelay $0x1  }
0x157: {  	[tilespmem:v2+s30+$0x0] =	vst.idx.add.f32.msk $0xffff, v4  }
0x158: {  	v1 =	vld.idx.msk [tilespmem:v1+s29+$0x0], $0xffff;
	_ =	sdelay $0x1  }
0x159: {  	v58 =	vadd.s32 v0, v2  }
0x15a: {  	v2 =	vadd.s32 $0x5000, v2;
	_ =	sdelay $0x1  }
0x15b: {  	v1 =	vmul.f32 v1, v3;
	_ =	sdelay $0x1  }
0x15c: {  	[tilespmem:v58+s30+$0x0] =	vst.idx.add.f32.msk $0xffff, v1  }
0x15d: {  	[tilespmem:v2+s30+$0x0] =	vst.idx.add.f32.msk vm0, v3  }
0x15e: {  	v1 =	vld [tilespmem:s8+$0x30]  }
0x15f: {  	v2 =	vld [tilespmem:s10+$0x30];
	_ =	sdelay $0x6  }
0x160: {  	v3 =	vld.idx.msk [tilespmem:v1+s1+$0x0], $0xffff  }
0x161: {  	v4 =	vld.idx.msk [tilespmem:v2+s9+$0x0], $0xffff  }
0x162: {  	v59 =	vld.idx.msk [tilespmem:v1+s25+$0x0], $0xffff  }
0x163: {  	v60 =	vld.idx.msk [tilespmem:v2+s26+$0x0], $0xffff;
	_ =	sdelay $0x2  }
0x164: {  	v61 =	vld.idx.msk [tilespmem:v1+s28+$0x0], $0xffff;
	_ =	sdelay $0x1  }
0x165: {  	v3 =	vmul.f32 v4, v3;
	v62 =	vmul.f32 v60, v59;
	_ =	sdelay $0x1  }
0x166: {  	v3 =	vmax.f32 v3, v62  }
0x167: {  	v4 =	vmul.f32 v3, v61;
	_ =	sdelay $0x1  }
0x168: {  	[tilespmem:v2+s30+$0x0] =	vst.idx.add.f32.msk $0xffff, v4  }
0x169: {  	v1 =	vld.idx.msk [tilespmem:v1+s29+$0x0], $0xffff;
	_ =	sdelay $0x1  }
0x16a: {  	s7 =	sadd.s32 $0x8, s7;
	v63 =	vadd.s32 v0, v2  }
0x16b: {  	p1 =	slt.u32 s7, $0x188;
	v2 =	vadd.s32 $0x5000, v2  }
.Ltmp1:
0x16c: {  	_ = 	snop;
	(pc) =	sbr.rel @p1 .LBB2_5-.Ltmp1, $3  }
0x16d: {  	v1 =	vmul.f32 v1, v3;
	_ =	sdelay $0x1  }
0x16e: {  	[tilespmem:v63+s30+$0x0] =	vst.idx.add.f32.msk $0xffff, v1  }
0x16f: {  	s8 =	sadd.s32 $0x80, s8;
	s10 =	sadd.s32 $0x80, s10;
	[tilespmem:v2+s30+$0x0] =	vst.idx.add.f32.msk vm0, v3  }
0x170: {  	s6 =	sadd.s32 $0x1, s6  }
0x171: {  	p1 =	sne.s32 s6, $0xD  }
.Ltmp2:
0x172: {  	_ = 	snop;
	(pc) =	sbr.rel @p1 .LBB2_2-.Ltmp2, $1  }
0x173: {  	_ =	sdelay $0x3  }
0x174: {  	[hbm4b:s17+s22] =	stream.strided.scatter [tilespmem:s30], [sflag:$0x3], $0x2800, s23, s22, $0x38;
	[tilespmem:$0x1CC00] =	vst v63  }
0x175: {  	_ =	swait.ge [sflag:s24], $0x2800  }
0x176: {  	s6 =	simm.s32 @!p0 $0x80;
	s5 =	sadd.s32 $0x1, s5;
	[sflag:s24] =	ssyncset.done $0x0  }
0x177: {  	s7 =	simm.s32 @!p0 $0x400;
	p1 =	sne.s32 s5, s18;
	[sflag:s24] =	ssyncadd.s32 $0xFFFFD800  }
0x178: {  	[hbm4b:s21+s6] =	stream.strided.scatter @!p0 [tilespmem:s19], [sflag:$0x3], $0x2800, s7, s6, $0x38;
	[tilespmem:$0x1CC00] =	vst v63  }
.Ltmp3:
0x179: {  	_ = 	snop;
	(pc) =	sbr.rel @p1 .LBB2_1-.Ltmp3, $4  }
0x17a: {  	s6 =	simm.s32 @!p0 $0x3  }
0x17b: {  	_ =	swait.ge @!p0 [sflag:s6], $0x2800  }
0x17c: {  	[sflag:s6] =	ssyncset.done @!p0 $0x0  }
0x17d: {  	[sflag:s6] =	ssyncadd.s32 @!p0 $0xFFFFD800  }
0x17e: {  	_ =	sfence.sel $0x180000  }
0x17f: {  	[bflag:$0x0] =	sbarrier.arrive $0xFFFF  }
0x180: {  	_ =	strace $0x9000004A  }
0x181: {  	s0 =	stileid.u32;
	[bflag:$0x2] =	sbarrier.arrive $0xFFFF  }
0x182: {  	p0 =	sne.s32 s0, $0x0;
	s0 =	rddreg [dreg:$0x1]  }
0x183: {  	s0 =	sadd.s32 @!p0 $0x100000, s0  }
0x184: {  	[sflag:s0] =	ssyncadd.tile.s32 @!p0 $0x1;
	_ =	shalt  }
.Lfunc_end2:
_tile_overlayer_lowered:
.L_overlay_start_2:
0x185: {  	(tag) =	ssettag $0x2  }
0x186: {  	s0 =	rddreg [dreg:$0x0];
	s2 =	stileid.u32  }
0x187: {  	s1 =	rddreg [dreg:$0x1];
	p0 =	sne.s32 s2, $0x0  }
0x188: {  	s3 =	rddreg [dreg:$0x2];
	[bflag:$0x3] =	sbarrier.arrive $0xFFFF;
	s2 =	simm.s32 @!p0 $0x1C03  }
0x189: {  	[timem:s3], [sflag:s2] =	dma.local @!p0 [hbm:s0], s1  }
0x18a: {  	s0 =	simm.s32 @!p0 $0x3  }
0x18b: {  	_ =	swait.ge @!p0 [sflag:s0], s1  }
0x18c: {  	s1 =	ssub.s32 @!p0 $0x0, s1;
	[sflag:s0] =	ssyncset.done @!p0 $0x0  }
0x18d: {  	[sflag:s0] =	ssyncadd.s32 @!p0 s1  }
0x18e: {  	[bflag:$0x3] =	sbarrier.arrive $0xFFFF  }
0x18f: {  	_ =	shalt  }

// kernel: kernel.7.cloned.1.call-start
scs
__scs_entry_jumppad:
0x0: {  	(pc) =	sbr.rel $0x88, $3  }
0x1: {  	(tag) =	ssettag $0x0;
	lr =	simm.s32 $0x1  }
0x2: {  	[smem:$0x3F93] =	sst lr;
	_ =	strace $0xD0000000  }
0x3: {  	_ = 	snop  }
0x4: {  	_ = 	snop  }
0x5: {  	_ = 	snop  }
0x6: {  	_ = 	snop  }
0x7: {  	_ = 	snop  }
__scs_overlays_trampoline_lowered:
0x8: {  	[smem:$0x3FA2] =	sst s0  }
0x9: {  	[smem:$0x3FA3] =	sst s1  }
0xa: {  	[smem:$0x3FA4] =	sst s2  }
0xb: {  	[smem:$0x3FA5] =	sst s3  }
0xc: {  	[smem:$0x3FA6] =	sst s4  }
0xd: {  	[smem:$0x3FA7] =	sst s5  }
0xe: {  	[smem:$0x3FA8] =	sst s6  }
0xf: {  	[smem:$0x3FA9] =	sst s7  }
0x10: {  	[smem:$0x3FAA] =	sst s8  }
0x11: {  	[smem:$0x3FAB] =	sst s9;
	s0 =	simm.s32 @!p0 $0x0  }
0x12: {  	s1 =	sld [smem:$0x3F91];
	s0 =	simm.s32 @p0 $0x1  }
0x13: {  	[smem:$0x3FAC] =	sst s0;
	s0 =	simm.s32 @!p1 $0x0  }
0x14: {  	s2 =	sld [smem:$0x3F90];
	s0 =	simm.s32 @p1 $0x1  }
0x15: {  	[smem:$0x3FAD] =	sst s0;
	s0 =	simm.s32 @!p2 $0x0  }
0x16: {  	s3 =	sld [smem:$0x3FDB];
	s0 =	simm.s32 @p2 $0x1  }
0x17: {  	s4 =	simm.s32 $0x1BF5;
	[smem:$0x3FAF] =	sst s0  }
0x18: {  	s0 =	sld [smem:$0x3F92];
	_ =	swait.ge [sflag:s4], $0x0  }
0x19: {  	s7 =	sld [smem:$0x3F93]  }
0x1a: {  	s8 =	sadd.s32 $0xFFFFE003, lr  }
0x1b: {  	s9 =	sadd.s32 $0xFFFFFEF7, lr;
	s5 =	simm.s32 $0xFFFFFFFF;
	p2 =	slt.u32 s8, $0xFFFFF086  }
0x1c: {  	p1 =	slt.u32 s9, $0xF7A;
	s5 =	simm.s32 @!p2 $0x0  }
0x1d: {  	s5 =	simm.s32 @p1 $0x1;
	p0 =	seq.s32 s7, s2  }
0x1e: {  	s7 =	smul.u32 @!p0 $0xF7A, s2;
	p2 =	seq.s32 @!p0 s5, $0x0  }
0x1f: {  	s9 =	smul.u32 $0xF7A, s1;
	s8 =	simm.s32 @!p0 $0x1BF5;
	p2 =	por !p2, p0  }
0x20: {  	[sflag:s8] =	ssyncset.s32 @!p0 $0xFFFFF086;
	s6 =	sadd.s32 @!p0 s3, s7;
	s7 =	simm.s32 @!p0 $0x108  }
0x21: {  	s3 =	sadd.s32 s3, s9;
	s6 =	sadd.s32 @!p0 $0x88, s6;
	s7 =	simm.s32 @p2 $0x1082  }
0x22: {  	[simem:s7], [sflag:s8] =	dma.local @!p0 [hbm:s6], $0xF7A  }
0x23: {  	s9 =	sor.u32 $0xD0000000, s2;
	s6 =	simm.s32 $0x108;
	_ =	swait.ge @!p0 [sflag:s8], $0x0  }
0x24: {  	s3 =	sadd.s32 $0x88, s3;
	s6 =	simm.s32 @!p1 $0x1082;
	[sflag:s4] =	ssyncset.s32 $0xFFFFF086  }
0x25: {  	[simem:s6], [sflag:s4] =	dma.local [hbm:s3], $0xF7A  }
0x26: {  	[smem:$0x3F93] =	sst s1;
	(tag) =	ssettag s2;
	_ =	strace s9  }
0x27: {  	s1 =	sld [smem:$0x3FA3]  }
0x28: {  	s2 =	sld [smem:$0x3FA4]  }
0x29: {  	s4 =	sld [smem:$0x3FA6]  }
0x2a: {  	p0 =	seq.s32 s5, $0x0;
	s5 =	sld [smem:$0x3FA7]  }
0x2b: {  	s6 =	sld [smem:$0x3FA8]  }
0x2c: {  	s7 =	sld [smem:$0x3FA9]  }
0x2d: {  	s3 =	simm.s32 $0x108;
	s8 =	sld [smem:$0x3FAA]  }
0x2e: {  	s3 =	simm.s32 @!p0 $0x1082;
	s9 =	sld [smem:$0x3FAB]  }
0x2f: {  	lr =	sadd.s32 s0, s3;
	s0 =	sld [smem:$0x3FA2]  }
0x30: {  	s3 =	sld [smem:$0x3FA5]  }
0x31: {  	[smem:$0x3FAE] =	sst s10  }
0x32: {  	s10 =	sld [smem:$0x3FAC];
	_ =	sdelay $0x3  }
0x33: {  	p0 =	seq.s32 s10, $0x1;
	s10 =	sld [smem:$0x3FAE];
	_ =	sdelay $0x3  }
0x34: {  	[smem:$0x3FAE] =	sst s10  }
0x35: {  	s10 =	sld [smem:$0x3FAD];
	_ =	sdelay $0x3  }
0x36: {  	p1 =	seq.s32 s10, $0x1;
	s10 =	sld [smem:$0x3FAE];
	_ =	sdelay $0x3  }
0x37: {  	[smem:$0x3FAE] =	sst s10  }
0x38: {  	s10 =	sld [smem:$0x3FAF]  }
0x39: {  	_ = 	snop;
	(pc) =	sbr.ind lr, $3  }
0x3a: {  	_ = 	snop  }
0x3b: {  	_ = 	snop  }
0x3c: {  	p2 =	seq.s32 s10, $0x1;
	s10 =	sld [smem:$0x3FAE]  }
0x3d: {  	_ =	shalt  }
0x3e: {  	_ =	shalt  }
0x3f: {  	_ =	shalt  }
0x40: {  	_ =	shalt  }
0x41: {  	_ =	shalt  }
0x42: {  	_ =	shalt  }
0x43: {  	_ =	shalt  }
0x44: {  	_ =	shalt  }
0x45: {  	_ =	shalt  }
0x46: {  	_ =	shalt  }
0x47: {  	_ =	shalt  }
0x48: {  	_ =	shalt  }
0x49: {  	_ =	shalt  }
0x4a: {  	_ =	shalt  }
0x4b: {  	_ =	shalt  }
0x4c: {  	_ =	shalt  }
0x4d: {  	_ =	shalt  }
0x4e: {  	_ =	shalt  }
0x4f: {  	_ =	shalt  }
0x50: {  	_ =	shalt  }
0x51: {  	_ =	shalt  }
0x52: {  	_ =	shalt  }
0x53: {  	_ =	shalt  }
0x54: {  	_ =	shalt  }
0x55: {  	_ =	shalt  }
0x56: {  	_ =	shalt  }
0x57: {  	_ =	shalt  }
0x58: {  	_ =	shalt  }
0x59: {  	_ =	shalt  }
0x5a: {  	_ =	shalt  }
0x5b: {  	_ =	shalt  }
0x5c: {  	_ =	shalt  }
0x5d: {  	_ =	shalt  }
0x5e: {  	_ =	shalt  }
0x5f: {  	_ =	shalt  }
0x60: {  	_ =	shalt  }
0x61: {  	_ =	shalt  }
0x62: {  	_ =	shalt  }
0x63: {  	_ =	shalt  }
0x64: {  	_ =	shalt  }
0x65: {  	_ =	shalt  }
0x66: {  	_ =	shalt  }
0x67: {  	_ =	shalt  }
0x68: {  	_ =	shalt  }
0x69: {  	_ =	shalt  }
0x6a: {  	_ =	shalt  }
0x6b: {  	_ =	shalt  }
0x6c: {  	_ =	shalt  }
0x6d: {  	_ =	shalt  }
0x6e: {  	_ =	shalt  }
0x6f: {  	_ =	shalt  }
0x70: {  	_ =	shalt  }
0x71: {  	_ =	shalt  }
0x72: {  	_ =	shalt  }
0x73: {  	_ =	shalt  }
0x74: {  	_ =	shalt  }
0x75: {  	_ =	shalt  }
0x76: {  	_ =	shalt  }
0x77: {  	_ =	shalt  }
0x78: {  	_ =	shalt  }
0x79: {  	_ =	shalt  }
0x7a: {  	_ =	shalt  }
0x7b: {  	_ =	shalt  }
0x7c: {  	_ =	shalt  }
0x7d: {  	_ =	shalt  }
0x7e: {  	_ =	shalt  }
0x7f: {  	_ =	shalt  }
0x80: {  	_ =	shalt  }
0x81: {  	_ =	shalt  }
0x82: {  	_ =	shalt  }
0x83: {  	_ =	shalt  }
0x84: {  	_ =	shalt  }
0x85: {  	_ =	shalt  }
0x86: {  	_ =	shalt  }
0x87: {  	_ =	shalt  }
.Lfunc_end0:
.L_simem_size_0:
called_computation_lowered:
.L_overlay_start_0:
0x88: {  	s2 =	sld [smem:$0x3FD9]  }
0x89: {  	s3 =	sld [smem:$0x3FFE];
	_ =	sdelay $0x1  }
0x8a: {  	s1 =	srdreg.scid  }
0x8b: {  	s0 =	sand.u32 $0x1, s1  }
0x8c: {  	s16 =	sshll.u32 s0, $0xA;
	s2 =	sadd.s32 s3, s2  }
0x8d: {  	s2 =	sadd.s32 s2, s16  }
0x8e: {  	[smem:$0x3FBA] =	sst s2  }
0x8f: {  	_ = 	snop  }
0x90: {  	(tm) =	ssettm $0x1  }
0x91: {  	s17 =	sld [smem:$0x3FFB];
	_ =	sdelay $0x3  }
0x92: {  	_ =	strace s17  }
0x93: {  	s2 =	sld [smem:$0x3FFC];
	_ =	sdelay $0x3  }
0x94: {  	_ =	strace s2  }
0x95: {  	s2 =	sld [smem:$0x3FFD];
	_ =	sdelay $0x3  }
0x96: {  	_ =	strace s2  }
0x97: {  	_ =	strace $0x8FFFFFFF  }
0x98: {  	s18 =	sld [smem:$0x3FDB];
	_ =	sdelay $0x1  }
0x99: {  	s19 =	simm.s32 $_scs_section_size  }
0x9a: {  	s4 =	simm.s32 $_size__tile_overlayer_lowered;
	s5 =	simm.s32 $_tile_overlayer_lowered  }
0x9b: {  	s22 =	simm.s32 $0x1BFF;
	s21 =	sshll.u32 s5, $0x1;
	s2 =	sadd.s32 s19, s18  }
0x9c: {  	s6 =	simm.s32 $0x0;
	s20 =	sshll.u32 s4, $0x1;
	s4 =	sadd.s32 s21, s2  }
0x9d: {  	[timem:s6], [sflag:s22] =	dma.local [hbm:s4], s20  }
0x9e: {  	_ =	swait.ge [sflag:s22], s20  }
0x9f: {  	s3 =	ssub.s32 $0x0, s20;
	[sflag:s22] =	ssyncset.done $0x0  }
0xa0: {  	[sflag:s22] =	ssyncadd.s32 s3;
	_ =	sdelay $0x1  }
0xa1: {  	s23 =	simm.s32 $0x1B8B  }
0xa2: {  	_ =	swait.ge [sflag:s23], $0x1  }
0xa3: {  	[sflag:s23] =	ssyncset.done $0x0  }
0xa4: {  	s25 =	simm.s32 $0x1B8E;
	s24 =	sld [smem:$0x3FFE];
	[sflag:s23] =	ssyncadd.s32 $0xFFFFFFFF  }
0xa5: {  	s26 =	simm.s32 $execute0_lowered;
	[smem:$0x3FD2] =	sst s25  }
0xa6: {  	s4 =	sshll.u32 s26, $0x1;
	_ =	strace $0x80000046;
	[dreg:$0x1] =	wrdreg $0xFFFFFFFF  }
0xa7: {  	s28 =	simm.s32 $_size_execute0_lowered;
	s2 =	sadd.s32 s2, s4;
	[dreg:$0x0] =	wrdreg $0x0  }
0xa8: {  	s4 =	sshll.u32 s28, $0x1;
	[dreg:$0x2] =	wrdreg s2  }
0xa9: {  	[dreg:$0x3] =	wrdreg s4  }
0xaa: {  	[dreg:$0x4] =	wrdreg $0xC0  }
0xab: {  	_ =	task [dreg:s6], $0x5FFFF  }
0xac: {  	[dreg:$0x1] =	wrdreg $0xFFFFFFFF  }
0xad: {  	[dreg:$0x0] =	wrdreg $0x60  }
0xae: {  	[dreg:$0x2] =	wrdreg s24  }
0xaf: {  	[dreg:$0x3] =	wrdreg $0x9  }
0xb0: {  	_ =	task.clear_ibuf [dreg:s6], $0x4FFFF;
	_ =	strace $0x90000046  }
0xb1: {  	s29 =	simm.s32 $0x9;
	_ =	strace $0x80000048  }
0xb2: {  	_ =	swait.ge [sflag:s29], $0x1  }
0xb3: {  	[sflag:s29] =	ssyncadd.s32 $0xFFFFFFFF  }
0xb4: {  	_ =	strace $0x90000048  }
0xb5: {  	_ =	sfence  }
0xb6: {  	s30 =	sld [smem:$0x0];
	_ =	sdelay $0x2  }
0xb7: {  	s31 =	sshll.u32 s1, $0xD;
	s1 =	sshrl.u32 s1, $0x2  }
0xb8: {  	s3 =	sand.u32 $0x4000, s31;
	s1 =	sadd.s32 s1, s30  }
0xb9: {  	s0 =	sor.u32 s3, s0;
	s1 =	sshll.u32 s1, $0x11  }
0xba: {  	s0 =	sor.u32 s1, s0  }
0xbb: {  	s0 =	sadd.s32 $0x8F2B, s0  }
0xbc: {  	[sflag:s0] =	ssyncadd.remote.s32 $0x1  }
0xbd: {  	_ =	sfence.sel $0xFFFF  }
0xbe: {  	[dreg:$0x0] =	wrdreg $0xFFFFFFFF;
	(pc) =	sbr.abs _section_cstart, $3  }
0xbf: {  	[dreg:$0x1] =	wrdreg $0xFFFFFFFF  }
0xc0: {  	_ =	task.clear_ibuf [dreg:s6], $0x2FFFF;
	_ =	strace $0x9FFFFFFF  }
0xc1: {  	(tm) =	ssettm $0x7FFFFFFF  }
tec
execute0_lowered:
.L_overlay_start_1:
0x0: {  	(tag) =	ssettag $0x1  }
0x1: {  	s0 =	rddreg [dreg:$0x0]  }
0x2: {  	s1 =	simm.s32 $0x0;
	s2 =	srdreg.scid;
	s7 =	stileid.u32  }
0x3: {  	s28 =	simm.s32 $0x15400;
	s29 =	simm.s32 $0x17C00;
	s30 =	simm.s32 $0x10900  }
0x4: {  	s31 =	simm.s32 $0x13B00;
	[smem:$0x7FF] =	sst s1;
	s4 =	sand.u32 $0x1, s2  }
0x5: {  	s2 =	sadd.s32 $0x2400, s0;
	s3 =	sadd.s32 $0xC800, s0;
	s6 =	sadd.s32 $0x16C00, s0  }
0x6: {  	s9 =	sadd.s32 $0x23400, s0;
	s16 =	sshrl.u32 s7, $0x3;
	p1 =	seq.s32 s7, $0x0  }
0x7: {  	s10 =	sshll.u32 s7, $0x7;
	s11 =	sadd.s32 $0x20C00, s0;
	s17 =	sadd.s32 $0x20C10, s0  }
0x8: {  	s19 =	sadd.s32 $0x20C20, s0;
	s13 =	sadd.s32 $0x20C30, s0;
	p0 =	sne.s32 s7, $0x0  }
0x9: {  	_ =	strace $0x80000047;
	s5 =	ssub.s32 $0x2, s4;
	[dreg:$0x2] =	wrdreg s11  }
0xa: {  	[dreg:$0x3] =	wrdreg s17;
	s18 =	sand.u32 $0x380, s10;
	s15 =	smul.u32 $0x28A00, s4  }
0xb: {  	[dreg:$0x4] =	wrdreg s19;
	s4 =	smul.u32 $0x64000, s4;
	s8 =	sshrl.u32 s5, $0x1  }
0xc: {  	[dreg:$0x5] =	wrdreg s13;
	s5 =	ssub.s32 s5, s8;
	s8 =	smul.u32 $0x14000, s16  }
0xd: {  	s19 =	simm.s32 $0x80;
	s22 =	sshrl.u32 s15, $0x3;
	s13 =	sadd.s32 $0x1900, s15  }
0xe: {  	s23 =	sadd.s32 s2, s22;
	s20 =	sor.u32 s18, s8;
	s14 =	sadd.s32 $0x28000, s8  }
0xf: {  	[dreg:$0x8] =	wrdreg s23;
	s24 =	sadd.s32 s4, s8;
	s23 =	simm.s32 $0x5000  }
0x10: {  	s10 =	sshrl.u32 s20, $0x3;
	s12 =	sor.u32 s18, s14;
	s25 =	sadd.s32 s4, s14  }
0x11: {  	s14 =	sadd.s32 $0x3200, s15;
	s4 =	sshrl.u32 s4, $0x3;
	s20 =	simm.s32 $0x400  }
0x12: {  	s10 =	sadd.s32 s6, s10;
	s21 =	sshrl.u32 s12, $0x3;
	s12 =	sadd.s32 s3, s22  }
0x13: {  	s26 =	sadd.s32 s9, s4;
	s22 =	simm.s32 $0x2800;
	s4 =	simm.s32 $0x2  }
0x14: {  	[dreg:$0x6] =	wrdreg s10;
	s6 =	sadd.s32 s6, s21;
	s10 =	sadd.s32 $0x20C40, s0  }
0x15: {  	s0 =	sor.u32 s18, s24;
	s17 =	sadd.s32 $0xA000, s26;
	s21 =	simm.s32 $0x3  }
0x16: {  	s24 =	simm.s32 $0x7800;
	s26 =	simm.s32 $0xC800;
	[dreg:$0x7] =	wrdreg s6  }
0x17: {  	s6 =	sor.u32 s18, s25;
	s0 =	sshrl.u32 s0, $0x3;
	s18 =	smax.u32 s5, $0x1  }
0x18: {  	vm0 =	vmxor vm0, vm0;
	s25 =	simm.s32 $0xA000;
	s5 =	simm.s32 $0x0;
	s6 =	sshrl.u32 s6, $0x3  }
0x19: {  	vm0 =	vmneg @p1 vm0;
	s15 =	sadd.s32 s9, s0;
	s0 =	simm.s32 $0x1;
	s16 =	sadd.s32 s9, s6  }
.LBB2_1:
0x1a: {  	s6 =	rddreg [dreg:$0x2]  }
0x1b: {  	[tilespmem:s1], [sflag:$0x3] =	stream.strided.gather [hbm4b:s6+s19], $0x2800, s20, s19, $0x38;
	[tilespmem:$0x1CC00] =	vst v63  }
0x1c: {  	_ =	swait.ge [sflag:s21], $0x2800  }
0x1d: {  	[sflag:s21] =	ssyncset.done $0x0  }
0x1e: {  	s7 =	rddreg [dreg:$0x3];
	[sflag:s21] =	ssyncadd.s32 $0xFFFFD800  }
0x1f: {  	[tilespmem:s22], [sflag:$0x3] =	stream.strided.gather [hbm4b:s7+s19], $0x2800, s20, s19, $0x38;
	[tilespmem:$0x1CC00] =	vst v63  }
0x20: {  	_ =	swait.ge [sflag:s21], $0x2800  }
0x21: {  	[sflag:s21] =	ssyncset.done $0x0  }
0x22: {  	s8 =	rddreg [dreg:$0x4];
	[sflag:s21] =	ssyncadd.s32 $0xFFFFD800  }
0x23: {  	[tilespmem:s23], [sflag:$0x3] =	stream.strided.gather [hbm4b:s8+s19], $0x2800, s20, s19, $0x38;
	[tilespmem:$0x1CC00] =	vst v63  }
0x24: {  	_ =	swait.ge [sflag:s21], $0x2800  }
0x25: {  	[sflag:s21] =	ssyncset.done $0x0  }
0x26: {  	s9 =	rddreg [dreg:$0x5];
	[sflag:s21] =	ssyncadd.s32 $0xFFFFD800  }
0x27: {  	[tilespmem:s24], [sflag:$0x3] =	stream.strided.gather [hbm4b:s9+s19], $0x2800, s20, s19, $0x38;
	[tilespmem:$0x1CC00] =	vst v63  }
0x28: {  	_ =	swait.ge [sflag:s21], $0x2800  }
0x29: {  	[sflag:s21] =	ssyncset.done $0x0  }
0x2a: {  	s11 =	rddreg [dreg:$0x6];
	[sflag:s21] =	ssyncadd.s32 $0xFFFFD800  }
0x2b: {  	[tilespmem:s25], [sflag:$0x3] =	stream.strided.gather [hbm4b:s11+s19], $0x2800, s20, s19, $0x38;
	[tilespmem:$0x1CC00] =	vst v63  }
0x2c: {  	_ =	swait.ge [sflag:s21], $0x2800  }
0x2d: {  	[sflag:s21] =	ssyncset.done $0x0  }
0x2e: {  	s7 =	rddreg [dreg:$0x7];
	[sflag:s21] =	ssyncadd.s32 $0xFFFFD800  }
0x2f: {  	[tilespmem:s26], [sflag:$0x3] =	stream.strided.gather [hbm4b:s7+s19], $0x2800, s20, s19, $0x38;
	[tilespmem:$0x1CC00] =	vst v63  }
0x30: {  	_ =	swait.ge [sflag:s21], $0x2800  }
0x31: {  	[sflag:s21] =	ssyncset.done $0x0  }
0x32: {  	[sflag:s21] =	ssyncadd.s32 $0xFFFFD800  }
0x33: {  	[tilespmem:s28], [sflag:$0x3] =	stream.strided.gather [hbm4b:s10+s19], $0x2800, s20, s19, $0x38;
	[tilespmem:$0x1CC00] =	vst v63  }
0x34: {  	_ =	swait.ge [sflag:s21], $0x2800  }
0x35: {  	[sflag:s21] =	ssyncset.done $0x0  }
0x36: {  	[sflag:s21] =	ssyncadd.s32 $0xFFFFD800  }
0x37: {  	[tilespmem:s29], [sflag:$0x3] =	stream.strided.gather [hbm4b:s10+s19], $0x2800, s20, s19, $0x38;
	[tilespmem:$0x1CC00] =	vst v63  }
0x38: {  	_ =	swait.ge [sflag:s21], $0x2800  }
0x39: {  	[sflag:s21] =	ssyncset.done $0x0  }
0x3a: {  	s8 =	simm.s32 $0x1A400;
	[sflag:s21] =	ssyncadd.s32 $0xFFFFD800  }
0x3b: {  	[tilespmem:s8], [sflag:$0x3] =	stream.strided.gather [hbm4b:s10+s19], $0x2800, s20, s19, $0x38;
	[tilespmem:$0x1CC00] =	vst v63  }
0x3c: {  	_ =	swait.ge [sflag:s21], $0x2800  }
0x3d: {  	[sflag:s21] =	ssyncset.done $0x0  }
0x3e: {  	s7 =	simm.s32 $0xF000;
	s9 =	rddreg [dreg:$0x8];
	[sflag:s21] =	ssyncadd.s32 $0xFFFFD800  }
0x3f: {  	[tilespmem:s7], [sflag:$0x1] =	stream.linear.gather [hbm4b:s9+s1], $0x1900, $0x38;
	[tilespmem:$0x1CC00] =	vst v63  }
0x40: {  	s6 =	simm.s32 $0x0;
	s11 =	simm.s32 $0x12200  }
0x41: {  	[tilespmem:s11], [sflag:$0x1] =	stream.linear.gather [hbm4b:s12+s1], $0x1900, $0x38;
	[tilespmem:$0x1CC00] =	vst v63  }
.LBB2_2:
0x42: {  	s7 =	smul.u32 $0x3200, s6;
	_ =	sdelay $0x1  }
0x43: {  	s8 =	sadd.s32 s7, s13  }
0x44: {  	s8 =	sshrl.u32 s8, $0x3  }
0x45: {  	s9 =	sadd.s32 s2, s8  }
0x46: {  	[tilespmem:s30], [sflag:$0x2] =	stream.linear.gather [hbm4b:s9+s1], $0x1900, $0x38;
	[tilespmem:$0x1CC00] =	vst v63  }
0x47: {  	s8 =	sadd.s32 s3, s8  }
0x48: {  	[tilespmem:s31], [sflag:$0x2] =	stream.linear.gather [hbm4b:s8+s1], $0x1900, $0x38;
	[tilespmem:$0x1CC00] =	vst v63  }
0x49: {  	_ =	swait.ge [sflag:s0], $0x1900  }
0x4a: {  	[sflag:s0] =	ssyncset.done $0x0  }
0x4b: {  	[sflag:s0] =	ssyncadd.s32 $0xFFFFE700  }
0x4c: {  	_ =	swait.ge [sflag:s0], $0x1900  }
0x4d: {  	s11 =	simm.s32 $0x12240;
	[sflag:s0] =	ssyncset.done $0x0  }
0x4e: {  	s9 =	simm.s32 $0xF040;
	s8 =	simm.s32 $0xFFFFFFF8;
	[sflag:s0] =	ssyncadd.s32 $0xFFFFE700  }
.LBB2_3:
0x4f: {  	v0 =	vld [tilespmem:s9+$0xFFFFFFC0]  }
0x50: {  	v1 =	vld [tilespmem:s11+$0xFFFFFFC0];
	_ =	sdelay $0x6  }
0x51: {  	v2 =	vld.idx.msk [tilespmem:v0+s1+$0x0], $0xffff  }
0x52: {  	v3 =	vld.idx.msk [tilespmem:v1+s22+$0x0], $0xffff  }
0x53: {  	v4 =	vld.idx.msk [tilespmem:v0+s23+$0x0], $0xffff  }
0x54: {  	v5 =	vld.idx.msk [tilespmem:v1+s24+$0x0], $0xffff;
	_ =	sdelay $0x2  }
0x55: {  	v6 =	vld.idx.msk [tilespmem:v0+s25+$0x0], $0xffff;
	_ =	sdelay $0x1  }
0x56: {  	v2 =	vmul.f32 v3, v2;
	v27 =	vmul.f32 v5, v4;
	_ =	sdelay $0x1  }
0x57: {  	v2 =	vmax.f32 v2, v27  }
0x58: {  	v3 =	vmul.f32 v2, v6;
	_ =	sdelay $0x1  }
0x59: {  	[tilespmem:v1+s28+$0x0] =	vst.idx.add.f32.msk $0xffff, v3  }
0x5a: {  	v0 =	vld.idx.msk [tilespmem:v0+s26+$0x0], $0xffff;
	_ =	sdelay $0x1  }
0x5b: {  	v28 =	vadd.s32 $0x2800, v1  }
0x5c: {  	v1 =	vadd.s32 $0x5000, v1;
	_ =	sdelay $0x1  }
0x5d: {  	v0 =	vmul.f32 v0, v2;
	_ =	sdelay $0x1  }
0x5e: {  	[tilespmem:v28+s28+$0x0] =	vst.idx.add.f32.msk $0xffff, v0  }
0x5f: {  	[tilespmem:v1+s28+$0x0] =	vst.idx.add.f32.msk vm0, v2  }
0x60: {  	v0 =	vld [tilespmem:s9+$0xFFFFFFD0]  }
0x61: {  	v1 =	vld [tilespmem:s11+$0xFFFFFFD0];
	_ =	sdelay $0x6  }
0x62: {  	v2 =	vld.idx.msk [tilespmem:v0+s1+$0x0], $0xffff  }
0x63: {  	v3 =	vld.idx.msk [tilespmem:v1+s22+$0x0], $0xffff  }
0x64: {  	v29 =	vld.idx.msk [tilespmem:v0+s23+$0x0], $0xffff  }
0x65: {  	v30 =	vld.idx.msk [tilespmem:v1+s24+$0x0], $0xffff;
	_ =	sdelay $0x2  }
0x66: {  	v31 =	vld.idx.msk [tilespmem:v0+s25+$0x0], $0xffff;
	_ =	sdelay $0x1  }
0x67: {  	v2 =	vmul.f32 v3, v2;
	v32 =	vmul.f32 v30, v29;
	_ =	sdelay $0x1  }
0x68: {  	v2 =	vmax.f32 v2, v32  }
0x69: {  	v3 =	vmul.f32 v2, v31;
	_ =	sdelay $0x1  }
0x6a: {  	[tilespmem:v1+s28+$0x0] =	vst.idx.add.f32.msk $0xffff, v3  }
0x6b: {  	v0 =	vld.idx.msk [tilespmem:v0+s26+$0x0], $0xffff;
	_ =	sdelay $0x1  }
0x6c: {  	v33 =	vadd.s32 $0x2800, v1  }
0x6d: {  	v1 =	vadd.s32 $0x5000, v1;
	_ =	sdelay $0x1  }
0x6e: {  	v0 =	vmul.f32 v0, v2;
	_ =	sdelay $0x1  }
0x6f: {  	[tilespmem:v33+s28+$0x0] =	vst.idx.add.f32.msk $0xffff, v0  }
0x70: {  	[tilespmem:v1+s28+$0x0] =	vst.idx.add.f32.msk vm0, v2  }
0x71: {  	v0 =	vld [tilespmem:s9+$0xFFFFFFE0]  }
0x72: {  	v1 =	vld [tilespmem:s11+$0xFFFFFFE0];
	_ =	sdelay $0x6  }
0x73: {  	v2 =	vld.idx.msk [tilespmem:v0+s1+$0x0], $0xffff  }
0x74: {  	v3 =	vld.idx.msk [tilespmem:v1+s22+$0x0], $0xffff  }
0x75: {  	v34 =	vld.idx.msk [tilespmem:v0+s23+$0x0], $0xffff  }
0x76: {  	v35 =	vld.idx.msk [tilespmem:v1+s24+$0x0], $0xffff;
	_ =	sdelay $0x2  }
0x77: {  	v36 =	vld.idx.msk [tilespmem:v0+s25+$0x0], $0xffff;
	_ =	sdelay $0x1  }
0x78: {  	v2 =	vmul.f32 v3, v2;
	v37 =	vmul.f32 v35, v34;
	_ =	sdelay $0x1  }
0x79: {  	v2 =	vmax.f32 v2, v37  }
0x7a: {  	v3 =	vmul.f32 v2, v36;
	_ =	sdelay $0x1  }
0x7b: {  	[tilespmem:v1+s28+$0x0] =	vst.idx.add.f32.msk $0xffff, v3  }
0x7c: {  	v0 =	vld.idx.msk [tilespmem:v0+s26+$0x0], $0xffff;
	_ =	sdelay $0x1  }
0x7d: {  	v38 =	vadd.s32 $0x2800, v1  }
0x7e: {  	v1 =	vadd.s32 $0x5000, v1;
	_ =	sdelay $0x1  }
0x7f: {  	v0 =	vmul.f32 v0, v2;
	_ =	sdelay $0x1  }
0x80: {  	[tilespmem:v38+s28+$0x0] =	vst.idx.add.f32.msk $0xffff, v0  }
0x81: {  	[tilespmem:v1+s28+$0x0] =	vst.idx.add.f32.msk vm0, v2  }
0x82: {  	v0 =	vld [tilespmem:s9+$0xFFFFFFF0]  }
0x83: {  	v1 =	vld [tilespmem:s11+$0xFFFFFFF0];
	_ =	sdelay $0x6  }
0x84: {  	v2 =	vld.idx.msk [tilespmem:v0+s1+$0x0], $0xffff  }
0x85: {  	v3 =	vld.idx.msk [tilespmem:v1+s22+$0x0], $0xffff  }
0x86: {  	v39 =	vld.idx.msk [tilespmem:v0+s23+$0x0], $0xffff  }
0x87: {  	v40 =	vld.idx.msk [tilespmem:v1+s24+$0x0], $0xffff;
	_ =	sdelay $0x2  }
0x88: {  	v41 =	vld.idx.msk [tilespmem:v0+s25+$0x0], $0xffff;
	_ =	sdelay $0x1  }
0x89: {  	v2 =	vmul.f32 v3, v2;
	v42 =	vmul.f32 v40, v39;
	_ =	sdelay $0x1  }
0x8a: {  	v2 =	vmax.f32 v2, v42  }
0x8b: {  	v3 =	vmul.f32 v2, v41;
	_ =	sdelay $0x1  }
0x8c: {  	[tilespmem:v1+s28+$0x0] =	vst.idx.add.f32.msk $0xffff, v3  }
0x8d: {  	v0 =	vld.idx.msk [tilespmem:v0+s26+$0x0], $0xffff;
	_ =	sdelay $0x1  }
0x8e: {  	v43 =	vadd.s32 $0x2800, v1  }
0x8f: {  	v1 =	vadd.s32 $0x5000, v1;
	_ =	sdelay $0x1  }
0x90: {  	v0 =	vmul.f32 v0, v2;
	_ =	sdelay $0x1  }
0x91: {  	[tilespmem:v43+s28+$0x0] =	vst.idx.add.f32.msk $0xffff, v0  }
0x92: {  	[tilespmem:v1+s28+$0x0] =	vst.idx.add.f32.msk vm0, v2  }
0x93: {  	v0 =	vld [tilespmem:s9+$0x0]  }
0x94: {  	v1 =	vld [tilespmem:s11+$0x0];
	_ =	sdelay $0x6  }
0x95: {  	v2 =	vld.idx.msk [tilespmem:v0+s1+$0x0], $0xffff  }
0x96: {  	v3 =	vld.idx.msk [tilespmem:v1+s22+$0x0], $0xffff  }
0x97: {  	v44 =	vld.idx.msk [tilespmem:v0+s23+$0x0], $0xffff  }
0x98: {  	v45 =	vld.idx.msk [tilespmem:v1+s24+$0x0], $0xffff;
	_ =	sdelay $0x2  }
0x99: {  	v46 =	vld.idx.msk [tilespmem:v0+s25+$0x0], $0xffff;
	_ =	sdelay $0x1  }
0x9a: {  	v2 =	vmul.f32 v3, v2;
	v47 =	vmul.f32 v45, v44;
	_ =	sdelay $0x1  }
0x9b: {  	v2 =	vmax.f32 v2, v47  }
0x9c: {  	v3 =	vmul.f32 v2, v46;
	_ =	sdelay $0x1  }
0x9d: {  	[tilespmem:v1+s28+$0x0] =	vst.idx.add.f32.msk $0xffff, v3  }
0x9e: {  	v0 =	vld.idx.msk [tilespmem:v0+s26+$0x0], $0xffff;
	_ =	sdelay $0x1  }
0x9f: {  	v48 =	vadd.s32 $0x2800, v1  }
0xa0: {  	v1 =	vadd.s32 $0x5000, v1;
	_ =	sdelay $0x1  }
0xa1: {  	v0 =	vmul.f32 v0, v2;
	_ =	sdelay $0x1  }
0xa2: {  	[tilespmem:v48+s28+$0x0] =	vst.idx.add.f32.msk $0xffff, v0  }
0xa3: {  	[tilespmem:v1+s28+$0x0] =	vst.idx.add.f32.msk vm0, v2  }
0xa4: {  	v0 =	vld [tilespmem:s9+$0x10]  }
0xa5: {  	v1 =	vld [tilespmem:s11+$0x10];
	_ =	sdelay $0x6  }
0xa6: {  	v2 =	vld.idx.msk [tilespmem:v0+s1+$0x0], $0xffff  }
0xa7: {  	v3 =	vld.idx.msk [tilespmem:v1+s22+$0x0], $0xffff  }
0xa8: {  	v49 =	vld.idx.msk [tilespmem:v0+s23+$0x0], $0xffff  }
0xa9: {  	v50 =	vld.idx.msk [tilespmem:v1+s24+$0x0], $0xffff;
	_ =	sdelay $0x2  }
0xaa: {  	v51 =	vld.idx.msk [tilespmem:v0+s25+$0x0], $0xffff;
	_ =	sdelay $0x1  }
0xab: {  	v2 =	vmul.f32 v3, v2;
	v52 =	vmul.f32 v50, v49;
	_ =	sdelay $0x1  }
0xac: {  	v2 =	vmax.f32 v2, v52  }
0xad: {  	v3 =	vmul.f32 v2, v51;
	_ =	sdelay $0x1  }
0xae: {  	[tilespmem:v1+s28+$0x0] =	vst.idx.add.f32.msk $0xffff, v3  }
0xaf: {  	v0 =	vld.idx.msk [tilespmem:v0+s26+$0x0], $0xffff;
	_ =	sdelay $0x1  }
0xb0: {  	v53 =	vadd.s32 $0x2800, v1  }
0xb1: {  	v1 =	vadd.s32 $0x5000, v1;
	_ =	sdelay $0x1  }
0xb2: {  	v0 =	vmul.f32 v0, v2;
	_ =	sdelay $0x1  }
0xb3: {  	[tilespmem:v53+s28+$0x0] =	vst.idx.add.f32.msk $0xffff, v0  }
0xb4: {  	[tilespmem:v1+s28+$0x0] =	vst.idx.add.f32.msk vm0, v2  }
0xb5: {  	v0 =	vld [tilespmem:s9+$0x20]  }
0xb6: {  	v1 =	vld [tilespmem:s11+$0x20];
	_ =	sdelay $0x6  }
0xb7: {  	v2 =	vld.idx.msk [tilespmem:v0+s1+$0x0], $0xffff  }
0xb8: {  	v3 =	vld.idx.msk [tilespmem:v1+s22+$0x0], $0xffff  }
0xb9: {  	v54 =	vld.idx.msk [tilespmem:v0+s23+$0x0], $0xffff  }
0xba: {  	v55 =	vld.idx.msk [tilespmem:v1+s24+$0x0], $0xffff;
	_ =	sdelay $0x2  }
0xbb: {  	v56 =	vld.idx.msk [tilespmem:v0+s25+$0x0], $0xffff;
	_ =	sdelay $0x1  }
0xbc: {  	v2 =	vmul.f32 v3, v2;
	v57 =	vmul.f32 v55, v54;
	_ =	sdelay $0x1  }
0xbd: {  	v2 =	vmax.f32 v2, v57  }
0xbe: {  	v3 =	vmul.f32 v2, v56;
	_ =	sdelay $0x1  }
0xbf: {  	[tilespmem:v1+s28+$0x0] =	vst.idx.add.f32.msk $0xffff, v3  }
0xc0: {  	v0 =	vld.idx.msk [tilespmem:v0+s26+$0x0], $0xffff;
	_ =	sdelay $0x1  }
0xc1: {  	v58 =	vadd.s32 $0x2800, v1  }
0xc2: {  	v1 =	vadd.s32 $0x5000, v1;
	_ =	sdelay $0x1  }
0xc3: {  	v0 =	vmul.f32 v0, v2;
	_ =	sdelay $0x1  }
0xc4: {  	[tilespmem:v58+s28+$0x0] =	vst.idx.add.f32.msk $0xffff, v0  }
0xc5: {  	[tilespmem:v1+s28+$0x0] =	vst.idx.add.f32.msk vm0, v2  }
0xc6: {  	v0 =	vld [tilespmem:s9+$0x30]  }
0xc7: {  	v1 =	vld [tilespmem:s11+$0x30];
	_ =	sdelay $0x6  }
0xc8: {  	v2 =	vld.idx.msk [tilespmem:v0+s1+$0x0], $0xffff  }
0xc9: {  	v3 =	vld.idx.msk [tilespmem:v1+s22+$0x0], $0xffff  }
0xca: {  	v59 =	vld.idx.msk [tilespmem:v0+s23+$0x0], $0xffff  }
0xcb: {  	v60 =	vld.idx.msk [tilespmem:v1+s24+$0x0], $0xffff;
	_ =	sdelay $0x2  }
0xcc: {  	v61 =	vld.idx.msk [tilespmem:v0+s25+$0x0], $0xffff;
	_ =	sdelay $0x1  }
0xcd: {  	v2 =	vmul.f32 v3, v2;
	v62 =	vmul.f32 v60, v59;
	_ =	sdelay $0x1  }
0xce: {  	v2 =	vmax.f32 v2, v62  }
0xcf: {  	v3 =	vmul.f32 v2, v61;
	_ =	sdelay $0x1  }
0xd0: {  	[tilespmem:v1+s28+$0x0] =	vst.idx.add.f32.msk $0xffff, v3  }
0xd1: {  	v0 =	vld.idx.msk [tilespmem:v0+s26+$0x0], $0xffff;
	_ =	sdelay $0x1  }
0xd2: {  	s8 =	sadd.s32 $0x8, s8;
	v63 =	vadd.s32 $0x2800, v1  }
0xd3: {  	p1 =	slt.u32 s8, $0x188;
	v1 =	vadd.s32 $0x5000, v1  }
.Ltmp0:
0xd4: {  	_ = 	snop;
	(pc) =	sbr.rel @p1 .LBB2_3-.Ltmp0, $3  }
0xd5: {  	v0 =	vmul.f32 v0, v2;
	_ =	sdelay $0x1  }
0xd6: {  	[tilespmem:v63+s28+$0x0] =	vst.idx.add.f32.msk $0xffff, v0  }
0xd7: {  	s9 =	sadd.s32 $0x80, s9;
	s11 =	sadd.s32 $0x80, s11;
	[tilespmem:v1+s28+$0x0] =	vst.idx.add.f32.msk vm0, v2  }
0xd8: {  	p1 =	seq.s32 s6, $0xC  }
0xd9: {  	s7 =	sadd.s32 @!p1 s7, s14  }
0xda: {  	s7 =	sshrl.u32 @!p1 s7, $0x3  }
0xdb: {  	s9 =	simm.s32 @!p1 $0x0;
	s11 =	simm.s32 @!p1 $0xF000;
	s8 =	sadd.s32 @!p1 s2, s7  }
0xdc: {  	[tilespmem:s11], [sflag:$0x1] =	stream.linear.gather @!p1 [hbm4b:s8+s9], $0x1900, $0x38;
	[tilespmem:$0x1CC00] =	vst v63  }
0xdd: {  	s7 =	sadd.s32 @!p1 s3, s7;
	s8 =	simm.s32 @!p1 $0x12200  }
0xde: {  	[tilespmem:s8], [sflag:$0x1] =	stream.linear.gather @!p1 [hbm4b:s7+s9], $0x1900, $0x38;
	[tilespmem:$0x1CC00] =	vst v63  }
0xdf: {  	_ =	swait.ge [sflag:s4], $0x1900  }
0xe0: {  	[sflag:s4] =	ssyncset.done $0x0  }
0xe1: {  	[sflag:s4] =	ssyncadd.s32 $0xFFFFE700  }
0xe2: {  	_ =	swait.ge [sflag:s4], $0x1900  }
0xe3: {  	s7 =	simm.s32 $0xFFFFFFF8;
	[sflag:s4] =	ssyncset.done $0x0  }
0xe4: {  	s8 =	simm.s32 $0x10940;
	s9 =	simm.s32 $0x13B40;
	[sflag:s4] =	ssyncadd.s32 $0xFFFFE700  }
.LBB2_5:
0xe5: {  	v0 =	vld [tilespmem:s8+$0xFFFFFFC0]  }
0xe6: {  	v1 =	vld [tilespmem:s9+$0xFFFFFFC0];
	_ =	sdelay $0x6  }
0xe7: {  	v2 =	vld.idx.msk [tilespmem:v0+s1+$0x0], $0xffff  }
0xe8: {  	v3 =	vld.idx.msk [tilespmem:v1+s22+$0x0], $0xffff  }
0xe9: {  	v4 =	vld.idx.msk [tilespmem:v0+s23+$0x0], $0xffff  }
0xea: {  	v5 =	vld.idx.msk [tilespmem:v1+s24+$0x0], $0xffff;
	_ =	sdelay $0x2  }
0xeb: {  	v6 =	vld.idx.msk [tilespmem:v0+s25+$0x0], $0xffff;
	_ =	sdelay $0x1  }
0xec: {  	v2 =	vmul.f32 v3, v2;
	v27 =	vmul.f32 v5, v4;
	_ =	sdelay $0x1  }
0xed: {  	v2 =	vmax.f32 v2, v27  }
0xee: {  	v3 =	vmul.f32 v2, v6;
	_ =	sdelay $0x1  }
0xef: {  	[tilespmem:v1+s28+$0x0] =	vst.idx.add.f32.msk $0xffff, v3  }
0xf0: {  	v0 =	vld.idx.msk [tilespmem:v0+s26+$0x0], $0xffff;
	_ =	sdelay $0x1  }
0xf1: {  	v28 =	vadd.s32 $0x2800, v1  }
0xf2: {  	v1 =	vadd.s32 $0x5000, v1;
	_ =	sdelay $0x1  }
0xf3: {  	v0 =	vmul.f32 v0, v2;
	_ =	sdelay $0x1  }
0xf4: {  	[tilespmem:v28+s28+$0x0] =	vst.idx.add.f32.msk $0xffff, v0  }
0xf5: {  	[tilespmem:v1+s28+$0x0] =	vst.idx.add.f32.msk vm0, v2  }
0xf6: {  	v0 =	vld [tilespmem:s8+$0xFFFFFFD0]  }
0xf7: {  	v1 =	vld [tilespmem:s9+$0xFFFFFFD0];
	_ =	sdelay $0x6  }
0xf8: {  	v2 =	vld.idx.msk [tilespmem:v0+s1+$0x0], $0xffff  }
0xf9: {  	v3 =	vld.idx.msk [tilespmem:v1+s22+$0x0], $0xffff  }
0xfa: {  	v29 =	vld.idx.msk [tilespmem:v0+s23+$0x0], $0xffff  }
0xfb: {  	v30 =	vld.idx.msk [tilespmem:v1+s24+$0x0], $0xffff;
	_ =	sdelay $0x2  }
0xfc: {  	v31 =	vld.idx.msk [tilespmem:v0+s25+$0x0], $0xffff;
	_ =	sdelay $0x1  }
0xfd: {  	v2 =	vmul.f32 v3, v2;
	v32 =	vmul.f32 v30, v29;
	_ =	sdelay $0x1  }
0xfe: {  	v2 =	vmax.f32 v2, v32  }
0xff: {  	v3 =	vmul.f32 v2, v31;
	_ =	sdelay $0x1  }
0x100: {  	[tilespmem:v1+s28+$0x0] =	vst.idx.add.f32.msk $0xffff, v3  }
0x101: {  	v0 =	vld.idx.msk [tilespmem:v0+s26+$0x0], $0xffff;
	_ =	sdelay $0x1  }
0x102: {  	v33 =	vadd.s32 $0x2800, v1  }
0x103: {  	v1 =	vadd.s32 $0x5000, v1;
	_ =	sdelay $0x1  }
0x104: {  	v0 =	vmul.f32 v0, v2;
	_ =	sdelay $0x1  }
0x105: {  	[tilespmem:v33+s28+$0x0] =	vst.idx.add.f32.msk $0xffff, v0  }
0x106: {  	[tilespmem:v1+s28+$0x0] =	vst.idx.add.f32.msk vm0, v2  }
0x107: {  	v0 =	vld [tilespmem:s8+$0xFFFFFFE0]  }
0x108: {  	v1 =	vld [tilespmem:s9+$0xFFFFFFE0];
	_ =	sdelay $0x6  }
0x109: {  	v2 =	vld.idx.msk [tilespmem:v0+s1+$0x0], $0xffff  }
0x10a: {  	v3 =	vld.idx.msk [tilespmem:v1+s22+$0x0], $0xffff  }
0x10b: {  	v34 =	vld.idx.msk [tilespmem:v0+s23+$0x0], $0xffff  }
0x10c: {  	v35 =	vld.idx.msk [tilespmem:v1+s24+$0x0], $0xffff;
	_ =	sdelay $0x2  }
0x10d: {  	v36 =	vld.idx.msk [tilespmem:v0+s25+$0x0], $0xffff;
	_ =	sdelay $0x1  }
0x10e: {  	v2 =	vmul.f32 v3, v2;
	v37 =	vmul.f32 v35, v34;
	_ =	sdelay $0x1  }
0x10f: {  	v2 =	vmax.f32 v2, v37  }
0x110: {  	v3 =	vmul.f32 v2, v36;
	_ =	sdelay $0x1  }
0x111: {  	[tilespmem:v1+s28+$0x0] =	vst.idx.add.f32.msk $0xffff, v3  }
0x112: {  	v0 =	vld.idx.msk [tilespmem:v0+s26+$0x0], $0xffff;
	_ =	sdelay $0x1  }
0x113: {  	v38 =	vadd.s32 $0x2800, v1  }
0x114: {  	v1 =	vadd.s32 $0x5000, v1;
	_ =	sdelay $0x1  }
0x115: {  	v0 =	vmul.f32 v0, v2;
	_ =	sdelay $0x1  }
0x116: {  	[tilespmem:v38+s28+$0x0] =	vst.idx.add.f32.msk $0xffff, v0  }
0x117: {  	[tilespmem:v1+s28+$0x0] =	vst.idx.add.f32.msk vm0, v2  }
0x118: {  	v0 =	vld [tilespmem:s8+$0xFFFFFFF0]  }
0x119: {  	v1 =	vld [tilespmem:s9+$0xFFFFFFF0];
	_ =	sdelay $0x6  }
0x11a: {  	v2 =	vld.idx.msk [tilespmem:v0+s1+$0x0], $0xffff  }
0x11b: {  	v3 =	vld.idx.msk [tilespmem:v1+s22+$0x0], $0xffff  }
0x11c: {  	v39 =	vld.idx.msk [tilespmem:v0+s23+$0x0], $0xffff  }
0x11d: {  	v40 =	vld.idx.msk [tilespmem:v1+s24+$0x0], $0xffff;
	_ =	sdelay $0x2  }
0x11e: {  	v41 =	vld.idx.msk [tilespmem:v0+s25+$0x0], $0xffff;
	_ =	sdelay $0x1  }
0x11f: {  	v2 =	vmul.f32 v3, v2;
	v42 =	vmul.f32 v40, v39;
	_ =	sdelay $0x1  }
0x120: {  	v2 =	vmax.f32 v2, v42  }
0x121: {  	v3 =	vmul.f32 v2, v41;
	_ =	sdelay $0x1  }
0x122: {  	[tilespmem:v1+s28+$0x0] =	vst.idx.add.f32.msk $0xffff, v3  }
0x123: {  	v0 =	vld.idx.msk [tilespmem:v0+s26+$0x0], $0xffff;
	_ =	sdelay $0x1  }
0x124: {  	v43 =	vadd.s32 $0x2800, v1  }
0x125: {  	v1 =	vadd.s32 $0x5000, v1;
	_ =	sdelay $0x1  }
0x126: {  	v0 =	vmul.f32 v0, v2;
	_ =	sdelay $0x1  }
0x127: {  	[tilespmem:v43+s28+$0x0] =	vst.idx.add.f32.msk $0xffff, v0  }
0x128: {  	[tilespmem:v1+s28+$0x0] =	vst.idx.add.f32.msk vm0, v2  }
0x129: {  	v0 =	vld [tilespmem:s8+$0x0]  }
0x12a: {  	v1 =	vld [tilespmem:s9+$0x0];
	_ =	sdelay $0x6  }
0x12b: {  	v2 =	vld.idx.msk [tilespmem:v0+s1+$0x0], $0xffff  }
0x12c: {  	v3 =	vld.idx.msk [tilespmem:v1+s22+$0x0], $0xffff  }
0x12d: {  	v44 =	vld.idx.msk [tilespmem:v0+s23+$0x0], $0xffff  }
0x12e: {  	v45 =	vld.idx.msk [tilespmem:v1+s24+$0x0], $0xffff;
	_ =	sdelay $0x2  }
0x12f: {  	v46 =	vld.idx.msk [tilespmem:v0+s25+$0x0], $0xffff;
	_ =	sdelay $0x1  }
0x130: {  	v2 =	vmul.f32 v3, v2;
	v47 =	vmul.f32 v45, v44;
	_ =	sdelay $0x1  }
0x131: {  	v2 =	vmax.f32 v2, v47  }
0x132: {  	v3 =	vmul.f32 v2, v46;
	_ =	sdelay $0x1  }
0x133: {  	[tilespmem:v1+s28+$0x0] =	vst.idx.add.f32.msk $0xffff, v3  }
0x134: {  	v0 =	vld.idx.msk [tilespmem:v0+s26+$0x0], $0xffff;
	_ =	sdelay $0x1  }
0x135: {  	v48 =	vadd.s32 $0x2800, v1  }
0x136: {  	v1 =	vadd.s32 $0x5000, v1;
	_ =	sdelay $0x1  }
0x137: {  	v0 =	vmul.f32 v0, v2;
	_ =	sdelay $0x1  }
0x138: {  	[tilespmem:v48+s28+$0x0] =	vst.idx.add.f32.msk $0xffff, v0  }
0x139: {  	[tilespmem:v1+s28+$0x0] =	vst.idx.add.f32.msk vm0, v2  }
0x13a: {  	v0 =	vld [tilespmem:s8+$0x10]  }
0x13b: {  	v1 =	vld [tilespmem:s9+$0x10];
	_ =	sdelay $0x6  }
0x13c: {  	v2 =	vld.idx.msk [tilespmem:v0+s1+$0x0], $0xffff  }
0x13d: {  	v3 =	vld.idx.msk [tilespmem:v1+s22+$0x0], $0xffff  }
0x13e: {  	v49 =	vld.idx.msk [tilespmem:v0+s23+$0x0], $0xffff  }
0x13f: {  	v50 =	vld.idx.msk [tilespmem:v1+s24+$0x0], $0xffff;
	_ =	sdelay $0x2  }
0x140: {  	v51 =	vld.idx.msk [tilespmem:v0+s25+$0x0], $0xffff;
	_ =	sdelay $0x1  }
0x141: {  	v2 =	vmul.f32 v3, v2;
	v52 =	vmul.f32 v50, v49;
	_ =	sdelay $0x1  }
0x142: {  	v2 =	vmax.f32 v2, v52  }
0x143: {  	v3 =	vmul.f32 v2, v51;
	_ =	sdelay $0x1  }
0x144: {  	[tilespmem:v1+s28+$0x0] =	vst.idx.add.f32.msk $0xffff, v3  }
0x145: {  	v0 =	vld.idx.msk [tilespmem:v0+s26+$0x0], $0xffff;
	_ =	sdelay $0x1  }
0x146: {  	v53 =	vadd.s32 $0x2800, v1  }
0x147: {  	v1 =	vadd.s32 $0x5000, v1;
	_ =	sdelay $0x1  }
0x148: {  	v0 =	vmul.f32 v0, v2;
	_ =	sdelay $0x1  }
0x149: {  	[tilespmem:v53+s28+$0x0] =	vst.idx.add.f32.msk $0xffff, v0  }
0x14a: {  	[tilespmem:v1+s28+$0x0] =	vst.idx.add.f32.msk vm0, v2  }
0x14b: {  	v0 =	vld [tilespmem:s8+$0x20]  }
0x14c: {  	v1 =	vld [tilespmem:s9+$0x20];
	_ =	sdelay $0x6  }
0x14d: {  	v2 =	vld.idx.msk [tilespmem:v0+s1+$0x0], $0xffff  }
0x14e: {  	v3 =	vld.idx.msk [tilespmem:v1+s22+$0x0], $0xffff  }
0x14f: {  	v54 =	vld.idx.msk [tilespmem:v0+s23+$0x0], $0xffff  }
0x150: {  	v55 =	vld.idx.msk [tilespmem:v1+s24+$0x0], $0xffff;
	_ =	sdelay $0x2  }
0x151: {  	v56 =	vld.idx.msk [tilespmem:v0+s25+$0x0], $0xffff;
	_ =	sdelay $0x1  }
0x152: {  	v2 =	vmul.f32 v3, v2;
	v57 =	vmul.f32 v55, v54;
	_ =	sdelay $0x1  }
0x153: {  	v2 =	vmax.f32 v2, v57  }
0x154: {  	v3 =	vmul.f32 v2, v56;
	_ =	sdelay $0x1  }
0x155: {  	[tilespmem:v1+s28+$0x0] =	vst.idx.add.f32.msk $0xffff, v3  }
0x156: {  	v0 =	vld.idx.msk [tilespmem:v0+s26+$0x0], $0xffff;
	_ =	sdelay $0x1  }
0x157: {  	v58 =	vadd.s32 $0x2800, v1  }
0x158: {  	v1 =	vadd.s32 $0x5000, v1;
	_ =	sdelay $0x1  }
0x159: {  	v0 =	vmul.f32 v0, v2;
	_ =	sdelay $0x1  }
0x15a: {  	[tilespmem:v58+s28+$0x0] =	vst.idx.add.f32.msk $0xffff, v0  }
0x15b: {  	[tilespmem:v1+s28+$0x0] =	vst.idx.add.f32.msk vm0, v2  }
0x15c: {  	v0 =	vld [tilespmem:s8+$0x30]  }
0x15d: {  	v1 =	vld [tilespmem:s9+$0x30];
	_ =	sdelay $0x6  }
0x15e: {  	v2 =	vld.idx.msk [tilespmem:v0+s1+$0x0], $0xffff  }
0x15f: {  	v3 =	vld.idx.msk [tilespmem:v1+s22+$0x0], $0xffff  }
0x160: {  	v59 =	vld.idx.msk [tilespmem:v0+s23+$0x0], $0xffff  }
0x161: {  	v60 =	vld.idx.msk [tilespmem:v1+s24+$0x0], $0xffff;
	_ =	sdelay $0x2  }
0x162: {  	v61 =	vld.idx.msk [tilespmem:v0+s25+$0x0], $0xffff;
	_ =	sdelay $0x1  }
0x163: {  	v2 =	vmul.f32 v3, v2;
	v62 =	vmul.f32 v60, v59;
	_ =	sdelay $0x1  }
0x164: {  	v2 =	vmax.f32 v2, v62  }
0x165: {  	v3 =	vmul.f32 v2, v61;
	_ =	sdelay $0x1  }
0x166: {  	[tilespmem:v1+s28+$0x0] =	vst.idx.add.f32.msk $0xffff, v3  }
0x167: {  	v0 =	vld.idx.msk [tilespmem:v0+s26+$0x0], $0xffff;
	_ =	sdelay $0x1  }
0x168: {  	s7 =	sadd.s32 $0x8, s7;
	v63 =	vadd.s32 $0x2800, v1  }
0x169: {  	p1 =	slt.u32 s7, $0x188;
	v1 =	vadd.s32 $0x5000, v1  }
.Ltmp1:
0x16a: {  	_ = 	snop;
	(pc) =	sbr.rel @p1 .LBB2_5-.Ltmp1, $3  }
0x16b: {  	v0 =	vmul.f32 v0, v2;
	_ =	sdelay $0x1  }
0x16c: {  	[tilespmem:v63+s28+$0x0] =	vst.idx.add.f32.msk $0xffff, v0  }
0x16d: {  	s8 =	sadd.s32 $0x80, s8;
	s9 =	sadd.s32 $0x80, s9;
	[tilespmem:v1+s28+$0x0] =	vst.idx.add.f32.msk vm0, v2  }
0x16e: {  	s6 =	sadd.s32 $0x1, s6  }
0x16f: {  	p1 =	sne.s32 s6, $0xD  }
.Ltmp2:
0x170: {  	_ = 	snop;
	(pc) =	sbr.rel @p1 .LBB2_2-.Ltmp2, $1  }
0x171: {  	_ =	sdelay $0x3  }
0x172: {  	[hbm4b:s15+s19] =	stream.strided.scatter [tilespmem:s28], [sflag:$0x3], $0x2800, s20, s19, $0x38;
	[tilespmem:$0x1CC00] =	vst v63  }
0x173: {  	_ =	swait.ge [sflag:s21], $0x2800  }
0x174: {  	[sflag:s21] =	ssyncset.done $0x0  }
0x175: {  	[sflag:s21] =	ssyncadd.s32 $0xFFFFD800  }
0x176: {  	[hbm4b:s16+s19] =	stream.strided.scatter [tilespmem:s29], [sflag:$0x3], $0x2800, s20, s19, $0x38;
	[tilespmem:$0x1CC00] =	vst v63  }
0x177: {  	s6 =	simm.s32 @!p0 $0x80;
	_ =	swait.ge [sflag:s21], $0x2800  }
0x178: {  	s7 =	simm.s32 @!p0 $0x400;
	s5 =	sadd.s32 $0x1, s5;
	[sflag:s21] =	ssyncset.done $0x0  }
0x179: {  	s8 =	simm.s32 @!p0 $0x1A400;
	p1 =	sne.s32 s5, s18;
	[sflag:s21] =	ssyncadd.s32 $0xFFFFD800  }
0x17a: {  	[hbm4b:s17+s6] =	stream.strided.scatter @!p0 [tilespmem:s8], [sflag:$0x3], $0x2800, s7, s6, $0x38;
	[tilespmem:$0x1CC00] =	vst v63  }
.Ltmp3:
0x17b: {  	_ = 	snop;
	(pc) =	sbr.rel @p1 .LBB2_1-.Ltmp3, $4  }
0x17c: {  	s6 =	simm.s32 @!p0 $0x3  }
0x17d: {  	_ =	swait.ge @!p0 [sflag:s6], $0x2800  }
0x17e: {  	[sflag:s6] =	ssyncset.done @!p0 $0x0  }
0x17f: {  	[sflag:s6] =	ssyncadd.s32 @!p0 $0xFFFFD800  }
0x180: {  	_ =	sfence.sel $0x180000  }
0x181: {  	[bflag:$0x0] =	sbarrier.arrive $0xFFFF  }
0x182: {  	_ =	strace $0x90000047  }
0x183: {  	[bflag:$0x2] =	sbarrier.arrive $0xFFFF  }
0x184: {  	s0 =	rddreg [dreg:$0x1]  }
0x185: {  	s0 =	sadd.s32 @!p0 $0x100000, s0  }
0x186: {  	[sflag:s0] =	ssyncadd.tile.s32 @!p0 $0x1;
	_ =	shalt  }
.Lfunc_end2:
_tile_overlayer_lowered:
.L_overlay_start_2:
0x187: {  	(tag) =	ssettag $0x2  }
0x188: {  	s0 =	rddreg [dreg:$0x0];
	s2 =	stileid.u32  }
0x189: {  	s1 =	rddreg [dreg:$0x1];
	p0 =	sne.s32 s2, $0x0  }
0x18a: {  	s3 =	rddreg [dreg:$0x2];
	[bflag:$0x3] =	sbarrier.arrive $0xFFFF;
	s2 =	simm.s32 @!p0 $0x1C03  }
0x18b: {  	[timem:s3], [sflag:s2] =	dma.local @!p0 [hbm:s0], s1  }
0x18c: {  	s0 =	simm.s32 @!p0 $0x3  }
0x18d: {  	_ =	swait.ge @!p0 [sflag:s0], s1  }
0x18e: {  	s1 =	ssub.s32 @!p0 $0x0, s1;
	[sflag:s0] =	ssyncset.done @!p0 $0x0  }
0x18f: {  	[sflag:s0] =	ssyncadd.s32 @!p0 s1  }
0x190: {  	[bflag:$0x3] =	sbarrier.arrive $0xFFFF  }
0x191: {  	_ =	shalt  }

</sc_bundles>
